<compile_context>
chip_gen: v7x
topology: tpu7x:2x2x1
jax: 0.10.2.dev20260603
libtpu: 0.0.44.dev20260713+nightly
codegen_flags: <defaults>
</compile_context>

<pallas_src>
import functools

import jax
import jax.numpy as jnp
from jax import lax
from jax.experimental import pallas as pl
from jax.experimental.pallas import tpu as pltpu
from jax.experimental.pallas import tpu_sc as plsc

L1 = 512
L2 = 16
L3 = 32
NUM_PSQT = 8
NUM_LS = 8
D = L1 + NUM_PSQT
DT = 544
DP = DT
KA = 32
NC = 2
NS = 16
NW = NC * NS


def _embedding_bag_sc(table16, idx):
    nbags = idx.shape[0]
    bags_per_w = nbags // NW
    mesh = plsc.VectorSubcoreMesh(
        core_axis_name="c", subcore_axis_name="s",
        num_cores=NC, num_subcores=NS)

    nbuf = 4
    nchunk = DT // 32

    @functools.partial(
        pl.kernel,
        out_type=jax.ShapeDtypeStruct((nbags, DP), jnp.float32),
        mesh=mesh,
        compiler_params=pltpu.CompilerParams(use_tc_tiling_on_sc=False,
                                             needs_layout_passes=False),
        scratch_types=[
            pltpu.VMEM((bags_per_w, KA), jnp.int32),
            [pltpu.VMEM((KA, DT // 2), jnp.int32) for _ in range(nbuf)],
            [pltpu.VMEM((DP,), jnp.float32) for _ in range(2)],
            [pltpu.SemaphoreType.DMA for _ in range(nbuf)],
            [pltpu.SemaphoreType.DMA for _ in range(2)],
        ],
    )
    def k(table_hbm, idx_hbm, out_hbm, idx_v, bufs, stages, sems, osems):
        wid = lax.axis_index("s") * NC + lax.axis_index("c")
        base = wid * bags_per_w
        pltpu.sync_copy(idx_hbm.at[pl.ds(base, bags_per_w)], idx_v)

        zero16 = jnp.zeros((16,), jnp.float32)

        for b in range(nbuf - 1):
            pltpu.async_copy(table_hbm.at[idx_v.at[b]],
                             bufs[b], sems[b])

        def group_body(p, carry):
            for b in range(nbuf):
                g = p * nbuf + b
                par = b % 2
                stage, osem = stages[par], osems[par]
                gn = g + nbuf - 1
                nb = (b + nbuf - 1) % nbuf

                @pl.when(gn < bags_per_w)
                def _issue():
                    pltpu.async_copy(table_hbm.at[idx_v.at[gn]],
                                     bufs[nb], sems[nb])

                pltpu.make_async_copy(
                    table_hbm.at[idx_v.at[g]], bufs[b], sems[b]).wait()

                @pl.when(g >= 2)
                def _wait_out():
                    pltpu.make_async_copy(
                        stage, out_hbm.at[base], osem).wait()

                def row_body(j, accs):
                    new = []
                    for c in range(nchunk):
                        v = bufs[b][j, pl.ds(c * 16, 16)]
                        lo = plsc.bitcast(v << 16, jnp.float32)
                        hi = plsc.bitcast(v & jnp.int32(-65536), jnp.float32)
                        new.append(accs[2 * c] + lo)
                        new.append(accs[2 * c + 1] + hi)
                    return tuple(new)

                accs = lax.fori_loop(0, KA, row_body,
                                     tuple(zero16 for _ in range(2 * nchunk)))
                for c in range(nchunk):
                    stage[pl.ds(16 * c, 16)] = accs[2 * c]
                    stage[pl.ds(DT // 2 + 16 * c, 16)] = accs[2 * c + 1]
                pltpu.async_copy(stage, out_hbm.at[base + g], osem)
            return carry

        lax.fori_loop(0, bags_per_w // nbuf, group_body, 0)
        for par in range(2):
            pltpu.make_async_copy(stages[par], out_hbm.at[base],
                                  osems[par]).wait()

    return k(table16, idx)


def _dense_tc(bags, us, pidx, lsidx, fb_main, w1t, b1r, w2t, b2r, w3t, b3r):
    batch = us.shape[0]
    blk = 512
    nblk = batch // blk
    scale = 127.0 / 128.0

    def body(wp_ref, bp_ref, us_ref, pidx_ref, ls_ref, fb_ref,
             w1_ref, b1_ref, w2_ref, b2_ref, w3_ref, b3_ref, out_ref):
        wp = wp_ref[...]
        bp = bp_ref[...]
        usv = us_ref[...]
        fb = fb_ref[...]
        w = jnp.clip(wp[:, :L1] + fb, 0.0, 1.0)
        b = jnp.clip(bp[:, :L1] + fb, 0.0, 1.0)
        half = L1 // 2
        w_pw = w[:, :half] * w[:, half:L1]
        b_pw = b[:, :half] * b[:, half:L1]
        usb = usv > 0.5
        l0 = jnp.concatenate(
            [jnp.where(usb, w_pw, b_pw), jnp.where(usb, b_pw, w_pw)],
            axis=1) * scale

        pidxv = pidx_ref[...]
        poh = (pidxv == lax.broadcasted_iota(jnp.int32, (blk, NUM_PSQT), 1)
               ).astype(jnp.float32)
        dps = wp[:, L1:D] - bp[:, L1:D]
        psqt = jnp.sum(dps * poh, axis=1, keepdims=True) * (usv - 0.5)

        lsv = ls_ref[...]
        l1x_all = jnp.dot(l0, w1_ref[...],
                          preferred_element_type=jnp.float32) + b1_ref[...]
        nsel = L2 + 1
        sel1 = jnp.zeros((blk, nsel), jnp.float32)
        for kk in range(NUM_LS):
            sel1 = sel1 + jnp.where(lsv == kk,
                                    l1x_all[:, kk * nsel:(kk + 1) * nsel], 0.0)
        l1x_ = sel1[:, :L2]
        l1x_out = sel1[:, L2:L2 + 1]
        l1c = jnp.clip(l1x_, 0.0, 1.0)
        l1cat = jnp.concatenate([l1c * l1c, l1c], axis=1) * scale

        l2x_all = jnp.dot(l1cat, w2_ref[...],
                          preferred_element_type=jnp.float32) + b2_ref[...]
        sel2 = jnp.zeros((blk, L3), jnp.float32)
        for kk in range(NUM_LS):
            sel2 = sel2 + jnp.where(lsv == kk,
                                    l2x_all[:, kk * L3:(kk + 1) * L3], 0.0)
        l2x = jnp.clip(sel2, 0.0, 1.0)

        l3_all = jnp.dot(l2x, w3_ref[...],
                         preferred_element_type=jnp.float32) + b3_ref[...]
        lsoh = (lsv == lax.broadcasted_iota(jnp.int32, (blk, NUM_LS), 1)
                ).astype(jnp.float32)
        l3sel = jnp.sum(l3_all * lsoh, axis=1, keepdims=True)
        out_ref[...] = l3sel + l1x_out + psqt

    full = lambda i: (0, 0)
    return pl.pallas_call(
        body,
        grid=(nblk,),
        in_specs=[
            pl.BlockSpec((blk, DP), lambda i: (i, 0)),
            pl.BlockSpec((blk, DP), lambda i: (i + nblk, 0)),
            pl.BlockSpec((blk, 1), lambda i: (i, 0)),
            pl.BlockSpec((blk, 1), lambda i: (i, 0)),
            pl.BlockSpec((blk, 1), lambda i: (i, 0)),
            pl.BlockSpec((1, L1), full),
            pl.BlockSpec((L1, NUM_LS * (L2 + 1)), full),
            pl.BlockSpec((1, NUM_LS * (L2 + 1)), full),
            pl.BlockSpec((2 * L2, NUM_LS * L3), full),
            pl.BlockSpec((1, NUM_LS * L3), full),
            pl.BlockSpec((L3, NUM_LS), full),
            pl.BlockSpec((1, NUM_LS), full),
        ],
        out_specs=pl.BlockSpec((blk, 1), lambda i: (i, 0)),
        out_shape=jax.ShapeDtypeStruct((batch, 1), jnp.float32),
    )(bags, bags, us, pidx, lsidx, fb_main, w1t, b1r, w2t, b2r, w3t, b3r)


def kernel(us, white_indices, black_indices, psqt_indices,
           layer_stack_indices, feat_W, feat_b, W1, b1, W2, b2, W3, b3):
    idx = jnp.concatenate([white_indices, black_indices], axis=0)
    idx = idx.astype(jnp.int32)
    half = DT // 2
    xb = jax.lax.optimization_barrier(feat_W.astype(jnp.bfloat16))
    lo = jax.lax.bitcast_convert_type(xb[:, :half], jnp.uint16)
    hi = jax.lax.bitcast_convert_type(xb[:, half:], jnp.uint16)
    lo32 = lo.astype(jnp.uint32)
    hi32 = jnp.pad(hi.astype(jnp.uint32), ((0, 0), (0, DT - D)))
    tblp = jax.lax.bitcast_convert_type(lo32 | (hi32 << 16), jnp.int32)
    bags = _embedding_bag_sc(tblp, idx)

    fb_main = feat_b[:L1].reshape(1, L1)
    w1t = W1.reshape(NUM_LS * (L2 + 1), L1).T
    b1r = b1.reshape(1, NUM_LS * (L2 + 1))
    w2t = W2.reshape(NUM_LS * L3, 2 * L2).T
    b2r = b2.reshape(1, NUM_LS * L3)
    w3t = W3.reshape(NUM_LS, L3).T
    b3r = b3.reshape(1, NUM_LS)
    pidx = psqt_indices.reshape(-1, 1).astype(jnp.int32)
    lsidx = layer_stack_indices.reshape(-1, 1).astype(jnp.int32)
    return _dense_tc(bags, us.astype(jnp.float32), pidx, lsidx,
                     fb_main, w1t, b1r, w2t, b2r, w3t, b3r)

# --- scband reference (transcript-rebuilt; emitter-appended) ---
"""Pipeline reference for scband-nnuemodel-28802050687810 (READ-ONLY COPY).

The authoritative reference and input builder live on the scoring server;
editing this copy changes nothing except your own understanding.
"""

import jax, jax.numpy as jnp
import numpy as np

L1 = 512
L2 = 16
L3 = 32
NUM_FEATURES = 45056
NUM_PSQT = 8
NUM_LS = 8
BATCH = 4096
MAX_ACTIVE = 32


def setup_inputs(seed: int = 0):
    key = jax.random.key(seed)
    ks = jax.random.split(key, 12)
    D = L1 + NUM_PSQT
    inp = {}
    inp["us"] = jax.random.randint(ks[0], (BATCH, 1), 0, 2).astype(jnp.float32)
    inp["white_indices"] = jax.random.randint(ks[1], (BATCH, MAX_ACTIVE), 0, NUM_FEATURES)
    inp["black_indices"] = jax.random.randint(ks[2], (BATCH, MAX_ACTIVE), 0, NUM_FEATURES)
    inp["psqt_indices"] = jax.random.randint(ks[3], (BATCH,), 0, NUM_PSQT)
    inp["layer_stack_indices"] = jax.random.randint(ks[4], (BATCH,), 0, NUM_LS)
    inp["feat_W"] = jax.random.normal(ks[5], (NUM_FEATURES, D), dtype=jnp.float32) * 0.01
    inp["feat_b"] = jnp.zeros((D,), dtype=jnp.float32)
    inp["W1"] = jax.random.normal(ks[6], (NUM_LS, L2 + 1, L1), dtype=jnp.float32) * 0.05
    inp["b1"] = jnp.zeros((NUM_LS, L2 + 1), dtype=jnp.float32)
    inp["W2"] = jax.random.normal(ks[7], (NUM_LS, L3, 2 * L2), dtype=jnp.float32) * 0.05
    inp["b2"] = jnp.zeros((NUM_LS, L3), dtype=jnp.float32)
    inp["W3"] = jax.random.normal(ks[8], (NUM_LS, 1, L3), dtype=jnp.float32) * 0.05
    inp["b3"] = jnp.zeros((NUM_LS, 1), dtype=jnp.float32)
    return inp


def reference(us, white_indices, black_indices, psqt_indices, layer_stack_indices, feat_W, feat_b, W1, b1, W2, b2, W3, b3):
    # sparse feature transformer: embedding-bag sum over active feature indices
    wp = jnp.take(feat_W, white_indices, axis=0).sum(axis=1) + feat_b
    bp = jnp.take(feat_W, black_indices, axis=0).sum(axis=1) + feat_b
    w, wpsqt = wp[:, :L1], wp[:, L1:]
    b, bpsqt = bp[:, :L1], bp[:, L1:]
    chunk = L1 // 2
    us_bool = us > 0.5
    w_c = jnp.clip(w, 0.0, 1.0).reshape(-1, 2, chunk)
    b_c = jnp.clip(b, 0.0, 1.0).reshape(-1, 2, chunk)
    w_pw = w_c[:, 0, :] * w_c[:, 1, :]
    b_pw = b_c[:, 0, :] * b_c[:, 1, :]
    l0 = jnp.concatenate([jnp.where(us_bool, w_pw, b_pw), jnp.where(us_bool, b_pw, w_pw)], axis=1) * (127.0 / 128.0)
    pidx = psqt_indices[:, None]
    psqt = (jnp.take_along_axis(wpsqt, pidx, axis=1) - jnp.take_along_axis(bpsqt, pidx, axis=1)) * (us - 0.5)
    # bucketed layer stacks, selected per-sample by layer_stack_indices
    l1x = jnp.einsum('bij,bj->bi', W1[layer_stack_indices], l0) + b1[layer_stack_indices]
    l1x_, l1x_out = l1x[:, :L2], l1x[:, L2:]
    l1c = jnp.clip(l1x_, 0.0, 1.0)
    l1cat = jnp.concatenate([l1c * l1c, l1c], axis=1) * (127.0 / 128.0)
    l2x = jnp.clip(jnp.einsum('bij,bj->bi', W2[layer_stack_indices], l1cat) + b2[layer_stack_indices], 0.0, 1.0)
    l3x = jnp.einsum('bij,bj->bi', W3[layer_stack_indices], l2x) + b3[layer_stack_indices] + l1x_out
    return l3x + psqt

if __name__ == "__main__":
    import jax
    _d = setup_inputs()
    print(jax.jit(kernel)(*tuple(_d.values())))

</pallas_src>

<mosaic_0001>
#map = affine_map<(d0, d1) -> (0, 0)>
module attributes {stable_mosaic.version = 14 : i64} {
  func.func @k(%arg0: i32, %arg1: i32, %arg2: memref<45056x272xi32, #tpu.memory_space<hbm>>, %arg3: memref<8192x32xi32, #tpu.memory_space<hbm>>, %arg4: memref<8192x544xf32, #tpu.memory_space<hbm>>, %arg5: memref<256x32xi32, #tpu.memory_space<vmem>>, %arg6: memref<32x272xi32, #tpu.memory_space<vmem>>, %arg7: memref<32x272xi32, #tpu.memory_space<vmem>>, %arg8: memref<32x272xi32, #tpu.memory_space<vmem>>, %arg9: memref<32x272xi32, #tpu.memory_space<vmem>>, %arg10: memref<544xf32, #tpu.memory_space<vmem>>, %arg11: memref<544xf32, #tpu.memory_space<vmem>>, %arg12: memref<!tpu.dma_semaphore, #tpu.memory_space<semaphore_mem>>, %arg13: memref<!tpu.dma_semaphore, #tpu.memory_space<semaphore_mem>>, %arg14: memref<!tpu.dma_semaphore, #tpu.memory_space<semaphore_mem>>, %arg15: memref<!tpu.dma_semaphore, #tpu.memory_space<semaphore_mem>>, %arg16: memref<!tpu.dma_semaphore, #tpu.memory_space<semaphore_mem>>, %arg17: memref<!tpu.dma_semaphore, #tpu.memory_space<semaphore_mem>>) attributes {dimension_semantics = [#tpu.dimension_semantics<core_parallel>, #tpu.dimension_semantics<subcore_parallel>], iteration_bounds = array<i64: 2, 16>, scalar_prefetch = 0 : i64, scratch_operands = 13 : i64, tpu.core_type = #tpu.core_type<sc_vector_subcore>, window_params = [{transform_indices = #map}, {transform_indices = #map}, {transform_indices = #map}]} {
    %mul3A = arith.constant 2 : i32
    %mul3A_0 = arith.muli %arg1, %mul3A : i32
    %add3A = arith.addi %mul3A_0, %arg0 : i32
    %mul3A_1 = arith.constant 256 : i32
    %mul3A_2 = arith.muli %add3A, %mul3A_1 : i32
    "tpu.region"() ({
      %run_scoped3A = tpu.sem_alloc : memref<!tpu.dma_semaphore, #tpu.memory_space<semaphore_mem>>
      %dma_start3A_40 = arith.constant 0 : i32
      %dma_start3A_41 = tpu.memref_slice %arg3[%mul3A_2, %dma_start3A_40] : memref<8192x32xi32, #tpu.memory_space<hbm>> -> memref<256x32xi32, #tpu.memory_space<hbm>>
      %dma_start3A_42 = arith.constant 0 : i32
      %dma_start3A_43 = tpu.memref_slice %arg3[%mul3A_2, %dma_start3A_42] : memref<8192x32xi32, #tpu.memory_space<hbm>> -> memref<256x32xi32, #tpu.memory_space<hbm>>
      tpu.enqueue_dma source(%dma_start3A_43 : memref<256x32xi32, #tpu.memory_space<hbm>>) target(%arg5 : memref<256x32xi32, #tpu.memory_space<vmem>>) target_semaphore(%run_scoped3A : memref<!tpu.dma_semaphore, #tpu.memory_space<semaphore_mem>>)
      %dma_wait3A_44 = arith.constant 0 : i32
      %dma_wait3A_45 = tpu.memref_slice %arg3[%mul3A_2, %dma_wait3A_44] : memref<8192x32xi32, #tpu.memory_space<hbm>> -> memref<256x32xi32, #tpu.memory_space<hbm>>
      %dma_wait3A_46 = arith.constant 0 : i32
      %dma_wait3A_47 = tpu.memref_slice %arg3[%mul3A_2, %dma_wait3A_46] : memref<8192x32xi32, #tpu.memory_space<hbm>> -> memref<256x32xi32, #tpu.memory_space<hbm>>
      tpu.wait_dma2 semaphore(%run_scoped3A : memref<!tpu.dma_semaphore, #tpu.memory_space<semaphore_mem>>) src(%dma_wait3A_47 : memref<256x32xi32, #tpu.memory_space<hbm>>) dst(%arg5 : memref<256x32xi32, #tpu.memory_space<vmem>>)
      tpu.yield
    }) : () -> ()
    %broadcast_in_dim3A = arith.constant 0.000000e+00 : f32
    %broadcast_in_dim3A_3 = vector.broadcast %broadcast_in_dim3A : f32 to vector<16xf32>
    %dma_start3A = arith.constant 0 : i32
    %dma_start3A_4 = arith.constant 0 : i32
    %dma_start3A_5 = tpu.memref_slice %arg5[%dma_start3A, %dma_start3A_4] : memref<256x32xi32, #tpu.memory_space<vmem>> -> memref<1x32xi32, #tpu.memory_space<vmem>>
    %dma_start3A_6 = tpu.memref_squeeze %dma_start3A_5 : memref<1x32xi32, #tpu.memory_space<vmem>> -> memref<32xi32, #tpu.memory_space<vmem>>
    %dma_start3A_7 = arith.constant 0 : i32
    %dma_start3A_8 = arith.constant 0 : i32
    %dma_start3A_9 = tpu.memref_slice %arg2[%dma_start3A_7, %dma_start3A_8] : memref<45056x272xi32, #tpu.memory_space<hbm>> -> memref<45056x272xi32, #tpu.memory_space<hbm>>
    tpu.enqueue_indirect_dma source(%dma_start3A_9 : memref<45056x272xi32, #tpu.memory_space<hbm>>) target(%arg6 : memref<32x272xi32, #tpu.memory_space<vmem>>) offsets(%dma_start3A_6 : memref<32xi32, #tpu.memory_space<vmem>>) semaphore(%arg12 : memref<!tpu.dma_semaphore, #tpu.memory_space<semaphore_mem>>)
    %dma_start3A_10 = arith.constant 1 : i32
    %dma_start3A_11 = arith.constant 0 : i32
    %dma_start3A_12 = tpu.memref_slice %arg5[%dma_start3A_10, %dma_start3A_11] : memref<256x32xi32, #tpu.memory_space<vmem>> -> memref<1x32xi32, #tpu.memory_space<vmem>>
    %dma_start3A_13 = tpu.memref_squeeze %dma_start3A_12 : memref<1x32xi32, #tpu.memory_space<vmem>> -> memref<32xi32, #tpu.memory_space<vmem>>
    %dma_start3A_14 = arith.constant 0 : i32
    %dma_start3A_15 = arith.constant 0 : i32
    %dma_start3A_16 = tpu.memref_slice %arg2[%dma_start3A_14, %dma_start3A_15] : memref<45056x272xi32, #tpu.memory_space<hbm>> -> memref<45056x272xi32, #tpu.memory_space<hbm>>
    tpu.enqueue_indirect_dma source(%dma_start3A_16 : memref<45056x272xi32, #tpu.memory_space<hbm>>) target(%arg7 : memref<32x272xi32, #tpu.memory_space<vmem>>) offsets(%dma_start3A_13 : memref<32xi32, #tpu.memory_space<vmem>>) semaphore(%arg13 : memref<!tpu.dma_semaphore, #tpu.memory_space<semaphore_mem>>)
    %dma_start3A_17 = arith.constant 2 : i32
    %dma_start3A_18 = arith.constant 0 : i32
    %dma_start3A_19 = tpu.memref_slice %arg5[%dma_start3A_17, %dma_start3A_18] : memref<256x32xi32, #tpu.memory_space<vmem>> -> memref<1x32xi32, #tpu.memory_space<vmem>>
    %dma_start3A_20 = tpu.memref_squeeze %dma_start3A_19 : memref<1x32xi32, #tpu.memory_space<vmem>> -> memref<32xi32, #tpu.memory_space<vmem>>
    %dma_start3A_21 = arith.constant 0 : i32
    %dma_start3A_22 = arith.constant 0 : i32
    %dma_start3A_23 = tpu.memref_slice %arg2[%dma_start3A_21, %dma_start3A_22] : memref<45056x272xi32, #tpu.memory_space<hbm>> -> memref<45056x272xi32, #tpu.memory_space<hbm>>
    tpu.enqueue_indirect_dma source(%dma_start3A_23 : memref<45056x272xi32, #tpu.memory_space<hbm>>) target(%arg8 : memref<32x272xi32, #tpu.memory_space<vmem>>) offsets(%dma_start3A_20 : memref<32xi32, #tpu.memory_space<vmem>>) semaphore(%arg14 : memref<!tpu.dma_semaphore, #tpu.memory_space<semaphore_mem>>)
    %scan3A = arith.constant 0 : i32
    %scan3A_24 = arith.constant 0 : i32
    %scan3A_25 = arith.constant 64 : i32
    %scan3A_26 = arith.addi %scan3A_24, %scan3A_25 : i32
    %scan3A_27 = arith.constant 1 : i32
    scf.for %scan3A_40 = %scan3A_24 to %scan3A_26 step %scan3A_27  : i32 {
      %mul3A_41 = arith.constant 4 : i32
      %mul3A_42 = arith.muli %scan3A_40, %mul3A_41 : i32
      %add3A_43 = arith.constant 0 : i32
      %add3A_44 = arith.addi %mul3A_42, %add3A_43 : i32
      %add3A_45 = arith.constant 4 : i32
      %add3A_46 = arith.addi %add3A_44, %add3A_45 : i32
      %sub3A = arith.constant 1 : i32
      %sub3A_47 = arith.subi %add3A_46, %sub3A : i32
      %lt3A = arith.constant 256 : i32
      %lt3A_48 = arith.cmpi slt, %sub3A_47, %lt3A : i32
      %convert_element_type3A = arith.extui %lt3A_48 : i1 to i32
      %cond3A = arith.constant 0 : i32
      %cond3A_49 = arith.cmpi ne, %convert_element_type3A, %cond3A : i32
      scf.if %cond3A_49 {
        %dma_start3A_455 = arith.constant 0 : i32
        %dma_start3A_456 = tpu.memref_slice %arg5[%sub3A_47, %dma_start3A_455] : memref<256x32xi32, #tpu.memory_space<vmem>> -> memref<1x32xi32, #tpu.memory_space<vmem>>
        %dma_start3A_457 = tpu.memref_squeeze %dma_start3A_456 : memref<1x32xi32, #tpu.memory_space<vmem>> -> memref<32xi32, #tpu.memory_space<vmem>>
        %dma_start3A_458 = arith.constant 0 : i32
        %dma_start3A_459 = arith.constant 0 : i32
        %dma_start3A_460 = tpu.memref_slice %arg2[%dma_start3A_458, %dma_start3A_459] : memref<45056x272xi32, #tpu.memory_space<hbm>> -> memref<45056x272xi32, #tpu.memory_space<hbm>>
        tpu.enqueue_indirect_dma source(%dma_start3A_460 : memref<45056x272xi32, #tpu.memory_space<hbm>>) target(%arg9 : memref<32x272xi32, #tpu.memory_space<vmem>>) offsets(%dma_start3A_457 : memref<32xi32, #tpu.memory_space<vmem>>) semaphore(%arg15 : memref<!tpu.dma_semaphore, #tpu.memory_space<semaphore_mem>>)
      } else {
      }
      %dma_wait3A_50 = arith.constant 0 : i32
      %dma_wait3A_51 = tpu.memref_slice %arg5[%add3A_44, %dma_wait3A_50] : memref<256x32xi32, #tpu.memory_space<vmem>> -> memref<1x32xi32, #tpu.memory_space<vmem>>
      %dma_wait3A_52 = tpu.memref_squeeze %dma_wait3A_51 : memref<1x32xi32, #tpu.memory_space<vmem>> -> memref<32xi32, #tpu.memory_space<vmem>>
      %dma_wait3A_53 = arith.constant 0 : i32
      %dma_wait3A_54 = arith.constant 0 : i32
      %dma_wait3A_55 = tpu.memref_slice %arg2[%dma_wait3A_53, %dma_wait3A_54] : memref<45056x272xi32, #tpu.memory_space<hbm>> -> memref<45056x272xi32, #tpu.memory_space<hbm>>
      tpu.wait_indirect_dma semaphore(%arg12 : memref<!tpu.dma_semaphore, #tpu.memory_space<semaphore_mem>>) src(%dma_wait3A_55 : memref<45056x272xi32, #tpu.memory_space<hbm>>) dst(%arg6 : memref<32x272xi32, #tpu.memory_space<vmem>>)
      %ge3A = arith.constant 2 : i32
      %ge3A_56 = arith.cmpi sge, %add3A_44, %ge3A : i32
      %convert_element_type3A_57 = arith.extui %ge3A_56 : i1 to i32
      %cond3A_58 = arith.constant 0 : i32
      %cond3A_59 = arith.cmpi ne, %convert_element_type3A_57, %cond3A_58 : i32
      scf.if %cond3A_59 {
        %dma_wait3A_455 = arith.constant 0 : i32
        %dma_wait3A_456 = tpu.memref_slice %arg4[%mul3A_2, %dma_wait3A_455] : memref<8192x544xf32, #tpu.memory_space<hbm>> -> memref<1x544xf32, #tpu.memory_space<hbm>>
        %dma_wait3A_457 = tpu.memref_squeeze %dma_wait3A_456 : memref<1x544xf32, #tpu.memory_space<hbm>> -> memref<544xf32, #tpu.memory_space<hbm>>
        %dma_wait3A_458 = arith.constant 0 : i32
        %dma_wait3A_459 = tpu.memref_slice %arg4[%mul3A_2, %dma_wait3A_458] : memref<8192x544xf32, #tpu.memory_space<hbm>> -> memref<1x544xf32, #tpu.memory_space<hbm>>
        %dma_wait3A_460 = tpu.memref_squeeze %dma_wait3A_459 : memref<1x544xf32, #tpu.memory_space<hbm>> -> memref<544xf32, #tpu.memory_space<hbm>>
        tpu.wait_dma2 semaphore(%arg16 : memref<!tpu.dma_semaphore, #tpu.memory_space<semaphore_mem>>) src(%arg10 : memref<544xf32, #tpu.memory_space<vmem>>) dst(%dma_wait3A_460 : memref<544xf32, #tpu.memory_space<hbm>>)
      } else {
      }
      %scan3A_60 = arith.constant 0 : i32
      %scan3A_61 = arith.constant 32 : i32
      %scan3A_62 = arith.addi %scan3A_60, %scan3A_61 : i32
      %scan3A_63 = arith.constant 1 : i32
      %scan3A_64:34 = scf.for %scan3A_455 = %scan3A_60 to %scan3A_62 step %scan3A_63 iter_args(%scan3A_456 = %broadcast_in_dim3A_3, %scan3A_457 = %broadcast_in_dim3A_3, %scan3A_458 = %broadcast_in_dim3A_3, %scan3A_459 = %broadcast_in_dim3A_3, %scan3A_460 = %broadcast_in_dim3A_3, %scan3A_461 = %broadcast_in_dim3A_3, %scan3A_462 = %broadcast_in_dim3A_3, %scan3A_463 = %broadcast_in_dim3A_3, %scan3A_464 = %broadcast_in_dim3A_3, %scan3A_465 = %broadcast_in_dim3A_3, %scan3A_466 = %broadcast_in_dim3A_3, %scan3A_467 = %broadcast_in_dim3A_3, %scan3A_468 = %broadcast_in_dim3A_3, %scan3A_469 = %broadcast_in_dim3A_3, %scan3A_470 = %broadcast_in_dim3A_3, %scan3A_471 = %broadcast_in_dim3A_3, %scan3A_472 = %broadcast_in_dim3A_3, %scan3A_473 = %broadcast_in_dim3A_3, %scan3A_474 = %broadcast_in_dim3A_3, %scan3A_475 = %broadcast_in_dim3A_3, %scan3A_476 = %broadcast_in_dim3A_3, %scan3A_477 = %broadcast_in_dim3A_3, %scan3A_478 = %broadcast_in_dim3A_3, %scan3A_479 = %broadcast_in_dim3A_3, %scan3A_480 = %broadcast_in_dim3A_3, %scan3A_481 = %broadcast_in_dim3A_3, %scan3A_482 = %broadcast_in_dim3A_3, %scan3A_483 = %broadcast_in_dim3A_3, %scan3A_484 = %broadcast_in_dim3A_3, %scan3A_485 = %broadcast_in_dim3A_3, %scan3A_486 = %broadcast_in_dim3A_3, %scan3A_487 = %broadcast_in_dim3A_3, %scan3A_488 = %broadcast_in_dim3A_3, %scan3A_489 = %broadcast_in_dim3A_3) -> (vector<16xf32>, vector<16xf32>, vector<16xf32>, vector<16xf32>, vector<16xf32>, vector<16xf32>, vector<16xf32>, vector<16xf32>, vector<16xf32>, vector<16xf32>, vector<16xf32>, vector<16xf32>, vector<16xf32>, vector<16xf32>, vector<16xf32>, vector<16xf32>, vector<16xf32>, vector<16xf32>, vector<16xf32>, vector<16xf32>, vector<16xf32>, vector<16xf32>, vector<16xf32>, vector<16xf32>, vector<16xf32>, vector<16xf32>, vector<16xf32>, vector<16xf32>, vector<16xf32>, vector<16xf32>, vector<16xf32>, vector<16xf32>, vector<16xf32>, vector<16xf32>)  : i32 {
        %get3A = arith.index_cast %scan3A_455 : i32 to index
        %get3A_490 = arith.constant 0 : index
        %get3A_491 = tpu.vector_load %arg6[%get3A, %get3A_490] {strides = array<i32>} : memref<32x272xi32, #tpu.memory_space<vmem>>, vector<16xi32>,
        %shift_left3A = arith.constant 16 : i32
        %shift_left3A_492 = vector.broadcast %shift_left3A : i32 to vector<16xi32>
        %shift_left3A_493 = arith.shli %get3A_491, %shift_left3A_492 : vector<16xi32>
        %bitcast3A = vector.bitcast %shift_left3A_493 : vector<16xi32> to vector<16xf32>
        %and3A = arith.constant -65536 : i32
        %and3A_494 = vector.broadcast %and3A : i32 to vector<16xi32>
        %and3A_495 = arith.andi %get3A_491, %and3A_494 : vector<16xi32>
        %bitcast3A_496 = vector.bitcast %and3A_495 : vector<16xi32> to vector<16xf32>
        %add3A_497 = arith.addf %scan3A_456, %bitcast3A : vector<16xf32>
        %add3A_498 = arith.addf %scan3A_457, %bitcast3A_496 : vector<16xf32>
        %get3A_499 = arith.index_cast %scan3A_455 : i32 to index
        %get3A_500 = arith.constant 16 : index
        %get3A_501 = tpu.vector_load %arg6[%get3A_499, %get3A_500] {strides = array<i32>} : memref<32x272xi32, #tpu.memory_space<vmem>>, vector<16xi32>,
        %shift_left3A_502 = arith.constant 16 : i32
        %shift_left3A_503 = vector.broadcast %shift_left3A_502 : i32 to vector<16xi32>
        %shift_left3A_504 = arith.shli %get3A_501, %shift_left3A_503 : vector<16xi32>
        %bitcast3A_505 = vector.bitcast %shift_left3A_504 : vector<16xi32> to vector<16xf32>
        %and3A_506 = arith.constant -65536 : i32
        %and3A_507 = vector.broadcast %and3A_506 : i32 to vector<16xi32>
        %and3A_508 = arith.andi %get3A_501, %and3A_507 : vector<16xi32>
        %bitcast3A_509 = vector.bitcast %and3A_508 : vector<16xi32> to vector<16xf32>
        %add3A_510 = arith.addf %scan3A_458, %bitcast3A_505 : vector<16xf32>
        %add3A_511 = arith.addf %scan3A_459, %bitcast3A_509 : vector<16xf32>
        %get3A_512 = arith.index_cast %scan3A_455 : i32 to index
        %get3A_513 = arith.constant 32 : index
        %get3A_514 = tpu.vector_load %arg6[%get3A_512, %get3A_513] {strides = array<i32>} : memref<32x272xi32, #tpu.memory_space<vmem>>, vector<16xi32>,
        %shift_left3A_515 = arith.constant 16 : i32
        %shift_left3A_516 = vector.broadcast %shift_left3A_515 : i32 to vector<16xi32>
        %shift_left3A_517 = arith.shli %get3A_514, %shift_left3A_516 : vector<16xi32>
        %bitcast3A_518 = vector.bitcast %shift_left3A_517 : vector<16xi32> to vector<16xf32>
        %and3A_519 = arith.constant -65536 : i32
        %and3A_520 = vector.broadcast %and3A_519 : i32 to vector<16xi32>
        %and3A_521 = arith.andi %get3A_514, %and3A_520 : vector<16xi32>
        %bitcast3A_522 = vector.bitcast %and3A_521 : vector<16xi32> to vector<16xf32>
        %add3A_523 = arith.addf %scan3A_460, %bitcast3A_518 : vector<16xf32>
        %add3A_524 = arith.addf %scan3A_461, %bitcast3A_522 : vector<16xf32>
        %get3A_525 = arith.index_cast %scan3A_455 : i32 to index
        %get3A_526 = arith.constant 48 : index
        %get3A_527 = tpu.vector_load %arg6[%get3A_525, %get3A_526] {strides = array<i32>} : memref<32x272xi32, #tpu.memory_space<vmem>>, vector<16xi32>,
        %shift_left3A_528 = arith.constant 16 : i32
        %shift_left3A_529 = vector.broadcast %shift_left3A_528 : i32 to vector<16xi32>
        %shift_left3A_530 = arith.shli %get3A_527, %shift_left3A_529 : vector<16xi32>
        %bitcast3A_531 = vector.bitcast %shift_left3A_530 : vector<16xi32> to vector<16xf32>
        %and3A_532 = arith.constant -65536 : i32
        %and3A_533 = vector.broadcast %and3A_532 : i32 to vector<16xi32>
        %and3A_534 = arith.andi %get3A_527, %and3A_533 : vector<16xi32>
        %bitcast3A_535 = vector.bitcast %and3A_534 : vector<16xi32> to vector<16xf32>
        %add3A_536 = arith.addf %scan3A_462, %bitcast3A_531 : vector<16xf32>
        %add3A_537 = arith.addf %scan3A_463, %bitcast3A_535 : vector<16xf32>
        %get3A_538 = arith.index_cast %scan3A_455 : i32 to index
        %get3A_539 = arith.constant 64 : index
        %get3A_540 = tpu.vector_load %arg6[%get3A_538, %get3A_539] {strides = array<i32>} : memref<32x272xi32, #tpu.memory_space<vmem>>, vector<16xi32>,
        %shift_left3A_541 = arith.constant 16 : i32
        %shift_left3A_542 = vector.broadcast %shift_left3A_541 : i32 to vector<16xi32>
        %shift_left3A_543 = arith.shli %get3A_540, %shift_left3A_542 : vector<16xi32>
        %bitcast3A_544 = vector.bitcast %shift_left3A_543 : vector<16xi32> to vector<16xf32>
        %and3A_545 = arith.constant -65536 : i32
        %and3A_546 = vector.broadcast %and3A_545 : i32 to vector<16xi32>
        %and3A_547 = arith.andi %get3A_540, %and3A_546 : vector<16xi32>
        %bitcast3A_548 = vector.bitcast %and3A_547 : vector<16xi32> to vector<16xf32>
        %add3A_549 = arith.addf %scan3A_464, %bitcast3A_544 : vector<16xf32>
        %add3A_550 = arith.addf %scan3A_465, %bitcast3A_548 : vector<16xf32>
        %get3A_551 = arith.index_cast %scan3A_455 : i32 to index
        %get3A_552 = arith.constant 80 : index
        %get3A_553 = tpu.vector_load %arg6[%get3A_551, %get3A_552] {strides = array<i32>} : memref<32x272xi32, #tpu.memory_space<vmem>>, vector<16xi32>,
        %shift_left3A_554 = arith.constant 16 : i32
        %shift_left3A_555 = vector.broadcast %shift_left3A_554 : i32 to vector<16xi32>
        %shift_left3A_556 = arith.shli %get3A_553, %shift_left3A_555 : vector<16xi32>
        %bitcast3A_557 = vector.bitcast %shift_left3A_556 : vector<16xi32> to vector<16xf32>
        %and3A_558 = arith.constant -65536 : i32
        %and3A_559 = vector.broadcast %and3A_558 : i32 to vector<16xi32>
        %and3A_560 = arith.andi %get3A_553, %and3A_559 : vector<16xi32>
        %bitcast3A_561 = vector.bitcast %and3A_560 : vector<16xi32> to vector<16xf32>
        %add3A_562 = arith.addf %scan3A_466, %bitcast3A_557 : vector<16xf32>
        %add3A_563 = arith.addf %scan3A_467, %bitcast3A_561 : vector<16xf32>
        %get3A_564 = arith.index_cast %scan3A_455 : i32 to index
        %get3A_565 = arith.constant 96 : index
        %get3A_566 = tpu.vector_load %arg6[%get3A_564, %get3A_565] {strides = array<i32>} : memref<32x272xi32, #tpu.memory_space<vmem>>, vector<16xi32>,
        %shift_left3A_567 = arith.constant 16 : i32
        %shift_left3A_568 = vector.broadcast %shift_left3A_567 : i32 to vector<16xi32>
        %shift_left3A_569 = arith.shli %get3A_566, %shift_left3A_568 : vector<16xi32>
        %bitcast3A_570 = vector.bitcast %shift_left3A_569 : vector<16xi32> to vector<16xf32>
        %and3A_571 = arith.constant -65536 : i32
        %and3A_572 = vector.broadcast %and3A_571 : i32 to vector<16xi32>
        %and3A_573 = arith.andi %get3A_566, %and3A_572 : vector<16xi32>
        %bitcast3A_574 = vector.bitcast %and3A_573 : vector<16xi32> to vector<16xf32>
        %add3A_575 = arith.addf %scan3A_468, %bitcast3A_570 : vector<16xf32>
        %add3A_576 = arith.addf %scan3A_469, %bitcast3A_574 : vector<16xf32>
        %get3A_577 = arith.index_cast %scan3A_455 : i32 to index
        %get3A_578 = arith.constant 112 : index
        %get3A_579 = tpu.vector_load %arg6[%get3A_577, %get3A_578] {strides = array<i32>} : memref<32x272xi32, #tpu.memory_space<vmem>>, vector<16xi32>,
        %shift_left3A_580 = arith.constant 16 : i32
        %shift_left3A_581 = vector.broadcast %shift_left3A_580 : i32 to vector<16xi32>
        %shift_left3A_582 = arith.shli %get3A_579, %shift_left3A_581 : vector<16xi32>
        %bitcast3A_583 = vector.bitcast %shift_left3A_582 : vector<16xi32> to vector<16xf32>
        %and3A_584 = arith.constant -65536 : i32
        %and3A_585 = vector.broadcast %and3A_584 : i32 to vector<16xi32>
        %and3A_586 = arith.andi %get3A_579, %and3A_585 : vector<16xi32>
        %bitcast3A_587 = vector.bitcast %and3A_586 : vector<16xi32> to vector<16xf32>
        %add3A_588 = arith.addf %scan3A_470, %bitcast3A_583 : vector<16xf32>
        %add3A_589 = arith.addf %scan3A_471, %bitcast3A_587 : vector<16xf32>
        %get3A_590 = arith.index_cast %scan3A_455 : i32 to index
        %get3A_591 = arith.constant 128 : index
        %get3A_592 = tpu.vector_load %arg6[%get3A_590, %get3A_591] {strides = array<i32>} : memref<32x272xi32, #tpu.memory_space<vmem>>, vector<16xi32>,
        %shift_left3A_593 = arith.constant 16 : i32
        %shift_left3A_594 = vector.broadcast %shift_left3A_593 : i32 to vector<16xi32>
        %shift_left3A_595 = arith.shli %get3A_592, %shift_left3A_594 : vector<16xi32>
        %bitcast3A_596 = vector.bitcast %shift_left3A_595 : vector<16xi32> to vector<16xf32>
        %and3A_597 = arith.constant -65536 : i32
        %and3A_598 = vector.broadcast %and3A_597 : i32 to vector<16xi32>
        %and3A_599 = arith.andi %get3A_592, %and3A_598 : vector<16xi32>
        %bitcast3A_600 = vector.bitcast %and3A_599 : vector<16xi32> to vector<16xf32>
        %add3A_601 = arith.addf %scan3A_472, %bitcast3A_596 : vector<16xf32>
        %add3A_602 = arith.addf %scan3A_473, %bitcast3A_600 : vector<16xf32>
        %get3A_603 = arith.index_cast %scan3A_455 : i32 to index
        %get3A_604 = arith.constant 144 : index
        %get3A_605 = tpu.vector_load %arg6[%get3A_603, %get3A_604] {strides = array<i32>} : memref<32x272xi32, #tpu.memory_space<vmem>>, vector<16xi32>,
        %shift_left3A_606 = arith.constant 16 : i32
        %shift_left3A_607 = vector.broadcast %shift_left3A_606 : i32 to vector<16xi32>
        %shift_left3A_608 = arith.shli %get3A_605, %shift_left3A_607 : vector<16xi32>
        %bitcast3A_609 = vector.bitcast %shift_left3A_608 : vector<16xi32> to vector<16xf32>
        %and3A_610 = arith.constant -65536 : i32
        %and3A_611 = vector.broadcast %and3A_610 : i32 to vector<16xi32>
        %and3A_612 = arith.andi %get3A_605, %and3A_611 : vector<16xi32>
        %bitcast3A_613 = vector.bitcast %and3A_612 : vector<16xi32> to vector<16xf32>
        %add3A_614 = arith.addf %scan3A_474, %bitcast3A_609 : vector<16xf32>
        %add3A_615 = arith.addf %scan3A_475, %bitcast3A_613 : vector<16xf32>
        %get3A_616 = arith.index_cast %scan3A_455 : i32 to index
        %get3A_617 = arith.constant 160 : index
        %get3A_618 = tpu.vector_load %arg6[%get3A_616, %get3A_617] {strides = array<i32>} : memref<32x272xi32, #tpu.memory_space<vmem>>, vector<16xi32>,
        %shift_left3A_619 = arith.constant 16 : i32
        %shift_left3A_620 = vector.broadcast %shift_left3A_619 : i32 to vector<16xi32>
        %shift_left3A_621 = arith.shli %get3A_618, %shift_left3A_620 : vector<16xi32>
        %bitcast3A_622 = vector.bitcast %shift_left3A_621 : vector<16xi32> to vector<16xf32>
        %and3A_623 = arith.constant -65536 : i32
        %and3A_624 = vector.broadcast %and3A_623 : i32 to vector<16xi32>
        %and3A_625 = arith.andi %get3A_618, %and3A_624 : vector<16xi32>
        %bitcast3A_626 = vector.bitcast %and3A_625 : vector<16xi32> to vector<16xf32>
        %add3A_627 = arith.addf %scan3A_476, %bitcast3A_622 : vector<16xf32>
        %add3A_628 = arith.addf %scan3A_477, %bitcast3A_626 : vector<16xf32>
        %get3A_629 = arith.index_cast %scan3A_455 : i32 to index
        %get3A_630 = arith.constant 176 : index
        %get3A_631 = tpu.vector_load %arg6[%get3A_629, %get3A_630] {strides = array<i32>} : memref<32x272xi32, #tpu.memory_space<vmem>>, vector<16xi32>,
        %shift_left3A_632 = arith.constant 16 : i32
        %shift_left3A_633 = vector.broadcast %shift_left3A_632 : i32 to vector<16xi32>
        %shift_left3A_634 = arith.shli %get3A_631, %shift_left3A_633 : vector<16xi32>
        %bitcast3A_635 = vector.bitcast %shift_left3A_634 : vector<16xi32> to vector<16xf32>
        %and3A_636 = arith.constant -65536 : i32
        %and3A_637 = vector.broadcast %and3A_636 : i32 to vector<16xi32>
        %and3A_638 = arith.andi %get3A_631, %and3A_637 : vector<16xi32>
        %bitcast3A_639 = vector.bitcast %and3A_638 : vector<16xi32> to vector<16xf32>
        %add3A_640 = arith.addf %scan3A_478, %bitcast3A_635 : vector<16xf32>
        %add3A_641 = arith.addf %scan3A_479, %bitcast3A_639 : vector<16xf32>
        %get3A_642 = arith.index_cast %scan3A_455 : i32 to index
        %get3A_643 = arith.constant 192 : index
        %get3A_644 = tpu.vector_load %arg6[%get3A_642, %get3A_643] {strides = array<i32>} : memref<32x272xi32, #tpu.memory_space<vmem>>, vector<16xi32>,
        %shift_left3A_645 = arith.constant 16 : i32
        %shift_left3A_646 = vector.broadcast %shift_left3A_645 : i32 to vector<16xi32>
        %shift_left3A_647 = arith.shli %get3A_644, %shift_left3A_646 : vector<16xi32>
        %bitcast3A_648 = vector.bitcast %shift_left3A_647 : vector<16xi32> to vector<16xf32>
        %and3A_649 = arith.constant -65536 : i32
        %and3A_650 = vector.broadcast %and3A_649 : i32 to vector<16xi32>
        %and3A_651 = arith.andi %get3A_644, %and3A_650 : vector<16xi32>
        %bitcast3A_652 = vector.bitcast %and3A_651 : vector<16xi32> to vector<16xf32>
        %add3A_653 = arith.addf %scan3A_480, %bitcast3A_648 : vector<16xf32>
        %add3A_654 = arith.addf %scan3A_481, %bitcast3A_652 : vector<16xf32>
        %get3A_655 = arith.index_cast %scan3A_455 : i32 to index
        %get3A_656 = arith.constant 208 : index
        %get3A_657 = tpu.vector_load %arg6[%get3A_655, %get3A_656] {strides = array<i32>} : memref<32x272xi32, #tpu.memory_space<vmem>>, vector<16xi32>,
        %shift_left3A_658 = arith.constant 16 : i32
        %shift_left3A_659 = vector.broadcast %shift_left3A_658 : i32 to vector<16xi32>
        %shift_left3A_660 = arith.shli %get3A_657, %shift_left3A_659 : vector<16xi32>
        %bitcast3A_661 = vector.bitcast %shift_left3A_660 : vector<16xi32> to vector<16xf32>
        %and3A_662 = arith.constant -65536 : i32
        %and3A_663 = vector.broadcast %and3A_662 : i32 to vector<16xi32>
        %and3A_664 = arith.andi %get3A_657, %and3A_663 : vector<16xi32>
        %bitcast3A_665 = vector.bitcast %and3A_664 : vector<16xi32> to vector<16xf32>
        %add3A_666 = arith.addf %scan3A_482, %bitcast3A_661 : vector<16xf32>
        %add3A_667 = arith.addf %scan3A_483, %bitcast3A_665 : vector<16xf32>
        %get3A_668 = arith.index_cast %scan3A_455 : i32 to index
        %get3A_669 = arith.constant 224 : index
        %get3A_670 = tpu.vector_load %arg6[%get3A_668, %get3A_669] {strides = array<i32>} : memref<32x272xi32, #tpu.memory_space<vmem>>, vector<16xi32>,
        %shift_left3A_671 = arith.constant 16 : i32
        %shift_left3A_672 = vector.broadcast %shift_left3A_671 : i32 to vector<16xi32>
        %shift_left3A_673 = arith.shli %get3A_670, %shift_left3A_672 : vector<16xi32>
        %bitcast3A_674 = vector.bitcast %shift_left3A_673 : vector<16xi32> to vector<16xf32>
        %and3A_675 = arith.constant -65536 : i32
        %and3A_676 = vector.broadcast %and3A_675 : i32 to vector<16xi32>
        %and3A_677 = arith.andi %get3A_670, %and3A_676 : vector<16xi32>
        %bitcast3A_678 = vector.bitcast %and3A_677 : vector<16xi32> to vector<16xf32>
        %add3A_679 = arith.addf %scan3A_484, %bitcast3A_674 : vector<16xf32>
        %add3A_680 = arith.addf %scan3A_485, %bitcast3A_678 : vector<16xf32>
        %get3A_681 = arith.index_cast %scan3A_455 : i32 to index
        %get3A_682 = arith.constant 240 : index
        %get3A_683 = tpu.vector_load %arg6[%get3A_681, %get3A_682] {strides = array<i32>} : memref<32x272xi32, #tpu.memory_space<vmem>>, vector<16xi32>,
        %shift_left3A_684 = arith.constant 16 : i32
        %shift_left3A_685 = vector.broadcast %shift_left3A_684 : i32 to vector<16xi32>
        %shift_left3A_686 = arith.shli %get3A_683, %shift_left3A_685 : vector<16xi32>
        %bitcast3A_687 = vector.bitcast %shift_left3A_686 : vector<16xi32> to vector<16xf32>
        %and3A_688 = arith.constant -65536 : i32
        %and3A_689 = vector.broadcast %and3A_688 : i32 to vector<16xi32>
        %and3A_690 = arith.andi %get3A_683, %and3A_689 : vector<16xi32>
        %bitcast3A_691 = vector.bitcast %and3A_690 : vector<16xi32> to vector<16xf32>
        %add3A_692 = arith.addf %scan3A_486, %bitcast3A_687 : vector<16xf32>
        %add3A_693 = arith.addf %scan3A_487, %bitcast3A_691 : vector<16xf32>
        %get3A_694 = arith.index_cast %scan3A_455 : i32 to index
        %get3A_695 = arith.constant 256 : index
        %get3A_696 = tpu.vector_load %arg6[%get3A_694, %get3A_695] {strides = array<i32>} : memref<32x272xi32, #tpu.memory_space<vmem>>, vector<16xi32>,
        %shift_left3A_697 = arith.constant 16 : i32
        %shift_left3A_698 = vector.broadcast %shift_left3A_697 : i32 to vector<16xi32>
        %shift_left3A_699 = arith.shli %get3A_696, %shift_left3A_698 : vector<16xi32>
        %bitcast3A_700 = vector.bitcast %shift_left3A_699 : vector<16xi32> to vector<16xf32>
        %and3A_701 = arith.constant -65536 : i32
        %and3A_702 = vector.broadcast %and3A_701 : i32 to vector<16xi32>
        %and3A_703 = arith.andi %get3A_696, %and3A_702 : vector<16xi32>
        %bitcast3A_704 = vector.bitcast %and3A_703 : vector<16xi32> to vector<16xf32>
        %add3A_705 = arith.addf %scan3A_488, %bitcast3A_700 : vector<16xf32>
        %add3A_706 = arith.addf %scan3A_489, %bitcast3A_704 : vector<16xf32>
        scf.yield %add3A_497, %add3A_498, %add3A_510, %add3A_511, %add3A_523, %add3A_524, %add3A_536, %add3A_537, %add3A_549, %add3A_550, %add3A_562, %add3A_563, %add3A_575, %add3A_576, %add3A_588, %add3A_589, %add3A_601, %add3A_602, %add3A_614, %add3A_615, %add3A_627, %add3A_628, %add3A_640, %add3A_641, %add3A_653, %add3A_654, %add3A_666, %add3A_667, %add3A_679, %add3A_680, %add3A_692, %add3A_693, %add3A_705, %add3A_706 : vector<16xf32>, vector<16xf32>, vector<16xf32>, vector<16xf32>, vector<16xf32>, vector<16xf32>, vector<16xf32>, vector<16xf32>, vector<16xf32>, vector<16xf32>, vector<16xf32>, vector<16xf32>, vector<16xf32>, vector<16xf32>, vector<16xf32>, vector<16xf32>, vector<16xf32>, vector<16xf32>, vector<16xf32>, vector<16xf32>, vector<16xf32>, vector<16xf32>, vector<16xf32>, vector<16xf32>, vector<16xf32>, vector<16xf32>, vector<16xf32>, vector<16xf32>, vector<16xf32>, vector<16xf32>, vector<16xf32>, vector<16xf32>, vector<16xf32>, vector<16xf32>
      }
      %scan3A_65 = arith.constant 32 : i32
      %swap3A = arith.constant 0 : index
      %swap3A_66 = tpu.vector_load %arg10[%swap3A] {strides = array<i32>} : memref<544xf32, #tpu.memory_space<vmem>>, vector<16xf32>,
      tpu.vector_store %arg10[%swap3A], %scan3A_64#0 {strides = array<i32>} : memref<544xf32, #tpu.memory_space<vmem>>, vector<16xf32>,
      %swap3A_67 = arith.constant 272 : index
      %swap3A_68 = tpu.vector_load %arg10[%swap3A_67] {strides = array<i32>} : memref<544xf32, #tpu.memory_space<vmem>>, vector<16xf32>,
      tpu.vector_store %arg10[%swap3A_67], %scan3A_64#1 {strides = array<i32>} : memref<544xf32, #tpu.memory_space<vmem>>, vector<16xf32>,
      %swap3A_69 = arith.constant 16 : index
      %swap3A_70 = tpu.vector_load %arg10[%swap3A_69] {strides = array<i32>} : memref<544xf32, #tpu.memory_space<vmem>>, vector<16xf32>,
      tpu.vector_store %arg10[%swap3A_69], %scan3A_64#2 {strides = array<i32>} : memref<544xf32, #tpu.memory_space<vmem>>, vector<16xf32>,
      %swap3A_71 = arith.constant 288 : index
      %swap3A_72 = tpu.vector_load %arg10[%swap3A_71] {strides = array<i32>} : memref<544xf32, #tpu.memory_space<vmem>>, vector<16xf32>,
      tpu.vector_store %arg10[%swap3A_71], %scan3A_64#3 {strides = array<i32>} : memref<544xf32, #tpu.memory_space<vmem>>, vector<16xf32>,
      %swap3A_73 = arith.constant 32 : index
      %swap3A_74 = tpu.vector_load %arg10[%swap3A_73] {strides = array<i32>} : memref<544xf32, #tpu.memory_space<vmem>>, vector<16xf32>,
      tpu.vector_store %arg10[%swap3A_73], %scan3A_64#4 {strides = array<i32>} : memref<544xf32, #tpu.memory_space<vmem>>, vector<16xf32>,
      %swap3A_75 = arith.constant 304 : index
      %swap3A_76 = tpu.vector_load %arg10[%swap3A_75] {strides = array<i32>} : memref<544xf32, #tpu.memory_space<vmem>>, vector<16xf32>,
      tpu.vector_store %arg10[%swap3A_75], %scan3A_64#5 {strides = array<i32>} : memref<544xf32, #tpu.memory_space<vmem>>, vector<16xf32>,
      %swap3A_77 = arith.constant 48 : index
      %swap3A_78 = tpu.vector_load %arg10[%swap3A_77] {strides = array<i32>} : memref<544xf32, #tpu.memory_space<vmem>>, vector<16xf32>,
      tpu.vector_store %arg10[%swap3A_77], %scan3A_64#6 {strides = array<i32>} : memref<544xf32, #tpu.memory_space<vmem>>, vector<16xf32>,
      %swap3A_79 = arith.constant 320 : index
      %swap3A_80 = tpu.vector_load %arg10[%swap3A_79] {strides = array<i32>} : memref<544xf32, #tpu.memory_space<vmem>>, vector<16xf32>,
      tpu.vector_store %arg10[%swap3A_79], %scan3A_64#7 {strides = array<i32>} : memref<544xf32, #tpu.memory_space<vmem>>, vector<16xf32>,
      %swap3A_81 = arith.constant 64 : index
      %swap3A_82 = tpu.vector_load %arg10[%swap3A_81] {strides = array<i32>} : memref<544xf32, #tpu.memory_space<vmem>>, vector<16xf32>,
      tpu.vector_store %arg10[%swap3A_81], %scan3A_64#8 {strides = array<i32>} : memref<544xf32, #tpu.memory_space<vmem>>, vector<16xf32>,
      %swap3A_83 = arith.constant 336 : index
      %swap3A_84 = tpu.vector_load %arg10[%swap3A_83] {strides = array<i32>} : memref<544xf32, #tpu.memory_space<vmem>>, vector<16xf32>,
      tpu.vector_store %arg10[%swap3A_83], %scan3A_64#9 {strides = array<i32>} : memref<544xf32, #tpu.memory_space<vmem>>, vector<16xf32>,
      %swap3A_85 = arith.constant 80 : index
      %swap3A_86 = tpu.vector_load %arg10[%swap3A_85] {strides = array<i32>} : memref<544xf32, #tpu.memory_space<vmem>>, vector<16xf32>,
      tpu.vector_store %arg10[%swap3A_85], %scan3A_64#10 {strides = array<i32>} : memref<544xf32, #tpu.memory_space<vmem>>, vector<16xf32>,
      %swap3A_87 = arith.constant 352 : index
      %swap3A_88 = tpu.vector_load %arg10[%swap3A_87] {strides = array<i32>} : memref<544xf32, #tpu.memory_space<vmem>>, vector<16xf32>,
      tpu.vector_store %arg10[%swap3A_87], %scan3A_64#11 {strides = array<i32>} : memref<544xf32, #tpu.memory_space<vmem>>, vector<16xf32>,
      %swap3A_89 = arith.constant 96 : index
      %swap3A_90 = tpu.vector_load %arg10[%swap3A_89] {strides = array<i32>} : memref<544xf32, #tpu.memory_space<vmem>>, vector<16xf32>,
      tpu.vector_store %arg10[%swap3A_89], %scan3A_64#12 {strides = array<i32>} : memref<544xf32, #tpu.memory_space<vmem>>, vector<16xf32>,
      %swap3A_91 = arith.constant 368 : index
      %swap3A_92 = tpu.vector_load %arg10[%swap3A_91] {strides = array<i32>} : memref<544xf32, #tpu.memory_space<vmem>>, vector<16xf32>,
      tpu.vector_store %arg10[%swap3A_91], %scan3A_64#13 {strides = array<i32>} : memref<544xf32, #tpu.memory_space<vmem>>, vector<16xf32>,
      %swap3A_93 = arith.constant 112 : index
      %swap3A_94 = tpu.vector_load %arg10[%swap3A_93] {strides = array<i32>} : memref<544xf32, #tpu.memory_space<vmem>>, vector<16xf32>,
      tpu.vector_store %arg10[%swap3A_93], %scan3A_64#14 {strides = array<i32>} : memref<544xf32, #tpu.memory_space<vmem>>, vector<16xf32>,
      %swap3A_95 = arith.constant 384 : index
      %swap3A_96 = tpu.vector_load %arg10[%swap3A_95] {strides = array<i32>} : memref<544xf32, #tpu.memory_space<vmem>>, vector<16xf32>,
      tpu.vector_store %arg10[%swap3A_95], %scan3A_64#15 {strides = array<i32>} : memref<544xf32, #tpu.memory_space<vmem>>, vector<16xf32>,
      %swap3A_97 = arith.constant 128 : index
      %swap3A_98 = tpu.vector_load %arg10[%swap3A_97] {strides = array<i32>} : memref<544xf32, #tpu.memory_space<vmem>>, vector<16xf32>,
      tpu.vector_store %arg10[%swap3A_97], %scan3A_64#16 {strides = array<i32>} : memref<544xf32, #tpu.memory_space<vmem>>, vector<16xf32>,
      %swap3A_99 = arith.constant 400 : index
      %swap3A_100 = tpu.vector_load %arg10[%swap3A_99] {strides = array<i32>} : memref<544xf32, #tpu.memory_space<vmem>>, vector<16xf32>,
      tpu.vector_store %arg10[%swap3A_99], %scan3A_64#17 {strides = array<i32>} : memref<544xf32, #tpu.memory_space<vmem>>, vector<16xf32>,
      %swap3A_101 = arith.constant 144 : index
      %swap3A_102 = tpu.vector_load %arg10[%swap3A_101] {strides = array<i32>} : memref<544xf32, #tpu.memory_space<vmem>>, vector<16xf32>,
      tpu.vector_store %arg10[%swap3A_101], %scan3A_64#18 {strides = array<i32>} : memref<544xf32, #tpu.memory_space<vmem>>, vector<16xf32>,
      %swap3A_103 = arith.constant 416 : index
      %swap3A_104 = tpu.vector_load %arg10[%swap3A_103] {strides = array<i32>} : memref<544xf32, #tpu.memory_space<vmem>>, vector<16xf32>,
      tpu.vector_store %arg10[%swap3A_103], %scan3A_64#19 {strides = array<i32>} : memref<544xf32, #tpu.memory_space<vmem>>, vector<16xf32>,
      %swap3A_105 = arith.constant 160 : index
      %swap3A_106 = tpu.vector_load %arg10[%swap3A_105] {strides = array<i32>} : memref<544xf32, #tpu.memory_space<vmem>>, vector<16xf32>,
      tpu.vector_store %arg10[%swap3A_105], %scan3A_64#20 {strides = array<i32>} : memref<544xf32, #tpu.memory_space<vmem>>, vector<16xf32>,
      %swap3A_107 = arith.constant 432 : index
      %swap3A_108 = tpu.vector_load %arg10[%swap3A_107] {strides = array<i32>} : memref<544xf32, #tpu.memory_space<vmem>>, vector<16xf32>,
      tpu.vector_store %arg10[%swap3A_107], %scan3A_64#21 {strides = array<i32>} : memref<544xf32, #tpu.memory_space<vmem>>, vector<16xf32>,
      %swap3A_109 = arith.constant 176 : index
      %swap3A_110 = tpu.vector_load %arg10[%swap3A_109] {strides = array<i32>} : memref<544xf32, #tpu.memory_space<vmem>>, vector<16xf32>,
      tpu.vector_store %arg10[%swap3A_109], %scan3A_64#22 {strides = array<i32>} : memref<544xf32, #tpu.memory_space<vmem>>, vector<16xf32>,
      %swap3A_111 = arith.constant 448 : index
      %swap3A_112 = tpu.vector_load %arg10[%swap3A_111] {strides = array<i32>} : memref<544xf32, #tpu.memory_space<vmem>>, vector<16xf32>,
      tpu.vector_store %arg10[%swap3A_111], %scan3A_64#23 {strides = array<i32>} : memref<544xf32, #tpu.memory_space<vmem>>, vector<16xf32>,
      %swap3A_113 = arith.constant 192 : index
      %swap3A_114 = tpu.vector_load %arg10[%swap3A_113] {strides = array<i32>} : memref<544xf32, #tpu.memory_space<vmem>>, vector<16xf32>,
      tpu.vector_store %arg10[%swap3A_113], %scan3A_64#24 {strides = array<i32>} : memref<544xf32, #tpu.memory_space<vmem>>, vector<16xf32>,
      %swap3A_115 = arith.constant 464 : index
      %swap3A_116 = tpu.vector_load %arg10[%swap3A_115] {strides = array<i32>} : memref<544xf32, #tpu.memory_space<vmem>>, vector<16xf32>,
      tpu.vector_store %arg10[%swap3A_115], %scan3A_64#25 {strides = array<i32>} : memref<544xf32, #tpu.memory_space<vmem>>, vector<16xf32>,
      %swap3A_117 = arith.constant 208 : index
      %swap3A_118 = tpu.vector_load %arg10[%swap3A_117] {strides = array<i32>} : memref<544xf32, #tpu.memory_space<vmem>>, vector<16xf32>,
      tpu.vector_store %arg10[%swap3A_117], %scan3A_64#26 {strides = array<i32>} : memref<544xf32, #tpu.memory_space<vmem>>, vector<16xf32>,
      %swap3A_119 = arith.constant 480 : index
      %swap3A_120 = tpu.vector_load %arg10[%swap3A_119] {strides = array<i32>} : memref<544xf32, #tpu.memory_space<vmem>>, vector<16xf32>,
      tpu.vector_store %arg10[%swap3A_119], %scan3A_64#27 {strides = array<i32>} : memref<544xf32, #tpu.memory_space<vmem>>, vector<16xf32>,
      %swap3A_121 = arith.constant 224 : index
      %swap3A_122 = tpu.vector_load %arg10[%swap3A_121] {strides = array<i32>} : memref<544xf32, #tpu.memory_space<vmem>>, vector<16xf32>,
      tpu.vector_store %arg10[%swap3A_121], %scan3A_64#28 {strides = array<i32>} : memref<544xf32, #tpu.memory_space<vmem>>, vector<16xf32>,
      %swap3A_123 = arith.constant 496 : index
      %swap3A_124 = tpu.vector_load %arg10[%swap3A_123] {strides = array<i32>} : memref<544xf32, #tpu.memory_space<vmem>>, vector<16xf32>,
      tpu.vector_store %arg10[%swap3A_123], %scan3A_64#29 {strides = array<i32>} : memref<544xf32, #tpu.memory_space<vmem>>, vector<16xf32>,
      %swap3A_125 = arith.constant 240 : index
      %swap3A_126 = tpu.vector_load %arg10[%swap3A_125] {strides = array<i32>} : memref<544xf32, #tpu.memory_space<vmem>>, vector<16xf32>,
      tpu.vector_store %arg10[%swap3A_125], %scan3A_64#30 {strides = array<i32>} : memref<544xf32, #tpu.memory_space<vmem>>, vector<16xf32>,
      %swap3A_127 = arith.constant 512 : index
      %swap3A_128 = tpu.vector_load %arg10[%swap3A_127] {strides = array<i32>} : memref<544xf32, #tpu.memory_space<vmem>>, vector<16xf32>,
      tpu.vector_store %arg10[%swap3A_127], %scan3A_64#31 {strides = array<i32>} : memref<544xf32, #tpu.memory_space<vmem>>, vector<16xf32>,
      %swap3A_129 = arith.constant 256 : index
      %swap3A_130 = tpu.vector_load %arg10[%swap3A_129] {strides = array<i32>} : memref<544xf32, #tpu.memory_space<vmem>>, vector<16xf32>,
      tpu.vector_store %arg10[%swap3A_129], %scan3A_64#32 {strides = array<i32>} : memref<544xf32, #tpu.memory_space<vmem>>, vector<16xf32>,
      %swap3A_131 = arith.constant 528 : index
      %swap3A_132 = tpu.vector_load %arg10[%swap3A_131] {strides = array<i32>} : memref<544xf32, #tpu.memory_space<vmem>>, vector<16xf32>,
      tpu.vector_store %arg10[%swap3A_131], %scan3A_64#33 {strides = array<i32>} : memref<544xf32, #tpu.memory_space<vmem>>, vector<16xf32>,
      %add3A_133 = arith.addi %mul3A_2, %add3A_44 : i32
      %dma_start3A_134 = arith.constant 0 : i32
      %dma_start3A_135 = tpu.memref_slice %arg4[%add3A_133, %dma_start3A_134] : memref<8192x544xf32, #tpu.memory_space<hbm>> -> memref<1x544xf32, #tpu.memory_space<hbm>>
      %dma_start3A_136 = tpu.memref_squeeze %dma_start3A_135 : memref<1x544xf32, #tpu.memory_space<hbm>> -> memref<544xf32, #tpu.memory_space<hbm>>
      %dma_start3A_137 = arith.constant 0 : i32
      %dma_start3A_138 = tpu.memref_slice %arg4[%add3A_133, %dma_start3A_137] : memref<8192x544xf32, #tpu.memory_space<hbm>> -> memref<1x544xf32, #tpu.memory_space<hbm>>
      %dma_start3A_139 = tpu.memref_squeeze %dma_start3A_138 : memref<1x544xf32, #tpu.memory_space<hbm>> -> memref<544xf32, #tpu.memory_space<hbm>>
      tpu.enqueue_dma source(%arg10 : memref<544xf32, #tpu.memory_space<vmem>>) target(%dma_start3A_139 : memref<544xf32, #tpu.memory_space<hbm>>) target_semaphore(%arg16 : memref<!tpu.dma_semaphore, #tpu.memory_space<semaphore_mem>>)
      %mul3A_140 = arith.constant 4 : i32
      %mul3A_141 = arith.muli %scan3A_40, %mul3A_140 : i32
      %add3A_142 = arith.constant 1 : i32
      %add3A_143 = arith.addi %mul3A_141, %add3A_142 : i32
      %add3A_144 = arith.constant 4 : i32
      %add3A_145 = arith.addi %add3A_143, %add3A_144 : i32
      %sub3A_146 = arith.constant 1 : i32
      %sub3A_147 = arith.subi %add3A_145, %sub3A_146 : i32
      %lt3A_148 = arith.constant 256 : i32
      %lt3A_149 = arith.cmpi slt, %sub3A_147, %lt3A_148 : i32
      %convert_element_type3A_150 = arith.extui %lt3A_149 : i1 to i32
      %cond3A_151 = arith.constant 0 : i32
      %cond3A_152 = arith.cmpi ne, %convert_element_type3A_150, %cond3A_151 : i32
      scf.if %cond3A_152 {
        %dma_start3A_455 = arith.constant 0 : i32
        %dma_start3A_456 = tpu.memref_slice %arg5[%sub3A_147, %dma_start3A_455] : memref<256x32xi32, #tpu.memory_space<vmem>> -> memref<1x32xi32, #tpu.memory_space<vmem>>
        %dma_start3A_457 = tpu.memref_squeeze %dma_start3A_456 : memref<1x32xi32, #tpu.memory_space<vmem>> -> memref<32xi32, #tpu.memory_space<vmem>>
        %dma_start3A_458 = arith.constant 0 : i32
        %dma_start3A_459 = arith.constant 0 : i32
        %dma_start3A_460 = tpu.memref_slice %arg2[%dma_start3A_458, %dma_start3A_459] : memref<45056x272xi32, #tpu.memory_space<hbm>> -> memref<45056x272xi32, #tpu.memory_space<hbm>>
        tpu.enqueue_indirect_dma source(%dma_start3A_460 : memref<45056x272xi32, #tpu.memory_space<hbm>>) target(%arg6 : memref<32x272xi32, #tpu.memory_space<vmem>>) offsets(%dma_start3A_457 : memref<32xi32, #tpu.memory_space<vmem>>) semaphore(%arg12 : memref<!tpu.dma_semaphore, #tpu.memory_space<semaphore_mem>>)
      } else {
      }
      %dma_wait3A_153 = arith.constant 0 : i32
      %dma_wait3A_154 = tpu.memref_slice %arg5[%add3A_143, %dma_wait3A_153] : memref<256x32xi32, #tpu.memory_space<vmem>> -> memref<1x32xi32, #tpu.memory_space<vmem>>
      %dma_wait3A_155 = tpu.memref_squeeze %dma_wait3A_154 : memref<1x32xi32, #tpu.memory_space<vmem>> -> memref<32xi32, #tpu.memory_space<vmem>>
      %dma_wait3A_156 = arith.constant 0 : i32
      %dma_wait3A_157 = arith.constant 0 : i32
      %dma_wait3A_158 = tpu.memref_slice %arg2[%dma_wait3A_156, %dma_wait3A_157] : memref<45056x272xi32, #tpu.memory_space<hbm>> -> memref<45056x272xi32, #tpu.memory_space<hbm>>
      tpu.wait_indirect_dma semaphore(%arg13 : memref<!tpu.dma_semaphore, #tpu.memory_space<semaphore_mem>>) src(%dma_wait3A_158 : memref<45056x272xi32, #tpu.memory_space<hbm>>) dst(%arg7 : memref<32x272xi32, #tpu.memory_space<vmem>>)
      %ge3A_159 = arith.constant 2 : i32
      %ge3A_160 = arith.cmpi sge, %add3A_143, %ge3A_159 : i32
      %convert_element_type3A_161 = arith.extui %ge3A_160 : i1 to i32
      %cond3A_162 = arith.constant 0 : i32
      %cond3A_163 = arith.cmpi ne, %convert_element_type3A_161, %cond3A_162 : i32
      scf.if %cond3A_163 {
        %dma_wait3A_455 = arith.constant 0 : i32
        %dma_wait3A_456 = tpu.memref_slice %arg4[%mul3A_2, %dma_wait3A_455] : memref<8192x544xf32, #tpu.memory_space<hbm>> -> memref<1x544xf32, #tpu.memory_space<hbm>>
        %dma_wait3A_457 = tpu.memref_squeeze %dma_wait3A_456 : memref<1x544xf32, #tpu.memory_space<hbm>> -> memref<544xf32, #tpu.memory_space<hbm>>
        %dma_wait3A_458 = arith.constant 0 : i32
        %dma_wait3A_459 = tpu.memref_slice %arg4[%mul3A_2, %dma_wait3A_458] : memref<8192x544xf32, #tpu.memory_space<hbm>> -> memref<1x544xf32, #tpu.memory_space<hbm>>
        %dma_wait3A_460 = tpu.memref_squeeze %dma_wait3A_459 : memref<1x544xf32, #tpu.memory_space<hbm>> -> memref<544xf32, #tpu.memory_space<hbm>>
        tpu.wait_dma2 semaphore(%arg17 : memref<!tpu.dma_semaphore, #tpu.memory_space<semaphore_mem>>) src(%arg11 : memref<544xf32, #tpu.memory_space<vmem>>) dst(%dma_wait3A_460 : memref<544xf32, #tpu.memory_space<hbm>>)
      } else {
      }
      %scan3A_164 = arith.constant 0 : i32
      %scan3A_165 = arith.constant 32 : i32
      %scan3A_166 = arith.addi %scan3A_164, %scan3A_165 : i32
      %scan3A_167 = arith.constant 1 : i32
      %scan3A_168:34 = scf.for %scan3A_455 = %scan3A_164 to %scan3A_166 step %scan3A_167 iter_args(%scan3A_456 = %broadcast_in_dim3A_3, %scan3A_457 = %broadcast_in_dim3A_3, %scan3A_458 = %broadcast_in_dim3A_3, %scan3A_459 = %broadcast_in_dim3A_3, %scan3A_460 = %broadcast_in_dim3A_3, %scan3A_461 = %broadcast_in_dim3A_3, %scan3A_462 = %broadcast_in_dim3A_3, %scan3A_463 = %broadcast_in_dim3A_3, %scan3A_464 = %broadcast_in_dim3A_3, %scan3A_465 = %broadcast_in_dim3A_3, %scan3A_466 = %broadcast_in_dim3A_3, %scan3A_467 = %broadcast_in_dim3A_3, %scan3A_468 = %broadcast_in_dim3A_3, %scan3A_469 = %broadcast_in_dim3A_3, %scan3A_470 = %broadcast_in_dim3A_3, %scan3A_471 = %broadcast_in_dim3A_3, %scan3A_472 = %broadcast_in_dim3A_3, %scan3A_473 = %broadcast_in_dim3A_3, %scan3A_474 = %broadcast_in_dim3A_3, %scan3A_475 = %broadcast_in_dim3A_3, %scan3A_476 = %broadcast_in_dim3A_3, %scan3A_477 = %broadcast_in_dim3A_3, %scan3A_478 = %broadcast_in_dim3A_3, %scan3A_479 = %broadcast_in_dim3A_3, %scan3A_480 = %broadcast_in_dim3A_3, %scan3A_481 = %broadcast_in_dim3A_3, %scan3A_482 = %broadcast_in_dim3A_3, %scan3A_483 = %broadcast_in_dim3A_3, %scan3A_484 = %broadcast_in_dim3A_3, %scan3A_485 = %broadcast_in_dim3A_3, %scan3A_486 = %broadcast_in_dim3A_3, %scan3A_487 = %broadcast_in_dim3A_3, %scan3A_488 = %broadcast_in_dim3A_3, %scan3A_489 = %broadcast_in_dim3A_3) -> (vector<16xf32>, vector<16xf32>, vector<16xf32>, vector<16xf32>, vector<16xf32>, vector<16xf32>, vector<16xf32>, vector<16xf32>, vector<16xf32>, vector<16xf32>, vector<16xf32>, vector<16xf32>, vector<16xf32>, vector<16xf32>, vector<16xf32>, vector<16xf32>, vector<16xf32>, vector<16xf32>, vector<16xf32>, vector<16xf32>, vector<16xf32>, vector<16xf32>, vector<16xf32>, vector<16xf32>, vector<16xf32>, vector<16xf32>, vector<16xf32>, vector<16xf32>, vector<16xf32>, vector<16xf32>, vector<16xf32>, vector<16xf32>, vector<16xf32>, vector<16xf32>)  : i32 {
        %get3A = arith.index_cast %scan3A_455 : i32 to index
        %get3A_490 = arith.constant 0 : index
        %get3A_491 = tpu.vector_load %arg7[%get3A, %get3A_490] {strides = array<i32>} : memref<32x272xi32, #tpu.memory_space<vmem>>, vector<16xi32>,
        %shift_left3A = arith.constant 16 : i32
        %shift_left3A_492 = vector.broadcast %shift_left3A : i32 to vector<16xi32>
        %shift_left3A_493 = arith.shli %get3A_491, %shift_left3A_492 : vector<16xi32>
        %bitcast3A = vector.bitcast %shift_left3A_493 : vector<16xi32> to vector<16xf32>
        %and3A = arith.constant -65536 : i32
        %and3A_494 = vector.broadcast %and3A : i32 to vector<16xi32>
        %and3A_495 = arith.andi %get3A_491, %and3A_494 : vector<16xi32>
        %bitcast3A_496 = vector.bitcast %and3A_495 : vector<16xi32> to vector<16xf32>
        %add3A_497 = arith.addf %scan3A_456, %bitcast3A : vector<16xf32>
        %add3A_498 = arith.addf %scan3A_457, %bitcast3A_496 : vector<16xf32>
        %get3A_499 = arith.index_cast %scan3A_455 : i32 to index
        %get3A_500 = arith.constant 16 : index
        %get3A_501 = tpu.vector_load %arg7[%get3A_499, %get3A_500] {strides = array<i32>} : memref<32x272xi32, #tpu.memory_space<vmem>>, vector<16xi32>,
        %shift_left3A_502 = arith.constant 16 : i32
        %shift_left3A_503 = vector.broadcast %shift_left3A_502 : i32 to vector<16xi32>
        %shift_left3A_504 = arith.shli %get3A_501, %shift_left3A_503 : vector<16xi32>
        %bitcast3A_505 = vector.bitcast %shift_left3A_504 : vector<16xi32> to vector<16xf32>
        %and3A_506 = arith.constant -65536 : i32
        %and3A_507 = vector.broadcast %and3A_506 : i32 to vector<16xi32>
        %and3A_508 = arith.andi %get3A_501, %and3A_507 : vector<16xi32>
        %bitcast3A_509 = vector.bitcast %and3A_508 : vector<16xi32> to vector<16xf32>
        %add3A_510 = arith.addf %scan3A_458, %bitcast3A_505 : vector<16xf32>
        %add3A_511 = arith.addf %scan3A_459, %bitcast3A_509 : vector<16xf32>
        %get3A_512 = arith.index_cast %scan3A_455 : i32 to index
        %get3A_513 = arith.constant 32 : index
        %get3A_514 = tpu.vector_load %arg7[%get3A_512, %get3A_513] {strides = array<i32>} : memref<32x272xi32, #tpu.memory_space<vmem>>, vector<16xi32>,
        %shift_left3A_515 = arith.constant 16 : i32
        %shift_left3A_516 = vector.broadcast %shift_left3A_515 : i32 to vector<16xi32>
        %shift_left3A_517 = arith.shli %get3A_514, %shift_left3A_516 : vector<16xi32>
        %bitcast3A_518 = vector.bitcast %shift_left3A_517 : vector<16xi32> to vector<16xf32>
        %and3A_519 = arith.constant -65536 : i32
        %and3A_520 = vector.broadcast %and3A_519 : i32 to vector<16xi32>
        %and3A_521 = arith.andi %get3A_514, %and3A_520 : vector<16xi32>
        %bitcast3A_522 = vector.bitcast %and3A_521 : vector<16xi32> to vector<16xf32>
        %add3A_523 = arith.addf %scan3A_460, %bitcast3A_518 : vector<16xf32>
        %add3A_524 = arith.addf %scan3A_461, %bitcast3A_522 : vector<16xf32>
        %get3A_525 = arith.index_cast %scan3A_455 : i32 to index
        %get3A_526 = arith.constant 48 : index
        %get3A_527 = tpu.vector_load %arg7[%get3A_525, %get3A_526] {strides = array<i32>} : memref<32x272xi32, #tpu.memory_space<vmem>>, vector<16xi32>,
        %shift_left3A_528 = arith.constant 16 : i32
        %shift_left3A_529 = vector.broadcast %shift_left3A_528 : i32 to vector<16xi32>
        %shift_left3A_530 = arith.shli %get3A_527, %shift_left3A_529 : vector<16xi32>
        %bitcast3A_531 = vector.bitcast %shift_left3A_530 : vector<16xi32> to vector<16xf32>
        %and3A_532 = arith.constant -65536 : i32
        %and3A_533 = vector.broadcast %and3A_532 : i32 to vector<16xi32>
        %and3A_534 = arith.andi %get3A_527, %and3A_533 : vector<16xi32>
        %bitcast3A_535 = vector.bitcast %and3A_534 : vector<16xi32> to vector<16xf32>
        %add3A_536 = arith.addf %scan3A_462, %bitcast3A_531 : vector<16xf32>
        %add3A_537 = arith.addf %scan3A_463, %bitcast3A_535 : vector<16xf32>
        %get3A_538 = arith.index_cast %scan3A_455 : i32 to index
        %get3A_539 = arith.constant 64 : index
        %get3A_540 = tpu.vector_load %arg7[%get3A_538, %get3A_539] {strides = array<i32>} : memref<32x272xi32, #tpu.memory_space<vmem>>, vector<16xi32>,
        %shift_left3A_541 = arith.constant 16 : i32
        %shift_left3A_542 = vector.broadcast %shift_left3A_541 : i32 to vector<16xi32>
        %shift_left3A_543 = arith.shli %get3A_540, %shift_left3A_542 : vector<16xi32>
        %bitcast3A_544 = vector.bitcast %shift_left3A_543 : vector<16xi32> to vector<16xf32>
        %and3A_545 = arith.constant -65536 : i32
        %and3A_546 = vector.broadcast %and3A_545 : i32 to vector<16xi32>
        %and3A_547 = arith.andi %get3A_540, %and3A_546 : vector<16xi32>
        %bitcast3A_548 = vector.bitcast %and3A_547 : vector<16xi32> to vector<16xf32>
        %add3A_549 = arith.addf %scan3A_464, %bitcast3A_544 : vector<16xf32>
        %add3A_550 = arith.addf %scan3A_465, %bitcast3A_548 : vector<16xf32>
        %get3A_551 = arith.index_cast %scan3A_455 : i32 to index
        %get3A_552 = arith.constant 80 : index
        %get3A_553 = tpu.vector_load %arg7[%get3A_551, %get3A_552] {strides = array<i32>} : memref<32x272xi32, #tpu.memory_space<vmem>>, vector<16xi32>,
        %shift_left3A_554 = arith.constant 16 : i32
        %shift_left3A_555 = vector.broadcast %shift_left3A_554 : i32 to vector<16xi32>
        %shift_left3A_556 = arith.shli %get3A_553, %shift_left3A_555 : vector<16xi32>
        %bitcast3A_557 = vector.bitcast %shift_left3A_556 : vector<16xi32> to vector<16xf32>
        %and3A_558 = arith.constant -65536 : i32
        %and3A_559 = vector.broadcast %and3A_558 : i32 to vector<16xi32>
        %and3A_560 = arith.andi %get3A_553, %and3A_559 : vector<16xi32>
        %bitcast3A_561 = vector.bitcast %and3A_560 : vector<16xi32> to vector<16xf32>
        %add3A_562 = arith.addf %scan3A_466, %bitcast3A_557 : vector<16xf32>
        %add3A_563 = arith.addf %scan3A_467, %bitcast3A_561 : vector<16xf32>
        %get3A_564 = arith.index_cast %scan3A_455 : i32 to index
        %get3A_565 = arith.constant 96 : index
        %get3A_566 = tpu.vector_load %arg7[%get3A_564, %get3A_565] {strides = array<i32>} : memref<32x272xi32, #tpu.memory_space<vmem>>, vector<16xi32>,
        %shift_left3A_567 = arith.constant 16 : i32
        %shift_left3A_568 = vector.broadcast %shift_left3A_567 : i32 to vector<16xi32>
        %shift_left3A_569 = arith.shli %get3A_566, %shift_left3A_568 : vector<16xi32>
        %bitcast3A_570 = vector.bitcast %shift_left3A_569 : vector<16xi32> to vector<16xf32>
        %and3A_571 = arith.constant -65536 : i32
        %and3A_572 = vector.broadcast %and3A_571 : i32 to vector<16xi32>
        %and3A_573 = arith.andi %get3A_566, %and3A_572 : vector<16xi32>
        %bitcast3A_574 = vector.bitcast %and3A_573 : vector<16xi32> to vector<16xf32>
        %add3A_575 = arith.addf %scan3A_468, %bitcast3A_570 : vector<16xf32>
        %add3A_576 = arith.addf %scan3A_469, %bitcast3A_574 : vector<16xf32>
        %get3A_577 = arith.index_cast %scan3A_455 : i32 to index
        %get3A_578 = arith.constant 112 : index
        %get3A_579 = tpu.vector_load %arg7[%get3A_577, %get3A_578] {strides = array<i32>} : memref<32x272xi32, #tpu.memory_space<vmem>>, vector<16xi32>,
        %shift_left3A_580 = arith.constant 16 : i32
        %shift_left3A_581 = vector.broadcast %shift_left3A_580 : i32 to vector<16xi32>
        %shift_left3A_582 = arith.shli %get3A_579, %shift_left3A_581 : vector<16xi32>
        %bitcast3A_583 = vector.bitcast %shift_left3A_582 : vector<16xi32> to vector<16xf32>
        %and3A_584 = arith.constant -65536 : i32
        %and3A_585 = vector.broadcast %and3A_584 : i32 to vector<16xi32>
        %and3A_586 = arith.andi %get3A_579, %and3A_585 : vector<16xi32>
        %bitcast3A_587 = vector.bitcast %and3A_586 : vector<16xi32> to vector<16xf32>
        %add3A_588 = arith.addf %scan3A_470, %bitcast3A_583 : vector<16xf32>
        %add3A_589 = arith.addf %scan3A_471, %bitcast3A_587 : vector<16xf32>
        %get3A_590 = arith.index_cast %scan3A_455 : i32 to index
        %get3A_591 = arith.constant 128 : index
        %get3A_592 = tpu.vector_load %arg7[%get3A_590, %get3A_591] {strides = array<i32>} : memref<32x272xi32, #tpu.memory_space<vmem>>, vector<16xi32>,
        %shift_left3A_593 = arith.constant 16 : i32
        %shift_left3A_594 = vector.broadcast %shift_left3A_593 : i32 to vector<16xi32>
        %shift_left3A_595 = arith.shli %get3A_592, %shift_left3A_594 : vector<16xi32>
        %bitcast3A_596 = vector.bitcast %shift_left3A_595 : vector<16xi32> to vector<16xf32>
        %and3A_597 = arith.constant -65536 : i32
        %and3A_598 = vector.broadcast %and3A_597 : i32 to vector<16xi32>
        %and3A_599 = arith.andi %get3A_592, %and3A_598 : vector<16xi32>
        %bitcast3A_600 = vector.bitcast %and3A_599 : vector<16xi32> to vector<16xf32>
        %add3A_601 = arith.addf %scan3A_472, %bitcast3A_596 : vector<16xf32>
        %add3A_602 = arith.addf %scan3A_473, %bitcast3A_600 : vector<16xf32>
        %get3A_603 = arith.index_cast %scan3A_455 : i32 to index
        %get3A_604 = arith.constant 144 : index
        %get3A_605 = tpu.vector_load %arg7[%get3A_603, %get3A_604] {strides = array<i32>} : memref<32x272xi32, #tpu.memory_space<vmem>>, vector<16xi32>,
        %shift_left3A_606 = arith.constant 16 : i32
        %shift_left3A_607 = vector.broadcast %shift_left3A_606 : i32 to vector<16xi32>
        %shift_left3A_608 = arith.shli %get3A_605, %shift_left3A_607 : vector<16xi32>
        %bitcast3A_609 = vector.bitcast %shift_left3A_608 : vector<16xi32> to vector<16xf32>
        %and3A_610 = arith.constant -65536 : i32
        %and3A_611 = vector.broadcast %and3A_610 : i32 to vector<16xi32>
        %and3A_612 = arith.andi %get3A_605, %and3A_611 : vector<16xi32>
        %bitcast3A_613 = vector.bitcast %and3A_612 : vector<16xi32> to vector<16xf32>
        %add3A_614 = arith.addf %scan3A_474, %bitcast3A_609 : vector<16xf32>
        %add3A_615 = arith.addf %scan3A_475, %bitcast3A_613 : vector<16xf32>
        %get3A_616 = arith.index_cast %scan3A_455 : i32 to index
        %get3A_617 = arith.constant 160 : index
        %get3A_618 = tpu.vector_load %arg7[%get3A_616, %get3A_617] {strides = array<i32>} : memref<32x272xi32, #tpu.memory_space<vmem>>, vector<16xi32>,
        %shift_left3A_619 = arith.constant 16 : i32
        %shift_left3A_620 = vector.broadcast %shift_left3A_619 : i32 to vector<16xi32>
        %shift_left3A_621 = arith.shli %get3A_618, %shift_left3A_620 : vector<16xi32>
        %bitcast3A_622 = vector.bitcast %shift_left3A_621 : vector<16xi32> to vector<16xf32>
        %and3A_623 = arith.constant -65536 : i32
        %and3A_624 = vector.broadcast %and3A_623 : i32 to vector<16xi32>
        %and3A_625 = arith.andi %get3A_618, %and3A_624 : vector<16xi32>
        %bitcast3A_626 = vector.bitcast %and3A_625 : vector<16xi32> to vector<16xf32>
        %add3A_627 = arith.addf %scan3A_476, %bitcast3A_622 : vector<16xf32>
        %add3A_628 = arith.addf %scan3A_477, %bitcast3A_626 : vector<16xf32>
        %get3A_629 = arith.index_cast %scan3A_455 : i32 to index
        %get3A_630 = arith.constant 176 : index
        %get3A_631 = tpu.vector_load %arg7[%get3A_629, %get3A_630] {strides = array<i32>} : memref<32x272xi32, #tpu.memory_space<vmem>>, vector<16xi32>,
        %shift_left3A_632 = arith.constant 16 : i32
        %shift_left3A_633 = vector.broadcast %shift_left3A_632 : i32 to vector<16xi32>
        %shift_left3A_634 = arith.shli %get3A_631, %shift_left3A_633 : vector<16xi32>
        %bitcast3A_635 = vector.bitcast %shift_left3A_634 : vector<16xi32> to vector<16xf32>
        %and3A_636 = arith.constant -65536 : i32
        %and3A_637 = vector.broadcast %and3A_636 : i32 to vector<16xi32>
        %and3A_638 = arith.andi %get3A_631, %and3A_637 : vector<16xi32>
        %bitcast3A_639 = vector.bitcast %and3A_638 : vector<16xi32> to vector<16xf32>
        %add3A_640 = arith.addf %scan3A_478, %bitcast3A_635 : vector<16xf32>
        %add3A_641 = arith.addf %scan3A_479, %bitcast3A_639 : vector<16xf32>
        %get3A_642 = arith.index_cast %scan3A_455 : i32 to index
        %get3A_643 = arith.constant 192 : index
        %get3A_644 = tpu.vector_load %arg7[%get3A_642, %get3A_643] {strides = array<i32>} : memref<32x272xi32, #tpu.memory_space<vmem>>, vector<16xi32>,
        %shift_left3A_645 = arith.constant 16 : i32
        %shift_left3A_646 = vector.broadcast %shift_left3A_645 : i32 to vector<16xi32>
        %shift_left3A_647 = arith.shli %get3A_644, %shift_left3A_646 : vector<16xi32>
        %bitcast3A_648 = vector.bitcast %shift_left3A_647 : vector<16xi32> to vector<16xf32>
        %and3A_649 = arith.constant -65536 : i32
        %and3A_650 = vector.broadcast %and3A_649 : i32 to vector<16xi32>
        %and3A_651 = arith.andi %get3A_644, %and3A_650 : vector<16xi32>
        %bitcast3A_652 = vector.bitcast %and3A_651 : vector<16xi32> to vector<16xf32>
        %add3A_653 = arith.addf %scan3A_480, %bitcast3A_648 : vector<16xf32>
        %add3A_654 = arith.addf %scan3A_481, %bitcast3A_652 : vector<16xf32>
        %get3A_655 = arith.index_cast %scan3A_455 : i32 to index
        %get3A_656 = arith.constant 208 : index
        %get3A_657 = tpu.vector_load %arg7[%get3A_655, %get3A_656] {strides = array<i32>} : memref<32x272xi32, #tpu.memory_space<vmem>>, vector<16xi32>,
        %shift_left3A_658 = arith.constant 16 : i32
        %shift_left3A_659 = vector.broadcast %shift_left3A_658 : i32 to vector<16xi32>
        %shift_left3A_660 = arith.shli %get3A_657, %shift_left3A_659 : vector<16xi32>
        %bitcast3A_661 = vector.bitcast %shift_left3A_660 : vector<16xi32> to vector<16xf32>
        %and3A_662 = arith.constant -65536 : i32
        %and3A_663 = vector.broadcast %and3A_662 : i32 to vector<16xi32>
        %and3A_664 = arith.andi %get3A_657, %and3A_663 : vector<16xi32>
        %bitcast3A_665 = vector.bitcast %and3A_664 : vector<16xi32> to vector<16xf32>
        %add3A_666 = arith.addf %scan3A_482, %bitcast3A_661 : vector<16xf32>
        %add3A_667 = arith.addf %scan3A_483, %bitcast3A_665 : vector<16xf32>
        %get3A_668 = arith.index_cast %scan3A_455 : i32 to index
        %get3A_669 = arith.constant 224 : index
        %get3A_670 = tpu.vector_load %arg7[%get3A_668, %get3A_669] {strides = array<i32>} : memref<32x272xi32, #tpu.memory_space<vmem>>, vector<16xi32>,
        %shift_left3A_671 = arith.constant 16 : i32
        %shift_left3A_672 = vector.broadcast %shift_left3A_671 : i32 to vector<16xi32>
        %shift_left3A_673 = arith.shli %get3A_670, %shift_left3A_672 : vector<16xi32>
        %bitcast3A_674 = vector.bitcast %shift_left3A_673 : vector<16xi32> to vector<16xf32>
        %and3A_675 = arith.constant -65536 : i32
        %and3A_676 = vector.broadcast %and3A_675 : i32 to vector<16xi32>
        %and3A_677 = arith.andi %get3A_670, %and3A_676 : vector<16xi32>
        %bitcast3A_678 = vector.bitcast %and3A_677 : vector<16xi32> to vector<16xf32>
        %add3A_679 = arith.addf %scan3A_484, %bitcast3A_674 : vector<16xf32>
        %add3A_680 = arith.addf %scan3A_485, %bitcast3A_678 : vector<16xf32>
        %get3A_681 = arith.index_cast %scan3A_455 : i32 to index
        %get3A_682 = arith.constant 240 : index
        %get3A_683 = tpu.vector_load %arg7[%get3A_681, %get3A_682] {strides = array<i32>} : memref<32x272xi32, #tpu.memory_space<vmem>>, vector<16xi32>,
        %shift_left3A_684 = arith.constant 16 : i32
        %shift_left3A_685 = vector.broadcast %shift_left3A_684 : i32 to vector<16xi32>
        %shift_left3A_686 = arith.shli %get3A_683, %shift_left3A_685 : vector<16xi32>
        %bitcast3A_687 = vector.bitcast %shift_left3A_686 : vector<16xi32> to vector<16xf32>
        %and3A_688 = arith.constant -65536 : i32
        %and3A_689 = vector.broadcast %and3A_688 : i32 to vector<16xi32>
        %and3A_690 = arith.andi %get3A_683, %and3A_689 : vector<16xi32>
        %bitcast3A_691 = vector.bitcast %and3A_690 : vector<16xi32> to vector<16xf32>
        %add3A_692 = arith.addf %scan3A_486, %bitcast3A_687 : vector<16xf32>
        %add3A_693 = arith.addf %scan3A_487, %bitcast3A_691 : vector<16xf32>
        %get3A_694 = arith.index_cast %scan3A_455 : i32 to index
        %get3A_695 = arith.constant 256 : index
        %get3A_696 = tpu.vector_load %arg7[%get3A_694, %get3A_695] {strides = array<i32>} : memref<32x272xi32, #tpu.memory_space<vmem>>, vector<16xi32>,
        %shift_left3A_697 = arith.constant 16 : i32
        %shift_left3A_698 = vector.broadcast %shift_left3A_697 : i32 to vector<16xi32>
        %shift_left3A_699 = arith.shli %get3A_696, %shift_left3A_698 : vector<16xi32>
        %bitcast3A_700 = vector.bitcast %shift_left3A_699 : vector<16xi32> to vector<16xf32>
        %and3A_701 = arith.constant -65536 : i32
        %and3A_702 = vector.broadcast %and3A_701 : i32 to vector<16xi32>
        %and3A_703 = arith.andi %get3A_696, %and3A_702 : vector<16xi32>
        %bitcast3A_704 = vector.bitcast %and3A_703 : vector<16xi32> to vector<16xf32>
        %add3A_705 = arith.addf %scan3A_488, %bitcast3A_700 : vector<16xf32>
        %add3A_706 = arith.addf %scan3A_489, %bitcast3A_704 : vector<16xf32>
        scf.yield %add3A_497, %add3A_498, %add3A_510, %add3A_511, %add3A_523, %add3A_524, %add3A_536, %add3A_537, %add3A_549, %add3A_550, %add3A_562, %add3A_563, %add3A_575, %add3A_576, %add3A_588, %add3A_589, %add3A_601, %add3A_602, %add3A_614, %add3A_615, %add3A_627, %add3A_628, %add3A_640, %add3A_641, %add3A_653, %add3A_654, %add3A_666, %add3A_667, %add3A_679, %add3A_680, %add3A_692, %add3A_693, %add3A_705, %add3A_706 : vector<16xf32>, vector<16xf32>, vector<16xf32>, vector<16xf32>, vector<16xf32>, vector<16xf32>, vector<16xf32>, vector<16xf32>, vector<16xf32>, vector<16xf32>, vector<16xf32>, vector<16xf32>, vector<16xf32>, vector<16xf32>, vector<16xf32>, vector<16xf32>, vector<16xf32>, vector<16xf32>, vector<16xf32>, vector<16xf32>, vector<16xf32>, vector<16xf32>, vector<16xf32>, vector<16xf32>, vector<16xf32>, vector<16xf32>, vector<16xf32>, vector<16xf32>, vector<16xf32>, vector<16xf32>, vector<16xf32>, vector<16xf32>, vector<16xf32>, vector<16xf32>
      }
      %scan3A_169 = arith.constant 32 : i32
      %swap3A_170 = arith.constant 0 : index
      %swap3A_171 = tpu.vector_load %arg11[%swap3A_170] {strides = array<i32>} : memref<544xf32, #tpu.memory_space<vmem>>, vector<16xf32>,
      tpu.vector_store %arg11[%swap3A_170], %scan3A_168#0 {strides = array<i32>} : memref<544xf32, #tpu.memory_space<vmem>>, vector<16xf32>,
      %swap3A_172 = arith.constant 272 : index
      %swap3A_173 = tpu.vector_load %arg11[%swap3A_172] {strides = array<i32>} : memref<544xf32, #tpu.memory_space<vmem>>, vector<16xf32>,
      tpu.vector_store %arg11[%swap3A_172], %scan3A_168#1 {strides = array<i32>} : memref<544xf32, #tpu.memory_space<vmem>>, vector<16xf32>,
      %swap3A_174 = arith.constant 16 : index
      %swap3A_175 = tpu.vector_load %arg11[%swap3A_174] {strides = array<i32>} : memref<544xf32, #tpu.memory_space<vmem>>, vector<16xf32>,
      tpu.vector_store %arg11[%swap3A_174], %scan3A_168#2 {strides = array<i32>} : memref<544xf32, #tpu.memory_space<vmem>>, vector<16xf32>,
      %swap3A_176 = arith.constant 288 : index
      %swap3A_177 = tpu.vector_load %arg11[%swap3A_176] {strides = array<i32>} : memref<544xf32, #tpu.memory_space<vmem>>, vector<16xf32>,
      tpu.vector_store %arg11[%swap3A_176], %scan3A_168#3 {strides = array<i32>} : memref<544xf32, #tpu.memory_space<vmem>>, vector<16xf32>,
      %swap3A_178 = arith.constant 32 : index
      %swap3A_179 = tpu.vector_load %arg11[%swap3A_178] {strides = array<i32>} : memref<544xf32, #tpu.memory_space<vmem>>, vector<16xf32>,
      tpu.vector_store %arg11[%swap3A_178], %scan3A_168#4 {strides = array<i32>} : memref<544xf32, #tpu.memory_space<vmem>>, vector<16xf32>,
      %swap3A_180 = arith.constant 304 : index
      %swap3A_181 = tpu.vector_load %arg11[%swap3A_180] {strides = array<i32>} : memref<544xf32, #tpu.memory_space<vmem>>, vector<16xf32>,
      tpu.vector_store %arg11[%swap3A_180], %scan3A_168#5 {strides = array<i32>} : memref<544xf32, #tpu.memory_space<vmem>>, vector<16xf32>,
      %swap3A_182 = arith.constant 48 : index
      %swap3A_183 = tpu.vector_load %arg11[%swap3A_182] {strides = array<i32>} : memref<544xf32, #tpu.memory_space<vmem>>, vector<16xf32>,
      tpu.vector_store %arg11[%swap3A_182], %scan3A_168#6 {strides = array<i32>} : memref<544xf32, #tpu.memory_space<vmem>>, vector<16xf32>,
      %swap3A_184 = arith.constant 320 : index
      %swap3A_185 = tpu.vector_load %arg11[%swap3A_184] {strides = array<i32>} : memref<544xf32, #tpu.memory_space<vmem>>, vector<16xf32>,
      tpu.vector_store %arg11[%swap3A_184], %scan3A_168#7 {strides = array<i32>} : memref<544xf32, #tpu.memory_space<vmem>>, vector<16xf32>,
      %swap3A_186 = arith.constant 64 : index
      %swap3A_187 = tpu.vector_load %arg11[%swap3A_186] {strides = array<i32>} : memref<544xf32, #tpu.memory_space<vmem>>, vector<16xf32>,
      tpu.vector_store %arg11[%swap3A_186], %scan3A_168#8 {strides = array<i32>} : memref<544xf32, #tpu.memory_space<vmem>>, vector<16xf32>,
      %swap3A_188 = arith.constant 336 : index
      %swap3A_189 = tpu.vector_load %arg11[%swap3A_188] {strides = array<i32>} : memref<544xf32, #tpu.memory_space<vmem>>, vector<16xf32>,
      tpu.vector_store %arg11[%swap3A_188], %scan3A_168#9 {strides = array<i32>} : memref<544xf32, #tpu.memory_space<vmem>>, vector<16xf32>,
      %swap3A_190 = arith.constant 80 : index
      %swap3A_191 = tpu.vector_load %arg11[%swap3A_190] {strides = array<i32>} : memref<544xf32, #tpu.memory_space<vmem>>, vector<16xf32>,
      tpu.vector_store %arg11[%swap3A_190], %scan3A_168#10 {strides = array<i32>} : memref<544xf32, #tpu.memory_space<vmem>>, vector<16xf32>,
      %swap3A_192 = arith.constant 352 : index
      %swap3A_193 = tpu.vector_load %arg11[%swap3A_192] {strides = array<i32>} : memref<544xf32, #tpu.memory_space<vmem>>, vector<16xf32>,
      tpu.vector_store %arg11[%swap3A_192], %scan3A_168#11 {strides = array<i32>} : memref<544xf32, #tpu.memory_space<vmem>>, vector<16xf32>,
      %swap3A_194 = arith.constant 96 : index
      %swap3A_195 = tpu.vector_load %arg11[%swap3A_194] {strides = array<i32>} : memref<544xf32, #tpu.memory_space<vmem>>, vector<16xf32>,
      tpu.vector_store %arg11[%swap3A_194], %scan3A_168#12 {strides = array<i32>} : memref<544xf32, #tpu.memory_space<vmem>>, vector<16xf32>,
      %swap3A_196 = arith.constant 368 : index
      %swap3A_197 = tpu.vector_load %arg11[%swap3A_196] {strides = array<i32>} : memref<544xf32, #tpu.memory_space<vmem>>, vector<16xf32>,
      tpu.vector_store %arg11[%swap3A_196], %scan3A_168#13 {strides = array<i32>} : memref<544xf32, #tpu.memory_space<vmem>>, vector<16xf32>,
      %swap3A_198 = arith.constant 112 : index
      %swap3A_199 = tpu.vector_load %arg11[%swap3A_198] {strides = array<i32>} : memref<544xf32, #tpu.memory_space<vmem>>, vector<16xf32>,
      tpu.vector_store %arg11[%swap3A_198], %scan3A_168#14 {strides = array<i32>} : memref<544xf32, #tpu.memory_space<vmem>>, vector<16xf32>,
      %swap3A_200 = arith.constant 384 : index
      %swap3A_201 = tpu.vector_load %arg11[%swap3A_200] {strides = array<i32>} : memref<544xf32, #tpu.memory_space<vmem>>, vector<16xf32>,
      tpu.vector_store %arg11[%swap3A_200], %scan3A_168#15 {strides = array<i32>} : memref<544xf32, #tpu.memory_space<vmem>>, vector<16xf32>,
      %swap3A_202 = arith.constant 128 : index
      %swap3A_203 = tpu.vector_load %arg11[%swap3A_202] {strides = array<i32>} : memref<544xf32, #tpu.memory_space<vmem>>, vector<16xf32>,
      tpu.vector_store %arg11[%swap3A_202], %scan3A_168#16 {strides = array<i32>} : memref<544xf32, #tpu.memory_space<vmem>>, vector<16xf32>,
      %swap3A_204 = arith.constant 400 : index
      %swap3A_205 = tpu.vector_load %arg11[%swap3A_204] {strides = array<i32>} : memref<544xf32, #tpu.memory_space<vmem>>, vector<16xf32>,
      tpu.vector_store %arg11[%swap3A_204], %scan3A_168#17 {strides = array<i32>} : memref<544xf32, #tpu.memory_space<vmem>>, vector<16xf32>,
      %swap3A_206 = arith.constant 144 : index
      %swap3A_207 = tpu.vector_load %arg11[%swap3A_206] {strides = array<i32>} : memref<544xf32, #tpu.memory_space<vmem>>, vector<16xf32>,
      tpu.vector_store %arg11[%swap3A_206], %scan3A_168#18 {strides = array<i32>} : memref<544xf32, #tpu.memory_space<vmem>>, vector<16xf32>,
      %swap3A_208 = arith.constant 416 : index
      %swap3A_209 = tpu.vector_load %arg11[%swap3A_208] {strides = array<i32>} : memref<544xf32, #tpu.memory_space<vmem>>, vector<16xf32>,
      tpu.vector_store %arg11[%swap3A_208], %scan3A_168#19 {strides = array<i32>} : memref<544xf32, #tpu.memory_space<vmem>>, vector<16xf32>,
      %swap3A_210 = arith.constant 160 : index
      %swap3A_211 = tpu.vector_load %arg11[%swap3A_210] {strides = array<i32>} : memref<544xf32, #tpu.memory_space<vmem>>, vector<16xf32>,
      tpu.vector_store %arg11[%swap3A_210], %scan3A_168#20 {strides = array<i32>} : memref<544xf32, #tpu.memory_space<vmem>>, vector<16xf32>,
      %swap3A_212 = arith.constant 432 : index
      %swap3A_213 = tpu.vector_load %arg11[%swap3A_212] {strides = array<i32>} : memref<544xf32, #tpu.memory_space<vmem>>, vector<16xf32>,
      tpu.vector_store %arg11[%swap3A_212], %scan3A_168#21 {strides = array<i32>} : memref<544xf32, #tpu.memory_space<vmem>>, vector<16xf32>,
      %swap3A_214 = arith.constant 176 : index
      %swap3A_215 = tpu.vector_load %arg11[%swap3A_214] {strides = array<i32>} : memref<544xf32, #tpu.memory_space<vmem>>, vector<16xf32>,
      tpu.vector_store %arg11[%swap3A_214], %scan3A_168#22 {strides = array<i32>} : memref<544xf32, #tpu.memory_space<vmem>>, vector<16xf32>,
      %swap3A_216 = arith.constant 448 : index
      %swap3A_217 = tpu.vector_load %arg11[%swap3A_216] {strides = array<i32>} : memref<544xf32, #tpu.memory_space<vmem>>, vector<16xf32>,
      tpu.vector_store %arg11[%swap3A_216], %scan3A_168#23 {strides = array<i32>} : memref<544xf32, #tpu.memory_space<vmem>>, vector<16xf32>,
      %swap3A_218 = arith.constant 192 : index
      %swap3A_219 = tpu.vector_load %arg11[%swap3A_218] {strides = array<i32>} : memref<544xf32, #tpu.memory_space<vmem>>, vector<16xf32>,
      tpu.vector_store %arg11[%swap3A_218], %scan3A_168#24 {strides = array<i32>} : memref<544xf32, #tpu.memory_space<vmem>>, vector<16xf32>,
      %swap3A_220 = arith.constant 464 : index
      %swap3A_221 = tpu.vector_load %arg11[%swap3A_220] {strides = array<i32>} : memref<544xf32, #tpu.memory_space<vmem>>, vector<16xf32>,
      tpu.vector_store %arg11[%swap3A_220], %scan3A_168#25 {strides = array<i32>} : memref<544xf32, #tpu.memory_space<vmem>>, vector<16xf32>,
      %swap3A_222 = arith.constant 208 : index
      %swap3A_223 = tpu.vector_load %arg11[%swap3A_222] {strides = array<i32>} : memref<544xf32, #tpu.memory_space<vmem>>, vector<16xf32>,
      tpu.vector_store %arg11[%swap3A_222], %scan3A_168#26 {strides = array<i32>} : memref<544xf32, #tpu.memory_space<vmem>>, vector<16xf32>,
      %swap3A_224 = arith.constant 480 : index
      %swap3A_225 = tpu.vector_load %arg11[%swap3A_224] {strides = array<i32>} : memref<544xf32, #tpu.memory_space<vmem>>, vector<16xf32>,
      tpu.vector_store %arg11[%swap3A_224], %scan3A_168#27 {strides = array<i32>} : memref<544xf32, #tpu.memory_space<vmem>>, vector<16xf32>,
      %swap3A_226 = arith.constant 224 : index
      %swap3A_227 = tpu.vector_load %arg11[%swap3A_226] {strides = array<i32>} : memref<544xf32, #tpu.memory_space<vmem>>, vector<16xf32>,
      tpu.vector_store %arg11[%swap3A_226], %scan3A_168#28 {strides = array<i32>} : memref<544xf32, #tpu.memory_space<vmem>>, vector<16xf32>,
      %swap3A_228 = arith.constant 496 : index
      %swap3A_229 = tpu.vector_load %arg11[%swap3A_228] {strides = array<i32>} : memref<544xf32, #tpu.memory_space<vmem>>, vector<16xf32>,
      tpu.vector_store %arg11[%swap3A_228], %scan3A_168#29 {strides = array<i32>} : memref<544xf32, #tpu.memory_space<vmem>>, vector<16xf32>,
      %swap3A_230 = arith.constant 240 : index
      %swap3A_231 = tpu.vector_load %arg11[%swap3A_230] {strides = array<i32>} : memref<544xf32, #tpu.memory_space<vmem>>, vector<16xf32>,
      tpu.vector_store %arg11[%swap3A_230], %scan3A_168#30 {strides = array<i32>} : memref<544xf32, #tpu.memory_space<vmem>>, vector<16xf32>,
      %swap3A_232 = arith.constant 512 : index
      %swap3A_233 = tpu.vector_load %arg11[%swap3A_232] {strides = array<i32>} : memref<544xf32, #tpu.memory_space<vmem>>, vector<16xf32>,
      tpu.vector_store %arg11[%swap3A_232], %scan3A_168#31 {strides = array<i32>} : memref<544xf32, #tpu.memory_space<vmem>>, vector<16xf32>,
      %swap3A_234 = arith.constant 256 : index
      %swap3A_235 = tpu.vector_load %arg11[%swap3A_234] {strides = array<i32>} : memref<544xf32, #tpu.memory_space<vmem>>, vector<16xf32>,
      tpu.vector_store %arg11[%swap3A_234], %scan3A_168#32 {strides = array<i32>} : memref<544xf32, #tpu.memory_space<vmem>>, vector<16xf32>,
      %swap3A_236 = arith.constant 528 : index
      %swap3A_237 = tpu.vector_load %arg11[%swap3A_236] {strides = array<i32>} : memref<544xf32, #tpu.memory_space<vmem>>, vector<16xf32>,
      tpu.vector_store %arg11[%swap3A_236], %scan3A_168#33 {strides = array<i32>} : memref<544xf32, #tpu.memory_space<vmem>>, vector<16xf32>,
      %add3A_238 = arith.addi %mul3A_2, %add3A_143 : i32
      %dma_start3A_239 = arith.constant 0 : i32
      %dma_start3A_240 = tpu.memref_slice %arg4[%add3A_238, %dma_start3A_239] : memref<8192x544xf32, #tpu.memory_space<hbm>> -> memref<1x544xf32, #tpu.memory_space<hbm>>
      %dma_start3A_241 = tpu.memref_squeeze %dma_start3A_240 : memref<1x544xf32, #tpu.memory_space<hbm>> -> memref<544xf32, #tpu.memory_space<hbm>>
      %dma_start3A_242 = arith.constant 0 : i32
      %dma_start3A_243 = tpu.memref_slice %arg4[%add3A_238, %dma_start3A_242] : memref<8192x544xf32, #tpu.memory_space<hbm>> -> memref<1x544xf32, #tpu.memory_space<hbm>>
      %dma_start3A_244 = tpu.memref_squeeze %dma_start3A_243 : memref<1x544xf32, #tpu.memory_space<hbm>> -> memref<544xf32, #tpu.memory_space<hbm>>
      tpu.enqueue_dma source(%arg11 : memref<544xf32, #tpu.memory_space<vmem>>) target(%dma_start3A_244 : memref<544xf32, #tpu.memory_space<hbm>>) target_semaphore(%arg17 : memref<!tpu.dma_semaphore, #tpu.memory_space<semaphore_mem>>)
      %mul3A_245 = arith.constant 4 : i32
      %mul3A_246 = arith.muli %scan3A_40, %mul3A_245 : i32
      %add3A_247 = arith.constant 2 : i32
      %add3A_248 = arith.addi %mul3A_246, %add3A_247 : i32
      %add3A_249 = arith.constant 4 : i32
      %add3A_250 = arith.addi %add3A_248, %add3A_249 : i32
      %sub3A_251 = arith.constant 1 : i32
      %sub3A_252 = arith.subi %add3A_250, %sub3A_251 : i32
      %lt3A_253 = arith.constant 256 : i32
      %lt3A_254 = arith.cmpi slt, %sub3A_252, %lt3A_253 : i32
      %convert_element_type3A_255 = arith.extui %lt3A_254 : i1 to i32
      %cond3A_256 = arith.constant 0 : i32
      %cond3A_257 = arith.cmpi ne, %convert_element_type3A_255, %cond3A_256 : i32
      scf.if %cond3A_257 {
        %dma_start3A_455 = arith.constant 0 : i32
        %dma_start3A_456 = tpu.memref_slice %arg5[%sub3A_252, %dma_start3A_455] : memref<256x32xi32, #tpu.memory_space<vmem>> -> memref<1x32xi32, #tpu.memory_space<vmem>>
        %dma_start3A_457 = tpu.memref_squeeze %dma_start3A_456 : memref<1x32xi32, #tpu.memory_space<vmem>> -> memref<32xi32, #tpu.memory_space<vmem>>
        %dma_start3A_458 = arith.constant 0 : i32
        %dma_start3A_459 = arith.constant 0 : i32
        %dma_start3A_460 = tpu.memref_slice %arg2[%dma_start3A_458, %dma_start3A_459] : memref<45056x272xi32, #tpu.memory_space<hbm>> -> memref<45056x272xi32, #tpu.memory_space<hbm>>
        tpu.enqueue_indirect_dma source(%dma_start3A_460 : memref<45056x272xi32, #tpu.memory_space<hbm>>) target(%arg7 : memref<32x272xi32, #tpu.memory_space<vmem>>) offsets(%dma_start3A_457 : memref<32xi32, #tpu.memory_space<vmem>>) semaphore(%arg13 : memref<!tpu.dma_semaphore, #tpu.memory_space<semaphore_mem>>)
      } else {
      }
      %dma_wait3A_258 = arith.constant 0 : i32
      %dma_wait3A_259 = tpu.memref_slice %arg5[%add3A_248, %dma_wait3A_258] : memref<256x32xi32, #tpu.memory_space<vmem>> -> memref<1x32xi32, #tpu.memory_space<vmem>>
      %dma_wait3A_260 = tpu.memref_squeeze %dma_wait3A_259 : memref<1x32xi32, #tpu.memory_space<vmem>> -> memref<32xi32, #tpu.memory_space<vmem>>
      %dma_wait3A_261 = arith.constant 0 : i32
      %dma_wait3A_262 = arith.constant 0 : i32
      %dma_wait3A_263 = tpu.memref_slice %arg2[%dma_wait3A_261, %dma_wait3A_262] : memref<45056x272xi32, #tpu.memory_space<hbm>> -> memref<45056x272xi32, #tpu.memory_space<hbm>>
      tpu.wait_indirect_dma semaphore(%arg14 : memref<!tpu.dma_semaphore, #tpu.memory_space<semaphore_mem>>) src(%dma_wait3A_263 : memref<45056x272xi32, #tpu.memory_space<hbm>>) dst(%arg8 : memref<32x272xi32, #tpu.memory_space<vmem>>)
      %ge3A_264 = arith.constant 2 : i32
      %ge3A_265 = arith.cmpi sge, %add3A_248, %ge3A_264 : i32
      %convert_element_type3A_266 = arith.extui %ge3A_265 : i1 to i32
      %cond3A_267 = arith.constant 0 : i32
      %cond3A_268 = arith.cmpi ne, %convert_element_type3A_266, %cond3A_267 : i32
      scf.if %cond3A_268 {
        %dma_wait3A_455 = arith.constant 0 : i32
        %dma_wait3A_456 = tpu.memref_slice %arg4[%mul3A_2, %dma_wait3A_455] : memref<8192x544xf32, #tpu.memory_space<hbm>> -> memref<1x544xf32, #tpu.memory_space<hbm>>
        %dma_wait3A_457 = tpu.memref_squeeze %dma_wait3A_456 : memref<1x544xf32, #tpu.memory_space<hbm>> -> memref<544xf32, #tpu.memory_space<hbm>>
        %dma_wait3A_458 = arith.constant 0 : i32
        %dma_wait3A_459 = tpu.memref_slice %arg4[%mul3A_2, %dma_wait3A_458] : memref<8192x544xf32, #tpu.memory_space<hbm>> -> memref<1x544xf32, #tpu.memory_space<hbm>>
        %dma_wait3A_460 = tpu.memref_squeeze %dma_wait3A_459 : memref<1x544xf32, #tpu.memory_space<hbm>> -> memref<544xf32, #tpu.memory_space<hbm>>
        tpu.wait_dma2 semaphore(%arg16 : memref<!tpu.dma_semaphore, #tpu.memory_space<semaphore_mem>>) src(%arg10 : memref<544xf32, #tpu.memory_space<vmem>>) dst(%dma_wait3A_460 : memref<544xf32, #tpu.memory_space<hbm>>)
      } else {
      }
      %scan3A_269 = arith.constant 0 : i32
      %scan3A_270 = arith.constant 32 : i32
      %scan3A_271 = arith.addi %scan3A_269, %scan3A_270 : i32
      %scan3A_272 = arith.constant 1 : i32
      %scan3A_273:34 = scf.for %scan3A_455 = %scan3A_269 to %scan3A_271 step %scan3A_272 iter_args(%scan3A_456 = %broadcast_in_dim3A_3, %scan3A_457 = %broadcast_in_dim3A_3, %scan3A_458 = %broadcast_in_dim3A_3, %scan3A_459 = %broadcast_in_dim3A_3, %scan3A_460 = %broadcast_in_dim3A_3, %scan3A_461 = %broadcast_in_dim3A_3, %scan3A_462 = %broadcast_in_dim3A_3, %scan3A_463 = %broadcast_in_dim3A_3, %scan3A_464 = %broadcast_in_dim3A_3, %scan3A_465 = %broadcast_in_dim3A_3, %scan3A_466 = %broadcast_in_dim3A_3, %scan3A_467 = %broadcast_in_dim3A_3, %scan3A_468 = %broadcast_in_dim3A_3, %scan3A_469 = %broadcast_in_dim3A_3, %scan3A_470 = %broadcast_in_dim3A_3, %scan3A_471 = %broadcast_in_dim3A_3, %scan3A_472 = %broadcast_in_dim3A_3, %scan3A_473 = %broadcast_in_dim3A_3, %scan3A_474 = %broadcast_in_dim3A_3, %scan3A_475 = %broadcast_in_dim3A_3, %scan3A_476 = %broadcast_in_dim3A_3, %scan3A_477 = %broadcast_in_dim3A_3, %scan3A_478 = %broadcast_in_dim3A_3, %scan3A_479 = %broadcast_in_dim3A_3, %scan3A_480 = %broadcast_in_dim3A_3, %scan3A_481 = %broadcast_in_dim3A_3, %scan3A_482 = %broadcast_in_dim3A_3, %scan3A_483 = %broadcast_in_dim3A_3, %scan3A_484 = %broadcast_in_dim3A_3, %scan3A_485 = %broadcast_in_dim3A_3, %scan3A_486 = %broadcast_in_dim3A_3, %scan3A_487 = %broadcast_in_dim3A_3, %scan3A_488 = %broadcast_in_dim3A_3, %scan3A_489 = %broadcast_in_dim3A_3) -> (vector<16xf32>, vector<16xf32>, vector<16xf32>, vector<16xf32>, vector<16xf32>, vector<16xf32>, vector<16xf32>, vector<16xf32>, vector<16xf32>, vector<16xf32>, vector<16xf32>, vector<16xf32>, vector<16xf32>, vector<16xf32>, vector<16xf32>, vector<16xf32>, vector<16xf32>, vector<16xf32>, vector<16xf32>, vector<16xf32>, vector<16xf32>, vector<16xf32>, vector<16xf32>, vector<16xf32>, vector<16xf32>, vector<16xf32>, vector<16xf32>, vector<16xf32>, vector<16xf32>, vector<16xf32>, vector<16xf32>, vector<16xf32>, vector<16xf32>, vector<16xf32>)  : i32 {
        %get3A = arith.index_cast %scan3A_455 : i32 to index
        %get3A_490 = arith.constant 0 : index
        %get3A_491 = tpu.vector_load %arg8[%get3A, %get3A_490] {strides = array<i32>} : memref<32x272xi32, #tpu.memory_space<vmem>>, vector<16xi32>,
        %shift_left3A = arith.constant 16 : i32
        %shift_left3A_492 = vector.broadcast %shift_left3A : i32 to vector<16xi32>
        %shift_left3A_493 = arith.shli %get3A_491, %shift_left3A_492 : vector<16xi32>
        %bitcast3A = vector.bitcast %shift_left3A_493 : vector<16xi32> to vector<16xf32>
        %and3A = arith.constant -65536 : i32
        %and3A_494 = vector.broadcast %and3A : i32 to vector<16xi32>
        %and3A_495 = arith.andi %get3A_491, %and3A_494 : vector<16xi32>
        %bitcast3A_496 = vector.bitcast %and3A_495 : vector<16xi32> to vector<16xf32>
        %add3A_497 = arith.addf %scan3A_456, %bitcast3A : vector<16xf32>
        %add3A_498 = arith.addf %scan3A_457, %bitcast3A_496 : vector<16xf32>
        %get3A_499 = arith.index_cast %scan3A_455 : i32 to index
        %get3A_500 = arith.constant 16 : index
        %get3A_501 = tpu.vector_load %arg8[%get3A_499, %get3A_500] {strides = array<i32>} : memref<32x272xi32, #tpu.memory_space<vmem>>, vector<16xi32>,
        %shift_left3A_502 = arith.constant 16 : i32
        %shift_left3A_503 = vector.broadcast %shift_left3A_502 : i32 to vector<16xi32>
        %shift_left3A_504 = arith.shli %get3A_501, %shift_left3A_503 : vector<16xi32>
        %bitcast3A_505 = vector.bitcast %shift_left3A_504 : vector<16xi32> to vector<16xf32>
        %and3A_506 = arith.constant -65536 : i32
        %and3A_507 = vector.broadcast %and3A_506 : i32 to vector<16xi32>
        %and3A_508 = arith.andi %get3A_501, %and3A_507 : vector<16xi32>
        %bitcast3A_509 = vector.bitcast %and3A_508 : vector<16xi32> to vector<16xf32>
        %add3A_510 = arith.addf %scan3A_458, %bitcast3A_505 : vector<16xf32>
        %add3A_511 = arith.addf %scan3A_459, %bitcast3A_509 : vector<16xf32>
        %get3A_512 = arith.index_cast %scan3A_455 : i32 to index
        %get3A_513 = arith.constant 32 : index
        %get3A_514 = tpu.vector_load %arg8[%get3A_512, %get3A_513] {strides = array<i32>} : memref<32x272xi32, #tpu.memory_space<vmem>>, vector<16xi32>,
        %shift_left3A_515 = arith.constant 16 : i32
        %shift_left3A_516 = vector.broadcast %shift_left3A_515 : i32 to vector<16xi32>
        %shift_left3A_517 = arith.shli %get3A_514, %shift_left3A_516 : vector<16xi32>
        %bitcast3A_518 = vector.bitcast %shift_left3A_517 : vector<16xi32> to vector<16xf32>
        %and3A_519 = arith.constant -65536 : i32
        %and3A_520 = vector.broadcast %and3A_519 : i32 to vector<16xi32>
        %and3A_521 = arith.andi %get3A_514, %and3A_520 : vector<16xi32>
        %bitcast3A_522 = vector.bitcast %and3A_521 : vector<16xi32> to vector<16xf32>
        %add3A_523 = arith.addf %scan3A_460, %bitcast3A_518 : vector<16xf32>
        %add3A_524 = arith.addf %scan3A_461, %bitcast3A_522 : vector<16xf32>
        %get3A_525 = arith.index_cast %scan3A_455 : i32 to index
        %get3A_526 = arith.constant 48 : index
        %get3A_527 = tpu.vector_load %arg8[%get3A_525, %get3A_526] {strides = array<i32>} : memref<32x272xi32, #tpu.memory_space<vmem>>, vector<16xi32>,
        %shift_left3A_528 = arith.constant 16 : i32
        %shift_left3A_529 = vector.broadcast %shift_left3A_528 : i32 to vector<16xi32>
        %shift_left3A_530 = arith.shli %get3A_527, %shift_left3A_529 : vector<16xi32>
        %bitcast3A_531 = vector.bitcast %shift_left3A_530 : vector<16xi32> to vector<16xf32>
        %and3A_532 = arith.constant -65536 : i32
        %and3A_533 = vector.broadcast %and3A_532 : i32 to vector<16xi32>
        %and3A_534 = arith.andi %get3A_527, %and3A_533 : vector<16xi32>
        %bitcast3A_535 = vector.bitcast %and3A_534 : vector<16xi32> to vector<16xf32>
        %add3A_536 = arith.addf %scan3A_462, %bitcast3A_531 : vector<16xf32>
        %add3A_537 = arith.addf %scan3A_463, %bitcast3A_535 : vector<16xf32>
        %get3A_538 = arith.index_cast %scan3A_455 : i32 to index
        %get3A_539 = arith.constant 64 : index
        %get3A_540 = tpu.vector_load %arg8[%get3A_538, %get3A_539] {strides = array<i32>} : memref<32x272xi32, #tpu.memory_space<vmem>>, vector<16xi32>,
        %shift_left3A_541 = arith.constant 16 : i32
        %shift_left3A_542 = vector.broadcast %shift_left3A_541 : i32 to vector<16xi32>
        %shift_left3A_543 = arith.shli %get3A_540, %shift_left3A_542 : vector<16xi32>
        %bitcast3A_544 = vector.bitcast %shift_left3A_543 : vector<16xi32> to vector<16xf32>
        %and3A_545 = arith.constant -65536 : i32
        %and3A_546 = vector.broadcast %and3A_545 : i32 to vector<16xi32>
        %and3A_547 = arith.andi %get3A_540, %and3A_546 : vector<16xi32>
        %bitcast3A_548 = vector.bitcast %and3A_547 : vector<16xi32> to vector<16xf32>
        %add3A_549 = arith.addf %scan3A_464, %bitcast3A_544 : vector<16xf32>
        %add3A_550 = arith.addf %scan3A_465, %bitcast3A_548 : vector<16xf32>
        %get3A_551 = arith.index_cast %scan3A_455 : i32 to index
        %get3A_552 = arith.constant 80 : index
        %get3A_553 = tpu.vector_load %arg8[%get3A_551, %get3A_552] {strides = array<i32>} : memref<32x272xi32, #tpu.memory_space<vmem>>, vector<16xi32>,
        %shift_left3A_554 = arith.constant 16 : i32
        %shift_left3A_555 = vector.broadcast %shift_left3A_554 : i32 to vector<16xi32>
        %shift_left3A_556 = arith.shli %get3A_553, %shift_left3A_555 : vector<16xi32>
        %bitcast3A_557 = vector.bitcast %shift_left3A_556 : vector<16xi32> to vector<16xf32>
        %and3A_558 = arith.constant -65536 : i32
        %and3A_559 = vector.broadcast %and3A_558 : i32 to vector<16xi32>
        %and3A_560 = arith.andi %get3A_553, %and3A_559 : vector<16xi32>
        %bitcast3A_561 = vector.bitcast %and3A_560 : vector<16xi32> to vector<16xf32>
        %add3A_562 = arith.addf %scan3A_466, %bitcast3A_557 : vector<16xf32>
        %add3A_563 = arith.addf %scan3A_467, %bitcast3A_561 : vector<16xf32>
        %get3A_564 = arith.index_cast %scan3A_455 : i32 to index
        %get3A_565 = arith.constant 96 : index
        %get3A_566 = tpu.vector_load %arg8[%get3A_564, %get3A_565] {strides = array<i32>} : memref<32x272xi32, #tpu.memory_space<vmem>>, vector<16xi32>,
        %shift_left3A_567 = arith.constant 16 : i32
        %shift_left3A_568 = vector.broadcast %shift_left3A_567 : i32 to vector<16xi32>
        %shift_left3A_569 = arith.shli %get3A_566, %shift_left3A_568 : vector<16xi32>
        %bitcast3A_570 = vector.bitcast %shift_left3A_569 : vector<16xi32> to vector<16xf32>
        %and3A_571 = arith.constant -65536 : i32
        %and3A_572 = vector.broadcast %and3A_571 : i32 to vector<16xi32>
        %and3A_573 = arith.andi %get3A_566, %and3A_572 : vector<16xi32>
        %bitcast3A_574 = vector.bitcast %and3A_573 : vector<16xi32> to vector<16xf32>
        %add3A_575 = arith.addf %scan3A_468, %bitcast3A_570 : vector<16xf32>
        %add3A_576 = arith.addf %scan3A_469, %bitcast3A_574 : vector<16xf32>
        %get3A_577 = arith.index_cast %scan3A_455 : i32 to index
        %get3A_578 = arith.constant 112 : index
        %get3A_579 = tpu.vector_load %arg8[%get3A_577, %get3A_578] {strides = array<i32>} : memref<32x272xi32, #tpu.memory_space<vmem>>, vector<16xi32>,
        %shift_left3A_580 = arith.constant 16 : i32
        %shift_left3A_581 = vector.broadcast %shift_left3A_580 : i32 to vector<16xi32>
        %shift_left3A_582 = arith.shli %get3A_579, %shift_left3A_581 : vector<16xi32>
        %bitcast3A_583 = vector.bitcast %shift_left3A_582 : vector<16xi32> to vector<16xf32>
        %and3A_584 = arith.constant -65536 : i32
        %and3A_585 = vector.broadcast %and3A_584 : i32 to vector<16xi32>
        %and3A_586 = arith.andi %get3A_579, %and3A_585 : vector<16xi32>
        %bitcast3A_587 = vector.bitcast %and3A_586 : vector<16xi32> to vector<16xf32>
        %add3A_588 = arith.addf %scan3A_470, %bitcast3A_583 : vector<16xf32>
        %add3A_589 = arith.addf %scan3A_471, %bitcast3A_587 : vector<16xf32>
        %get3A_590 = arith.index_cast %scan3A_455 : i32 to index
        %get3A_591 = arith.constant 128 : index
        %get3A_592 = tpu.vector_load %arg8[%get3A_590, %get3A_591] {strides = array<i32>} : memref<32x272xi32, #tpu.memory_space<vmem>>, vector<16xi32>,
        %shift_left3A_593 = arith.constant 16 : i32
        %shift_left3A_594 = vector.broadcast %shift_left3A_593 : i32 to vector<16xi32>
        %shift_left3A_595 = arith.shli %get3A_592, %shift_left3A_594 : vector<16xi32>
        %bitcast3A_596 = vector.bitcast %shift_left3A_595 : vector<16xi32> to vector<16xf32>
        %and3A_597 = arith.constant -65536 : i32
        %and3A_598 = vector.broadcast %and3A_597 : i32 to vector<16xi32>
        %and3A_599 = arith.andi %get3A_592, %and3A_598 : vector<16xi32>
        %bitcast3A_600 = vector.bitcast %and3A_599 : vector<16xi32> to vector<16xf32>
        %add3A_601 = arith.addf %scan3A_472, %bitcast3A_596 : vector<16xf32>
        %add3A_602 = arith.addf %scan3A_473, %bitcast3A_600 : vector<16xf32>
        %get3A_603 = arith.index_cast %scan3A_455 : i32 to index
        %get3A_604 = arith.constant 144 : index
        %get3A_605 = tpu.vector_load %arg8[%get3A_603, %get3A_604] {strides = array<i32>} : memref<32x272xi32, #tpu.memory_space<vmem>>, vector<16xi32>,
        %shift_left3A_606 = arith.constant 16 : i32
        %shift_left3A_607 = vector.broadcast %shift_left3A_606 : i32 to vector<16xi32>
        %shift_left3A_608 = arith.shli %get3A_605, %shift_left3A_607 : vector<16xi32>
        %bitcast3A_609 = vector.bitcast %shift_left3A_608 : vector<16xi32> to vector<16xf32>
        %and3A_610 = arith.constant -65536 : i32
        %and3A_611 = vector.broadcast %and3A_610 : i32 to vector<16xi32>
        %and3A_612 = arith.andi %get3A_605, %and3A_611 : vector<16xi32>
        %bitcast3A_613 = vector.bitcast %and3A_612 : vector<16xi32> to vector<16xf32>
        %add3A_614 = arith.addf %scan3A_474, %bitcast3A_609 : vector<16xf32>
        %add3A_615 = arith.addf %scan3A_475, %bitcast3A_613 : vector<16xf32>
        %get3A_616 = arith.index_cast %scan3A_455 : i32 to index
        %get3A_617 = arith.constant 160 : index
        %get3A_618 = tpu.vector_load %arg8[%get3A_616, %get3A_617] {strides = array<i32>} : memref<32x272xi32, #tpu.memory_space<vmem>>, vector<16xi32>,
        %shift_left3A_619 = arith.constant 16 : i32
        %shift_left3A_620 = vector.broadcast %shift_left3A_619 : i32 to vector<16xi32>
        %shift_left3A_621 = arith.shli %get3A_618, %shift_left3A_620 : vector<16xi32>
        %bitcast3A_622 = vector.bitcast %shift_left3A_621 : vector<16xi32> to vector<16xf32>
        %and3A_623 = arith.constant -65536 : i32
        %and3A_624 = vector.broadcast %and3A_623 : i32 to vector<16xi32>
        %and3A_625 = arith.andi %get3A_618, %and3A_624 : vector<16xi32>
        %bitcast3A_626 = vector.bitcast %and3A_625 : vector<16xi32> to vector<16xf32>
        %add3A_627 = arith.addf %scan3A_476, %bitcast3A_622 : vector<16xf32>
        %add3A_628 = arith.addf %scan3A_477, %bitcast3A_626 : vector<16xf32>
        %get3A_629 = arith.index_cast %scan3A_455 : i32 to index
        %get3A_630 = arith.constant 176 : index
        %get3A_631 = tpu.vector_load %arg8[%get3A_629, %get3A_630] {strides = array<i32>} : memref<32x272xi32, #tpu.memory_space<vmem>>, vector<16xi32>,
        %shift_left3A_632 = arith.constant 16 : i32
        %shift_left3A_633 = vector.broadcast %shift_left3A_632 : i32 to vector<16xi32>
        %shift_left3A_634 = arith.shli %get3A_631, %shift_left3A_633 : vector<16xi32>
        %bitcast3A_635 = vector.bitcast %shift_left3A_634 : vector<16xi32> to vector<16xf32>
        %and3A_636 = arith.constant -65536 : i32
        %and3A_637 = vector.broadcast %and3A_636 : i32 to vector<16xi32>
        %and3A_638 = arith.andi %get3A_631, %and3A_637 : vector<16xi32>
        %bitcast3A_639 = vector.bitcast %and3A_638 : vector<16xi32> to vector<16xf32>
        %add3A_640 = arith.addf %scan3A_478, %bitcast3A_635 : vector<16xf32>
        %add3A_641 = arith.addf %scan3A_479, %bitcast3A_639 : vector<16xf32>
        %get3A_642 = arith.index_cast %scan3A_455 : i32 to index
        %get3A_643 = arith.constant 192 : index
        %get3A_644 = tpu.vector_load %arg8[%get3A_642, %get3A_643] {strides = array<i32>} : memref<32x272xi32, #tpu.memory_space<vmem>>, vector<16xi32>,
        %shift_left3A_645 = arith.constant 16 : i32
        %shift_left3A_646 = vector.broadcast %shift_left3A_645 : i32 to vector<16xi32>
        %shift_left3A_647 = arith.shli %get3A_644, %shift_left3A_646 : vector<16xi32>
        %bitcast3A_648 = vector.bitcast %shift_left3A_647 : vector<16xi32> to vector<16xf32>
        %and3A_649 = arith.constant -65536 : i32
        %and3A_650 = vector.broadcast %and3A_649 : i32 to vector<16xi32>
        %and3A_651 = arith.andi %get3A_644, %and3A_650 : vector<16xi32>
        %bitcast3A_652 = vector.bitcast %and3A_651 : vector<16xi32> to vector<16xf32>
        %add3A_653 = arith.addf %scan3A_480, %bitcast3A_648 : vector<16xf32>
        %add3A_654 = arith.addf %scan3A_481, %bitcast3A_652 : vector<16xf32>
        %get3A_655 = arith.index_cast %scan3A_455 : i32 to index
        %get3A_656 = arith.constant 208 : index
        %get3A_657 = tpu.vector_load %arg8[%get3A_655, %get3A_656] {strides = array<i32>} : memref<32x272xi32, #tpu.memory_space<vmem>>, vector<16xi32>,
        %shift_left3A_658 = arith.constant 16 : i32
        %shift_left3A_659 = vector.broadcast %shift_left3A_658 : i32 to vector<16xi32>
        %shift_left3A_660 = arith.shli %get3A_657, %shift_left3A_659 : vector<16xi32>
        %bitcast3A_661 = vector.bitcast %shift_left3A_660 : vector<16xi32> to vector<16xf32>
        %and3A_662 = arith.constant -65536 : i32
        %and3A_663 = vector.broadcast %and3A_662 : i32 to vector<16xi32>
        %and3A_664 = arith.andi %get3A_657, %and3A_663 : vector<16xi32>
        %bitcast3A_665 = vector.bitcast %and3A_664 : vector<16xi32> to vector<16xf32>
        %add3A_666 = arith.addf %scan3A_482, %bitcast3A_661 : vector<16xf32>
        %add3A_667 = arith.addf %scan3A_483, %bitcast3A_665 : vector<16xf32>
        %get3A_668 = arith.index_cast %scan3A_455 : i32 to index
        %get3A_669 = arith.constant 224 : index
        %get3A_670 = tpu.vector_load %arg8[%get3A_668, %get3A_669] {strides = array<i32>} : memref<32x272xi32, #tpu.memory_space<vmem>>, vector<16xi32>,
        %shift_left3A_671 = arith.constant 16 : i32
        %shift_left3A_672 = vector.broadcast %shift_left3A_671 : i32 to vector<16xi32>
        %shift_left3A_673 = arith.shli %get3A_670, %shift_left3A_672 : vector<16xi32>
        %bitcast3A_674 = vector.bitcast %shift_left3A_673 : vector<16xi32> to vector<16xf32>
        %and3A_675 = arith.constant -65536 : i32
        %and3A_676 = vector.broadcast %and3A_675 : i32 to vector<16xi32>
        %and3A_677 = arith.andi %get3A_670, %and3A_676 : vector<16xi32>
        %bitcast3A_678 = vector.bitcast %and3A_677 : vector<16xi32> to vector<16xf32>
        %add3A_679 = arith.addf %scan3A_484, %bitcast3A_674 : vector<16xf32>
        %add3A_680 = arith.addf %scan3A_485, %bitcast3A_678 : vector<16xf32>
        %get3A_681 = arith.index_cast %scan3A_455 : i32 to index
        %get3A_682 = arith.constant 240 : index
        %get3A_683 = tpu.vector_load %arg8[%get3A_681, %get3A_682] {strides = array<i32>} : memref<32x272xi32, #tpu.memory_space<vmem>>, vector<16xi32>,
        %shift_left3A_684 = arith.constant 16 : i32
        %shift_left3A_685 = vector.broadcast %shift_left3A_684 : i32 to vector<16xi32>
        %shift_left3A_686 = arith.shli %get3A_683, %shift_left3A_685 : vector<16xi32>
        %bitcast3A_687 = vector.bitcast %shift_left3A_686 : vector<16xi32> to vector<16xf32>
        %and3A_688 = arith.constant -65536 : i32
        %and3A_689 = vector.broadcast %and3A_688 : i32 to vector<16xi32>
        %and3A_690 = arith.andi %get3A_683, %and3A_689 : vector<16xi32>
        %bitcast3A_691 = vector.bitcast %and3A_690 : vector<16xi32> to vector<16xf32>
        %add3A_692 = arith.addf %scan3A_486, %bitcast3A_687 : vector<16xf32>
        %add3A_693 = arith.addf %scan3A_487, %bitcast3A_691 : vector<16xf32>
        %get3A_694 = arith.index_cast %scan3A_455 : i32 to index
        %get3A_695 = arith.constant 256 : index
        %get3A_696 = tpu.vector_load %arg8[%get3A_694, %get3A_695] {strides = array<i32>} : memref<32x272xi32, #tpu.memory_space<vmem>>, vector<16xi32>,
        %shift_left3A_697 = arith.constant 16 : i32
        %shift_left3A_698 = vector.broadcast %shift_left3A_697 : i32 to vector<16xi32>
        %shift_left3A_699 = arith.shli %get3A_696, %shift_left3A_698 : vector<16xi32>
        %bitcast3A_700 = vector.bitcast %shift_left3A_699 : vector<16xi32> to vector<16xf32>
        %and3A_701 = arith.constant -65536 : i32
        %and3A_702 = vector.broadcast %and3A_701 : i32 to vector<16xi32>
        %and3A_703 = arith.andi %get3A_696, %and3A_702 : vector<16xi32>
        %bitcast3A_704 = vector.bitcast %and3A_703 : vector<16xi32> to vector<16xf32>
        %add3A_705 = arith.addf %scan3A_488, %bitcast3A_700 : vector<16xf32>
        %add3A_706 = arith.addf %scan3A_489, %bitcast3A_704 : vector<16xf32>
        scf.yield %add3A_497, %add3A_498, %add3A_510, %add3A_511, %add3A_523, %add3A_524, %add3A_536, %add3A_537, %add3A_549, %add3A_550, %add3A_562, %add3A_563, %add3A_575, %add3A_576, %add3A_588, %add3A_589, %add3A_601, %add3A_602, %add3A_614, %add3A_615, %add3A_627, %add3A_628, %add3A_640, %add3A_641, %add3A_653, %add3A_654, %add3A_666, %add3A_667, %add3A_679, %add3A_680, %add3A_692, %add3A_693, %add3A_705, %add3A_706 : vector<16xf32>, vector<16xf32>, vector<16xf32>, vector<16xf32>, vector<16xf32>, vector<16xf32>, vector<16xf32>, vector<16xf32>, vector<16xf32>, vector<16xf32>, vector<16xf32>, vector<16xf32>, vector<16xf32>, vector<16xf32>, vector<16xf32>, vector<16xf32>, vector<16xf32>, vector<16xf32>, vector<16xf32>, vector<16xf32>, vector<16xf32>, vector<16xf32>, vector<16xf32>, vector<16xf32>, vector<16xf32>, vector<16xf32>, vector<16xf32>, vector<16xf32>, vector<16xf32>, vector<16xf32>, vector<16xf32>, vector<16xf32>, vector<16xf32>, vector<16xf32>
      }
      %scan3A_274 = arith.constant 32 : i32
      %swap3A_275 = arith.constant 0 : index
      %swap3A_276 = tpu.vector_load %arg10[%swap3A_275] {strides = array<i32>} : memref<544xf32, #tpu.memory_space<vmem>>, vector<16xf32>,
      tpu.vector_store %arg10[%swap3A_275], %scan3A_273#0 {strides = array<i32>} : memref<544xf32, #tpu.memory_space<vmem>>, vector<16xf32>,
      %swap3A_277 = arith.constant 272 : index
      %swap3A_278 = tpu.vector_load %arg10[%swap3A_277] {strides = array<i32>} : memref<544xf32, #tpu.memory_space<vmem>>, vector<16xf32>,
      tpu.vector_store %arg10[%swap3A_277], %scan3A_273#1 {strides = array<i32>} : memref<544xf32, #tpu.memory_space<vmem>>, vector<16xf32>,
      %swap3A_279 = arith.constant 16 : index
      %swap3A_280 = tpu.vector_load %arg10[%swap3A_279] {strides = array<i32>} : memref<544xf32, #tpu.memory_space<vmem>>, vector<16xf32>,
      tpu.vector_store %arg10[%swap3A_279], %scan3A_273#2 {strides = array<i32>} : memref<544xf32, #tpu.memory_space<vmem>>, vector<16xf32>,
      %swap3A_281 = arith.constant 288 : index
      %swap3A_282 = tpu.vector_load %arg10[%swap3A_281] {strides = array<i32>} : memref<544xf32, #tpu.memory_space<vmem>>, vector<16xf32>,
      tpu.vector_store %arg10[%swap3A_281], %scan3A_273#3 {strides = array<i32>} : memref<544xf32, #tpu.memory_space<vmem>>, vector<16xf32>,
      %swap3A_283 = arith.constant 32 : index
      %swap3A_284 = tpu.vector_load %arg10[%swap3A_283] {strides = array<i32>} : memref<544xf32, #tpu.memory_space<vmem>>, vector<16xf32>,
      tpu.vector_store %arg10[%swap3A_283], %scan3A_273#4 {strides = array<i32>} : memref<544xf32, #tpu.memory_space<vmem>>, vector<16xf32>,
      %swap3A_285 = arith.constant 304 : index
      %swap3A_286 = tpu.vector_load %arg10[%swap3A_285] {strides = array<i32>} : memref<544xf32, #tpu.memory_space<vmem>>, vector<16xf32>,
      tpu.vector_store %arg10[%swap3A_285], %scan3A_273#5 {strides = array<i32>} : memref<544xf32, #tpu.memory_space<vmem>>, vector<16xf32>,
      %swap3A_287 = arith.constant 48 : index
      %swap3A_288 = tpu.vector_load %arg10[%swap3A_287] {strides = array<i32>} : memref<544xf32, #tpu.memory_space<vmem>>, vector<16xf32>,
      tpu.vector_store %arg10[%swap3A_287], %scan3A_273#6 {strides = array<i32>} : memref<544xf32, #tpu.memory_space<vmem>>, vector<16xf32>,
      %swap3A_289 = arith.constant 320 : index
      %swap3A_290 = tpu.vector_load %arg10[%swap3A_289] {strides = array<i32>} : memref<544xf32, #tpu.memory_space<vmem>>, vector<16xf32>,
      tpu.vector_store %arg10[%swap3A_289], %scan3A_273#7 {strides = array<i32>} : memref<544xf32, #tpu.memory_space<vmem>>, vector<16xf32>,
      %swap3A_291 = arith.constant 64 : index
      %swap3A_292 = tpu.vector_load %arg10[%swap3A_291] {strides = array<i32>} : memref<544xf32, #tpu.memory_space<vmem>>, vector<16xf32>,
      tpu.vector_store %arg10[%swap3A_291], %scan3A_273#8 {strides = array<i32>} : memref<544xf32, #tpu.memory_space<vmem>>, vector<16xf32>,
      %swap3A_293 = arith.constant 336 : index
      %swap3A_294 = tpu.vector_load %arg10[%swap3A_293] {strides = array<i32>} : memref<544xf32, #tpu.memory_space<vmem>>, vector<16xf32>,
      tpu.vector_store %arg10[%swap3A_293], %scan3A_273#9 {strides = array<i32>} : memref<544xf32, #tpu.memory_space<vmem>>, vector<16xf32>,
      %swap3A_295 = arith.constant 80 : index
      %swap3A_296 = tpu.vector_load %arg10[%swap3A_295] {strides = array<i32>} : memref<544xf32, #tpu.memory_space<vmem>>, vector<16xf32>,
      tpu.vector_store %arg10[%swap3A_295], %scan3A_273#10 {strides = array<i32>} : memref<544xf32, #tpu.memory_space<vmem>>, vector<16xf32>,
      %swap3A_297 = arith.constant 352 : index
      %swap3A_298 = tpu.vector_load %arg10[%swap3A_297] {strides = array<i32>} : memref<544xf32, #tpu.memory_space<vmem>>, vector<16xf32>,
      tpu.vector_store %arg10[%swap3A_297], %scan3A_273#11 {strides = array<i32>} : memref<544xf32, #tpu.memory_space<vmem>>, vector<16xf32>,
      %swap3A_299 = arith.constant 96 : index
      %swap3A_300 = tpu.vector_load %arg10[%swap3A_299] {strides = array<i32>} : memref<544xf32, #tpu.memory_space<vmem>>, vector<16xf32>,
      tpu.vector_store %arg10[%swap3A_299], %scan3A_273#12 {strides = array<i32>} : memref<544xf32, #tpu.memory_space<vmem>>, vector<16xf32>,
      %swap3A_301 = arith.constant 368 : index
      %swap3A_302 = tpu.vector_load %arg10[%swap3A_301] {strides = array<i32>} : memref<544xf32, #tpu.memory_space<vmem>>, vector<16xf32>,
      tpu.vector_store %arg10[%swap3A_301], %scan3A_273#13 {strides = array<i32>} : memref<544xf32, #tpu.memory_space<vmem>>, vector<16xf32>,
      %swap3A_303 = arith.constant 112 : index
      %swap3A_304 = tpu.vector_load %arg10[%swap3A_303] {strides = array<i32>} : memref<544xf32, #tpu.memory_space<vmem>>, vector<16xf32>,
      tpu.vector_store %arg10[%swap3A_303], %scan3A_273#14 {strides = array<i32>} : memref<544xf32, #tpu.memory_space<vmem>>, vector<16xf32>,
      %swap3A_305 = arith.constant 384 : index
      %swap3A_306 = tpu.vector_load %arg10[%swap3A_305] {strides = array<i32>} : memref<544xf32, #tpu.memory_space<vmem>>, vector<16xf32>,
      tpu.vector_store %arg10[%swap3A_305], %scan3A_273#15 {strides = array<i32>} : memref<544xf32, #tpu.memory_space<vmem>>, vector<16xf32>,
      %swap3A_307 = arith.constant 128 : index
      %swap3A_308 = tpu.vector_load %arg10[%swap3A_307] {strides = array<i32>} : memref<544xf32, #tpu.memory_space<vmem>>, vector<16xf32>,
      tpu.vector_store %arg10[%swap3A_307], %scan3A_273#16 {strides = array<i32>} : memref<544xf32, #tpu.memory_space<vmem>>, vector<16xf32>,
      %swap3A_309 = arith.constant 400 : index
      %swap3A_310 = tpu.vector_load %arg10[%swap3A_309] {strides = array<i32>} : memref<544xf32, #tpu.memory_space<vmem>>, vector<16xf32>,
      tpu.vector_store %arg10[%swap3A_309], %scan3A_273#17 {strides = array<i32>} : memref<544xf32, #tpu.memory_space<vmem>>, vector<16xf32>,
      %swap3A_311 = arith.constant 144 : index
      %swap3A_312 = tpu.vector_load %arg10[%swap3A_311] {strides = array<i32>} : memref<544xf32, #tpu.memory_space<vmem>>, vector<16xf32>,
      tpu.vector_store %arg10[%swap3A_311], %scan3A_273#18 {strides = array<i32>} : memref<544xf32, #tpu.memory_space<vmem>>, vector<16xf32>,
      %swap3A_313 = arith.constant 416 : index
      %swap3A_314 = tpu.vector_load %arg10[%swap3A_313] {strides = array<i32>} : memref<544xf32, #tpu.memory_space<vmem>>, vector<16xf32>,
      tpu.vector_store %arg10[%swap3A_313], %scan3A_273#19 {strides = array<i32>} : memref<544xf32, #tpu.memory_space<vmem>>, vector<16xf32>,
      %swap3A_315 = arith.constant 160 : index
      %swap3A_316 = tpu.vector_load %arg10[%swap3A_315] {strides = array<i32>} : memref<544xf32, #tpu.memory_space<vmem>>, vector<16xf32>,
      tpu.vector_store %arg10[%swap3A_315], %scan3A_273#20 {strides = array<i32>} : memref<544xf32, #tpu.memory_space<vmem>>, vector<16xf32>,
      %swap3A_317 = arith.constant 432 : index
      %swap3A_318 = tpu.vector_load %arg10[%swap3A_317] {strides = array<i32>} : memref<544xf32, #tpu.memory_space<vmem>>, vector<16xf32>,
      tpu.vector_store %arg10[%swap3A_317], %scan3A_273#21 {strides = array<i32>} : memref<544xf32, #tpu.memory_space<vmem>>, vector<16xf32>,
      %swap3A_319 = arith.constant 176 : index
      %swap3A_320 = tpu.vector_load %arg10[%swap3A_319] {strides = array<i32>} : memref<544xf32, #tpu.memory_space<vmem>>, vector<16xf32>,
      tpu.vector_store %arg10[%swap3A_319], %scan3A_273#22 {strides = array<i32>} : memref<544xf32, #tpu.memory_space<vmem>>, vector<16xf32>,
      %swap3A_321 = arith.constant 448 : index
      %swap3A_322 = tpu.vector_load %arg10[%swap3A_321] {strides = array<i32>} : memref<544xf32, #tpu.memory_space<vmem>>, vector<16xf32>,
      tpu.vector_store %arg10[%swap3A_321], %scan3A_273#23 {strides = array<i32>} : memref<544xf32, #tpu.memory_space<vmem>>, vector<16xf32>,
      %swap3A_323 = arith.constant 192 : index
      %swap3A_324 = tpu.vector_load %arg10[%swap3A_323] {strides = array<i32>} : memref<544xf32, #tpu.memory_space<vmem>>, vector<16xf32>,
      tpu.vector_store %arg10[%swap3A_323], %scan3A_273#24 {strides = array<i32>} : memref<544xf32, #tpu.memory_space<vmem>>, vector<16xf32>,
      %swap3A_325 = arith.constant 464 : index
      %swap3A_326 = tpu.vector_load %arg10[%swap3A_325] {strides = array<i32>} : memref<544xf32, #tpu.memory_space<vmem>>, vector<16xf32>,
      tpu.vector_store %arg10[%swap3A_325], %scan3A_273#25 {strides = array<i32>} : memref<544xf32, #tpu.memory_space<vmem>>, vector<16xf32>,
      %swap3A_327 = arith.constant 208 : index
      %swap3A_328 = tpu.vector_load %arg10[%swap3A_327] {strides = array<i32>} : memref<544xf32, #tpu.memory_space<vmem>>, vector<16xf32>,
      tpu.vector_store %arg10[%swap3A_327], %scan3A_273#26 {strides = array<i32>} : memref<544xf32, #tpu.memory_space<vmem>>, vector<16xf32>,
      %swap3A_329 = arith.constant 480 : index
      %swap3A_330 = tpu.vector_load %arg10[%swap3A_329] {strides = array<i32>} : memref<544xf32, #tpu.memory_space<vmem>>, vector<16xf32>,
      tpu.vector_store %arg10[%swap3A_329], %scan3A_273#27 {strides = array<i32>} : memref<544xf32, #tpu.memory_space<vmem>>, vector<16xf32>,
      %swap3A_331 = arith.constant 224 : index
      %swap3A_332 = tpu.vector_load %arg10[%swap3A_331] {strides = array<i32>} : memref<544xf32, #tpu.memory_space<vmem>>, vector<16xf32>,
      tpu.vector_store %arg10[%swap3A_331], %scan3A_273#28 {strides = array<i32>} : memref<544xf32, #tpu.memory_space<vmem>>, vector<16xf32>,
      %swap3A_333 = arith.constant 496 : index
      %swap3A_334 = tpu.vector_load %arg10[%swap3A_333] {strides = array<i32>} : memref<544xf32, #tpu.memory_space<vmem>>, vector<16xf32>,
      tpu.vector_store %arg10[%swap3A_333], %scan3A_273#29 {strides = array<i32>} : memref<544xf32, #tpu.memory_space<vmem>>, vector<16xf32>,
      %swap3A_335 = arith.constant 240 : index
      %swap3A_336 = tpu.vector_load %arg10[%swap3A_335] {strides = array<i32>} : memref<544xf32, #tpu.memory_space<vmem>>, vector<16xf32>,
      tpu.vector_store %arg10[%swap3A_335], %scan3A_273#30 {strides = array<i32>} : memref<544xf32, #tpu.memory_space<vmem>>, vector<16xf32>,
      %swap3A_337 = arith.constant 512 : index
      %swap3A_338 = tpu.vector_load %arg10[%swap3A_337] {strides = array<i32>} : memref<544xf32, #tpu.memory_space<vmem>>, vector<16xf32>,
      tpu.vector_store %arg10[%swap3A_337], %scan3A_273#31 {strides = array<i32>} : memref<544xf32, #tpu.memory_space<vmem>>, vector<16xf32>,
      %swap3A_339 = arith.constant 256 : index
      %swap3A_340 = tpu.vector_load %arg10[%swap3A_339] {strides = array<i32>} : memref<544xf32, #tpu.memory_space<vmem>>, vector<16xf32>,
      tpu.vector_store %arg10[%swap3A_339], %scan3A_273#32 {strides = array<i32>} : memref<544xf32, #tpu.memory_space<vmem>>, vector<16xf32>,
      %swap3A_341 = arith.constant 528 : index
      %swap3A_342 = tpu.vector_load %arg10[%swap3A_341] {strides = array<i32>} : memref<544xf32, #tpu.memory_space<vmem>>, vector<16xf32>,
      tpu.vector_store %arg10[%swap3A_341], %scan3A_273#33 {strides = array<i32>} : memref<544xf32, #tpu.memory_space<vmem>>, vector<16xf32>,
      %add3A_343 = arith.addi %mul3A_2, %add3A_248 : i32
      %dma_start3A_344 = arith.constant 0 : i32
      %dma_start3A_345 = tpu.memref_slice %arg4[%add3A_343, %dma_start3A_344] : memref<8192x544xf32, #tpu.memory_space<hbm>> -> memref<1x544xf32, #tpu.memory_space<hbm>>
      %dma_start3A_346 = tpu.memref_squeeze %dma_start3A_345 : memref<1x544xf32, #tpu.memory_space<hbm>> -> memref<544xf32, #tpu.memory_space<hbm>>
      %dma_start3A_347 = arith.constant 0 : i32
      %dma_start3A_348 = tpu.memref_slice %arg4[%add3A_343, %dma_start3A_347] : memref<8192x544xf32, #tpu.memory_space<hbm>> -> memref<1x544xf32, #tpu.memory_space<hbm>>
      %dma_start3A_349 = tpu.memref_squeeze %dma_start3A_348 : memref<1x544xf32, #tpu.memory_space<hbm>> -> memref<544xf32, #tpu.memory_space<hbm>>
      tpu.enqueue_dma source(%arg10 : memref<544xf32, #tpu.memory_space<vmem>>) target(%dma_start3A_349 : memref<544xf32, #tpu.memory_space<hbm>>) target_semaphore(%arg16 : memref<!tpu.dma_semaphore, #tpu.memory_space<semaphore_mem>>)
      %mul3A_350 = arith.constant 4 : i32
      %mul3A_351 = arith.muli %scan3A_40, %mul3A_350 : i32
      %add3A_352 = arith.constant 3 : i32
      %add3A_353 = arith.addi %mul3A_351, %add3A_352 : i32
      %add3A_354 = arith.constant 4 : i32
      %add3A_355 = arith.addi %add3A_353, %add3A_354 : i32
      %sub3A_356 = arith.constant 1 : i32
      %sub3A_357 = arith.subi %add3A_355, %sub3A_356 : i32
      %lt3A_358 = arith.constant 256 : i32
      %lt3A_359 = arith.cmpi slt, %sub3A_357, %lt3A_358 : i32
      %convert_element_type3A_360 = arith.extui %lt3A_359 : i1 to i32
      %cond3A_361 = arith.constant 0 : i32
      %cond3A_362 = arith.cmpi ne, %convert_element_type3A_360, %cond3A_361 : i32
      scf.if %cond3A_362 {
        %dma_start3A_455 = arith.constant 0 : i32
        %dma_start3A_456 = tpu.memref_slice %arg5[%sub3A_357, %dma_start3A_455] : memref<256x32xi32, #tpu.memory_space<vmem>> -> memref<1x32xi32, #tpu.memory_space<vmem>>
        %dma_start3A_457 = tpu.memref_squeeze %dma_start3A_456 : memref<1x32xi32, #tpu.memory_space<vmem>> -> memref<32xi32, #tpu.memory_space<vmem>>
        %dma_start3A_458 = arith.constant 0 : i32
        %dma_start3A_459 = arith.constant 0 : i32
        %dma_start3A_460 = tpu.memref_slice %arg2[%dma_start3A_458, %dma_start3A_459] : memref<45056x272xi32, #tpu.memory_space<hbm>> -> memref<45056x272xi32, #tpu.memory_space<hbm>>
        tpu.enqueue_indirect_dma source(%dma_start3A_460 : memref<45056x272xi32, #tpu.memory_space<hbm>>) target(%arg8 : memref<32x272xi32, #tpu.memory_space<vmem>>) offsets(%dma_start3A_457 : memref<32xi32, #tpu.memory_space<vmem>>) semaphore(%arg14 : memref<!tpu.dma_semaphore, #tpu.memory_space<semaphore_mem>>)
      } else {
      }
      %dma_wait3A_363 = arith.constant 0 : i32
      %dma_wait3A_364 = tpu.memref_slice %arg5[%add3A_353, %dma_wait3A_363] : memref<256x32xi32, #tpu.memory_space<vmem>> -> memref<1x32xi32, #tpu.memory_space<vmem>>
      %dma_wait3A_365 = tpu.memref_squeeze %dma_wait3A_364 : memref<1x32xi32, #tpu.memory_space<vmem>> -> memref<32xi32, #tpu.memory_space<vmem>>
      %dma_wait3A_366 = arith.constant 0 : i32
      %dma_wait3A_367 = arith.constant 0 : i32
      %dma_wait3A_368 = tpu.memref_slice %arg2[%dma_wait3A_366, %dma_wait3A_367] : memref<45056x272xi32, #tpu.memory_space<hbm>> -> memref<45056x272xi32, #tpu.memory_space<hbm>>
      tpu.wait_indirect_dma semaphore(%arg15 : memref<!tpu.dma_semaphore, #tpu.memory_space<semaphore_mem>>) src(%dma_wait3A_368 : memref<45056x272xi32, #tpu.memory_space<hbm>>) dst(%arg9 : memref<32x272xi32, #tpu.memory_space<vmem>>)
      %ge3A_369 = arith.constant 2 : i32
      %ge3A_370 = arith.cmpi sge, %add3A_353, %ge3A_369 : i32
      %convert_element_type3A_371 = arith.extui %ge3A_370 : i1 to i32
      %cond3A_372 = arith.constant 0 : i32
      %cond3A_373 = arith.cmpi ne, %convert_element_type3A_371, %cond3A_372 : i32
      scf.if %cond3A_373 {
        %dma_wait3A_455 = arith.constant 0 : i32
        %dma_wait3A_456 = tpu.memref_slice %arg4[%mul3A_2, %dma_wait3A_455] : memref<8192x544xf32, #tpu.memory_space<hbm>> -> memref<1x544xf32, #tpu.memory_space<hbm>>
        %dma_wait3A_457 = tpu.memref_squeeze %dma_wait3A_456 : memref<1x544xf32, #tpu.memory_space<hbm>> -> memref<544xf32, #tpu.memory_space<hbm>>
        %dma_wait3A_458 = arith.constant 0 : i32
        %dma_wait3A_459 = tpu.memref_slice %arg4[%mul3A_2, %dma_wait3A_458] : memref<8192x544xf32, #tpu.memory_space<hbm>> -> memref<1x544xf32, #tpu.memory_space<hbm>>
        %dma_wait3A_460 = tpu.memref_squeeze %dma_wait3A_459 : memref<1x544xf32, #tpu.memory_space<hbm>> -> memref<544xf32, #tpu.memory_space<hbm>>
        tpu.wait_dma2 semaphore(%arg17 : memref<!tpu.dma_semaphore, #tpu.memory_space<semaphore_mem>>) src(%arg11 : memref<544xf32, #tpu.memory_space<vmem>>) dst(%dma_wait3A_460 : memref<544xf32, #tpu.memory_space<hbm>>)
      } else {
      }
      %scan3A_374 = arith.constant 0 : i32
      %scan3A_375 = arith.constant 32 : i32
      %scan3A_376 = arith.addi %scan3A_374, %scan3A_375 : i32
      %scan3A_377 = arith.constant 1 : i32
      %scan3A_378:34 = scf.for %scan3A_455 = %scan3A_374 to %scan3A_376 step %scan3A_377 iter_args(%scan3A_456 = %broadcast_in_dim3A_3, %scan3A_457 = %broadcast_in_dim3A_3, %scan3A_458 = %broadcast_in_dim3A_3, %scan3A_459 = %broadcast_in_dim3A_3, %scan3A_460 = %broadcast_in_dim3A_3, %scan3A_461 = %broadcast_in_dim3A_3, %scan3A_462 = %broadcast_in_dim3A_3, %scan3A_463 = %broadcast_in_dim3A_3, %scan3A_464 = %broadcast_in_dim3A_3, %scan3A_465 = %broadcast_in_dim3A_3, %scan3A_466 = %broadcast_in_dim3A_3, %scan3A_467 = %broadcast_in_dim3A_3, %scan3A_468 = %broadcast_in_dim3A_3, %scan3A_469 = %broadcast_in_dim3A_3, %scan3A_470 = %broadcast_in_dim3A_3, %scan3A_471 = %broadcast_in_dim3A_3, %scan3A_472 = %broadcast_in_dim3A_3, %scan3A_473 = %broadcast_in_dim3A_3, %scan3A_474 = %broadcast_in_dim3A_3, %scan3A_475 = %broadcast_in_dim3A_3, %scan3A_476 = %broadcast_in_dim3A_3, %scan3A_477 = %broadcast_in_dim3A_3, %scan3A_478 = %broadcast_in_dim3A_3, %scan3A_479 = %broadcast_in_dim3A_3, %scan3A_480 = %broadcast_in_dim3A_3, %scan3A_481 = %broadcast_in_dim3A_3, %scan3A_482 = %broadcast_in_dim3A_3, %scan3A_483 = %broadcast_in_dim3A_3, %scan3A_484 = %broadcast_in_dim3A_3, %scan3A_485 = %broadcast_in_dim3A_3, %scan3A_486 = %broadcast_in_dim3A_3, %scan3A_487 = %broadcast_in_dim3A_3, %scan3A_488 = %broadcast_in_dim3A_3, %scan3A_489 = %broadcast_in_dim3A_3) -> (vector<16xf32>, vector<16xf32>, vector<16xf32>, vector<16xf32>, vector<16xf32>, vector<16xf32>, vector<16xf32>, vector<16xf32>, vector<16xf32>, vector<16xf32>, vector<16xf32>, vector<16xf32>, vector<16xf32>, vector<16xf32>, vector<16xf32>, vector<16xf32>, vector<16xf32>, vector<16xf32>, vector<16xf32>, vector<16xf32>, vector<16xf32>, vector<16xf32>, vector<16xf32>, vector<16xf32>, vector<16xf32>, vector<16xf32>, vector<16xf32>, vector<16xf32>, vector<16xf32>, vector<16xf32>, vector<16xf32>, vector<16xf32>, vector<16xf32>, vector<16xf32>)  : i32 {
        %get3A = arith.index_cast %scan3A_455 : i32 to index
        %get3A_490 = arith.constant 0 : index
        %get3A_491 = tpu.vector_load %arg9[%get3A, %get3A_490] {strides = array<i32>} : memref<32x272xi32, #tpu.memory_space<vmem>>, vector<16xi32>,
        %shift_left3A = arith.constant 16 : i32
        %shift_left3A_492 = vector.broadcast %shift_left3A : i32 to vector<16xi32>
        %shift_left3A_493 = arith.shli %get3A_491, %shift_left3A_492 : vector<16xi32>
        %bitcast3A = vector.bitcast %shift_left3A_493 : vector<16xi32> to vector<16xf32>
        %and3A = arith.constant -65536 : i32
        %and3A_494 = vector.broadcast %and3A : i32 to vector<16xi32>
        %and3A_495 = arith.andi %get3A_491, %and3A_494 : vector<16xi32>
        %bitcast3A_496 = vector.bitcast %and3A_495 : vector<16xi32> to vector<16xf32>
        %add3A_497 = arith.addf %scan3A_456, %bitcast3A : vector<16xf32>
        %add3A_498 = arith.addf %scan3A_457, %bitcast3A_496 : vector<16xf32>
        %get3A_499 = arith.index_cast %scan3A_455 : i32 to index
        %get3A_500 = arith.constant 16 : index
        %get3A_501 = tpu.vector_load %arg9[%get3A_499, %get3A_500] {strides = array<i32>} : memref<32x272xi32, #tpu.memory_space<vmem>>, vector<16xi32>,
        %shift_left3A_502 = arith.constant 16 : i32
        %shift_left3A_503 = vector.broadcast %shift_left3A_502 : i32 to vector<16xi32>
        %shift_left3A_504 = arith.shli %get3A_501, %shift_left3A_503 : vector<16xi32>
        %bitcast3A_505 = vector.bitcast %shift_left3A_504 : vector<16xi32> to vector<16xf32>
        %and3A_506 = arith.constant -65536 : i32
        %and3A_507 = vector.broadcast %and3A_506 : i32 to vector<16xi32>
        %and3A_508 = arith.andi %get3A_501, %and3A_507 : vector<16xi32>
        %bitcast3A_509 = vector.bitcast %and3A_508 : vector<16xi32> to vector<16xf32>
        %add3A_510 = arith.addf %scan3A_458, %bitcast3A_505 : vector<16xf32>
        %add3A_511 = arith.addf %scan3A_459, %bitcast3A_509 : vector<16xf32>
        %get3A_512 = arith.index_cast %scan3A_455 : i32 to index
        %get3A_513 = arith.constant 32 : index
        %get3A_514 = tpu.vector_load %arg9[%get3A_512, %get3A_513] {strides = array<i32>} : memref<32x272xi32, #tpu.memory_space<vmem>>, vector<16xi32>,
        %shift_left3A_515 = arith.constant 16 : i32
        %shift_left3A_516 = vector.broadcast %shift_left3A_515 : i32 to vector<16xi32>
        %shift_left3A_517 = arith.shli %get3A_514, %shift_left3A_516 : vector<16xi32>
        %bitcast3A_518 = vector.bitcast %shift_left3A_517 : vector<16xi32> to vector<16xf32>
        %and3A_519 = arith.constant -65536 : i32
        %and3A_520 = vector.broadcast %and3A_519 : i32 to vector<16xi32>
        %and3A_521 = arith.andi %get3A_514, %and3A_520 : vector<16xi32>
        %bitcast3A_522 = vector.bitcast %and3A_521 : vector<16xi32> to vector<16xf32>
        %add3A_523 = arith.addf %scan3A_460, %bitcast3A_518 : vector<16xf32>
        %add3A_524 = arith.addf %scan3A_461, %bitcast3A_522 : vector<16xf32>
        %get3A_525 = arith.index_cast %scan3A_455 : i32 to index
        %get3A_526 = arith.constant 48 : index
        %get3A_527 = tpu.vector_load %arg9[%get3A_525, %get3A_526] {strides = array<i32>} : memref<32x272xi32, #tpu.memory_space<vmem>>, vector<16xi32>,
        %shift_left3A_528 = arith.constant 16 : i32
        %shift_left3A_529 = vector.broadcast %shift_left3A_528 : i32 to vector<16xi32>
        %shift_left3A_530 = arith.shli %get3A_527, %shift_left3A_529 : vector<16xi32>
        %bitcast3A_531 = vector.bitcast %shift_left3A_530 : vector<16xi32> to vector<16xf32>
        %and3A_532 = arith.constant -65536 : i32
        %and3A_533 = vector.broadcast %and3A_532 : i32 to vector<16xi32>
        %and3A_534 = arith.andi %get3A_527, %and3A_533 : vector<16xi32>
        %bitcast3A_535 = vector.bitcast %and3A_534 : vector<16xi32> to vector<16xf32>
        %add3A_536 = arith.addf %scan3A_462, %bitcast3A_531 : vector<16xf32>
        %add3A_537 = arith.addf %scan3A_463, %bitcast3A_535 : vector<16xf32>
        %get3A_538 = arith.index_cast %scan3A_455 : i32 to index
        %get3A_539 = arith.constant 64 : index
        %get3A_540 = tpu.vector_load %arg9[%get3A_538, %get3A_539] {strides = array<i32>} : memref<32x272xi32, #tpu.memory_space<vmem>>, vector<16xi32>,
        %shift_left3A_541 = arith.constant 16 : i32
        %shift_left3A_542 = vector.broadcast %shift_left3A_541 : i32 to vector<16xi32>
        %shift_left3A_543 = arith.shli %get3A_540, %shift_left3A_542 : vector<16xi32>
        %bitcast3A_544 = vector.bitcast %shift_left3A_543 : vector<16xi32> to vector<16xf32>
        %and3A_545 = arith.constant -65536 : i32
        %and3A_546 = vector.broadcast %and3A_545 : i32 to vector<16xi32>
        %and3A_547 = arith.andi %get3A_540, %and3A_546 : vector<16xi32>
        %bitcast3A_548 = vector.bitcast %and3A_547 : vector<16xi32> to vector<16xf32>
        %add3A_549 = arith.addf %scan3A_464, %bitcast3A_544 : vector<16xf32>
        %add3A_550 = arith.addf %scan3A_465, %bitcast3A_548 : vector<16xf32>
        %get3A_551 = arith.index_cast %scan3A_455 : i32 to index
        %get3A_552 = arith.constant 80 : index
        %get3A_553 = tpu.vector_load %arg9[%get3A_551, %get3A_552] {strides = array<i32>} : memref<32x272xi32, #tpu.memory_space<vmem>>, vector<16xi32>,
        %shift_left3A_554 = arith.constant 16 : i32
        %shift_left3A_555 = vector.broadcast %shift_left3A_554 : i32 to vector<16xi32>
        %shift_left3A_556 = arith.shli %get3A_553, %shift_left3A_555 : vector<16xi32>
        %bitcast3A_557 = vector.bitcast %shift_left3A_556 : vector<16xi32> to vector<16xf32>
        %and3A_558 = arith.constant -65536 : i32
        %and3A_559 = vector.broadcast %and3A_558 : i32 to vector<16xi32>
        %and3A_560 = arith.andi %get3A_553, %and3A_559 : vector<16xi32>
        %bitcast3A_561 = vector.bitcast %and3A_560 : vector<16xi32> to vector<16xf32>
        %add3A_562 = arith.addf %scan3A_466, %bitcast3A_557 : vector<16xf32>
        %add3A_563 = arith.addf %scan3A_467, %bitcast3A_561 : vector<16xf32>
        %get3A_564 = arith.index_cast %scan3A_455 : i32 to index
        %get3A_565 = arith.constant 96 : index
        %get3A_566 = tpu.vector_load %arg9[%get3A_564, %get3A_565] {strides = array<i32>} : memref<32x272xi32, #tpu.memory_space<vmem>>, vector<16xi32>,
        %shift_left3A_567 = arith.constant 16 : i32
        %shift_left3A_568 = vector.broadcast %shift_left3A_567 : i32 to vector<16xi32>
        %shift_left3A_569 = arith.shli %get3A_566, %shift_left3A_568 : vector<16xi32>
        %bitcast3A_570 = vector.bitcast %shift_left3A_569 : vector<16xi32> to vector<16xf32>
        %and3A_571 = arith.constant -65536 : i32
        %and3A_572 = vector.broadcast %and3A_571 : i32 to vector<16xi32>
        %and3A_573 = arith.andi %get3A_566, %and3A_572 : vector<16xi32>
        %bitcast3A_574 = vector.bitcast %and3A_573 : vector<16xi32> to vector<16xf32>
        %add3A_575 = arith.addf %scan3A_468, %bitcast3A_570 : vector<16xf32>
        %add3A_576 = arith.addf %scan3A_469, %bitcast3A_574 : vector<16xf32>
        %get3A_577 = arith.index_cast %scan3A_455 : i32 to index
        %get3A_578 = arith.constant 112 : index
        %get3A_579 = tpu.vector_load %arg9[%get3A_577, %get3A_578] {strides = array<i32>} : memref<32x272xi32, #tpu.memory_space<vmem>>, vector<16xi32>,
        %shift_left3A_580 = arith.constant 16 : i32
        %shift_left3A_581 = vector.broadcast %shift_left3A_580 : i32 to vector<16xi32>
        %shift_left3A_582 = arith.shli %get3A_579, %shift_left3A_581 : vector<16xi32>
        %bitcast3A_583 = vector.bitcast %shift_left3A_582 : vector<16xi32> to vector<16xf32>
        %and3A_584 = arith.constant -65536 : i32
        %and3A_585 = vector.broadcast %and3A_584 : i32 to vector<16xi32>
        %and3A_586 = arith.andi %get3A_579, %and3A_585 : vector<16xi32>
        %bitcast3A_587 = vector.bitcast %and3A_586 : vector<16xi32> to vector<16xf32>
        %add3A_588 = arith.addf %scan3A_470, %bitcast3A_583 : vector<16xf32>
        %add3A_589 = arith.addf %scan3A_471, %bitcast3A_587 : vector<16xf32>
        %get3A_590 = arith.index_cast %scan3A_455 : i32 to index
        %get3A_591 = arith.constant 128 : index
        %get3A_592 = tpu.vector_load %arg9[%get3A_590, %get3A_591] {strides = array<i32>} : memref<32x272xi32, #tpu.memory_space<vmem>>, vector<16xi32>,
        %shift_left3A_593 = arith.constant 16 : i32
        %shift_left3A_594 = vector.broadcast %shift_left3A_593 : i32 to vector<16xi32>
        %shift_left3A_595 = arith.shli %get3A_592, %shift_left3A_594 : vector<16xi32>
        %bitcast3A_596 = vector.bitcast %shift_left3A_595 : vector<16xi32> to vector<16xf32>
        %and3A_597 = arith.constant -65536 : i32
        %and3A_598 = vector.broadcast %and3A_597 : i32 to vector<16xi32>
        %and3A_599 = arith.andi %get3A_592, %and3A_598 : vector<16xi32>
        %bitcast3A_600 = vector.bitcast %and3A_599 : vector<16xi32> to vector<16xf32>
        %add3A_601 = arith.addf %scan3A_472, %bitcast3A_596 : vector<16xf32>
        %add3A_602 = arith.addf %scan3A_473, %bitcast3A_600 : vector<16xf32>
        %get3A_603 = arith.index_cast %scan3A_455 : i32 to index
        %get3A_604 = arith.constant 144 : index
        %get3A_605 = tpu.vector_load %arg9[%get3A_603, %get3A_604] {strides = array<i32>} : memref<32x272xi32, #tpu.memory_space<vmem>>, vector<16xi32>,
        %shift_left3A_606 = arith.constant 16 : i32
        %shift_left3A_607 = vector.broadcast %shift_left3A_606 : i32 to vector<16xi32>
        %shift_left3A_608 = arith.shli %get3A_605, %shift_left3A_607 : vector<16xi32>
        %bitcast3A_609 = vector.bitcast %shift_left3A_608 : vector<16xi32> to vector<16xf32>
        %and3A_610 = arith.constant -65536 : i32
        %and3A_611 = vector.broadcast %and3A_610 : i32 to vector<16xi32>
        %and3A_612 = arith.andi %get3A_605, %and3A_611 : vector<16xi32>
        %bitcast3A_613 = vector.bitcast %and3A_612 : vector<16xi32> to vector<16xf32>
        %add3A_614 = arith.addf %scan3A_474, %bitcast3A_609 : vector<16xf32>
        %add3A_615 = arith.addf %scan3A_475, %bitcast3A_613 : vector<16xf32>
        %get3A_616 = arith.index_cast %scan3A_455 : i32 to index
        %get3A_617 = arith.constant 160 : index
        %get3A_618 = tpu.vector_load %arg9[%get3A_616, %get3A_617] {strides = array<i32>} : memref<32x272xi32, #tpu.memory_space<vmem>>, vector<16xi32>,
        %shift_left3A_619 = arith.constant 16 : i32
        %shift_left3A_620 = vector.broadcast %shift_left3A_619 : i32 to vector<16xi32>
        %shift_left3A_621 = arith.shli %get3A_618, %shift_left3A_620 : vector<16xi32>
        %bitcast3A_622 = vector.bitcast %shift_left3A_621 : vector<16xi32> to vector<16xf32>
        %and3A_623 = arith.constant -65536 : i32
        %and3A_624 = vector.broadcast %and3A_623 : i32 to vector<16xi32>
        %and3A_625 = arith.andi %get3A_618, %and3A_624 : vector<16xi32>
        %bitcast3A_626 = vector.bitcast %and3A_625 : vector<16xi32> to vector<16xf32>
        %add3A_627 = arith.addf %scan3A_476, %bitcast3A_622 : vector<16xf32>
        %add3A_628 = arith.addf %scan3A_477, %bitcast3A_626 : vector<16xf32>
        %get3A_629 = arith.index_cast %scan3A_455 : i32 to index
        %get3A_630 = arith.constant 176 : index
        %get3A_631 = tpu.vector_load %arg9[%get3A_629, %get3A_630] {strides = array<i32>} : memref<32x272xi32, #tpu.memory_space<vmem>>, vector<16xi32>,
        %shift_left3A_632 = arith.constant 16 : i32
        %shift_left3A_633 = vector.broadcast %shift_left3A_632 : i32 to vector<16xi32>
        %shift_left3A_634 = arith.shli %get3A_631, %shift_left3A_633 : vector<16xi32>
        %bitcast3A_635 = vector.bitcast %shift_left3A_634 : vector<16xi32> to vector<16xf32>
        %and3A_636 = arith.constant -65536 : i32
        %and3A_637 = vector.broadcast %and3A_636 : i32 to vector<16xi32>
        %and3A_638 = arith.andi %get3A_631, %and3A_637 : vector<16xi32>
        %bitcast3A_639 = vector.bitcast %and3A_638 : vector<16xi32> to vector<16xf32>
        %add3A_640 = arith.addf %scan3A_478, %bitcast3A_635 : vector<16xf32>
        %add3A_641 = arith.addf %scan3A_479, %bitcast3A_639 : vector<16xf32>
        %get3A_642 = arith.index_cast %scan3A_455 : i32 to index
        %get3A_643 = arith.constant 192 : index
        %get3A_644 = tpu.vector_load %arg9[%get3A_642, %get3A_643] {strides = array<i32>} : memref<32x272xi32, #tpu.memory_space<vmem>>, vector<16xi32>,
        %shift_left3A_645 = arith.constant 16 : i32
        %shift_left3A_646 = vector.broadcast %shift_left3A_645 : i32 to vector<16xi32>
        %shift_left3A_647 = arith.shli %get3A_644, %shift_left3A_646 : vector<16xi32>
        %bitcast3A_648 = vector.bitcast %shift_left3A_647 : vector<16xi32> to vector<16xf32>
        %and3A_649 = arith.constant -65536 : i32
        %and3A_650 = vector.broadcast %and3A_649 : i32 to vector<16xi32>
        %and3A_651 = arith.andi %get3A_644, %and3A_650 : vector<16xi32>
        %bitcast3A_652 = vector.bitcast %and3A_651 : vector<16xi32> to vector<16xf32>
        %add3A_653 = arith.addf %scan3A_480, %bitcast3A_648 : vector<16xf32>
        %add3A_654 = arith.addf %scan3A_481, %bitcast3A_652 : vector<16xf32>
        %get3A_655 = arith.index_cast %scan3A_455 : i32 to index
        %get3A_656 = arith.constant 208 : index
        %get3A_657 = tpu.vector_load %arg9[%get3A_655, %get3A_656] {strides = array<i32>} : memref<32x272xi32, #tpu.memory_space<vmem>>, vector<16xi32>,
        %shift_left3A_658 = arith.constant 16 : i32
        %shift_left3A_659 = vector.broadcast %shift_left3A_658 : i32 to vector<16xi32>
        %shift_left3A_660 = arith.shli %get3A_657, %shift_left3A_659 : vector<16xi32>
        %bitcast3A_661 = vector.bitcast %shift_left3A_660 : vector<16xi32> to vector<16xf32>
        %and3A_662 = arith.constant -65536 : i32
        %and3A_663 = vector.broadcast %and3A_662 : i32 to vector<16xi32>
        %and3A_664 = arith.andi %get3A_657, %and3A_663 : vector<16xi32>
        %bitcast3A_665 = vector.bitcast %and3A_664 : vector<16xi32> to vector<16xf32>
        %add3A_666 = arith.addf %scan3A_482, %bitcast3A_661 : vector<16xf32>
        %add3A_667 = arith.addf %scan3A_483, %bitcast3A_665 : vector<16xf32>
        %get3A_668 = arith.index_cast %scan3A_455 : i32 to index
        %get3A_669 = arith.constant 224 : index
        %get3A_670 = tpu.vector_load %arg9[%get3A_668, %get3A_669] {strides = array<i32>} : memref<32x272xi32, #tpu.memory_space<vmem>>, vector<16xi32>,
        %shift_left3A_671 = arith.constant 16 : i32
        %shift_left3A_672 = vector.broadcast %shift_left3A_671 : i32 to vector<16xi32>
        %shift_left3A_673 = arith.shli %get3A_670, %shift_left3A_672 : vector<16xi32>
        %bitcast3A_674 = vector.bitcast %shift_left3A_673 : vector<16xi32> to vector<16xf32>
        %and3A_675 = arith.constant -65536 : i32
        %and3A_676 = vector.broadcast %and3A_675 : i32 to vector<16xi32>
        %and3A_677 = arith.andi %get3A_670, %and3A_676 : vector<16xi32>
        %bitcast3A_678 = vector.bitcast %and3A_677 : vector<16xi32> to vector<16xf32>
        %add3A_679 = arith.addf %scan3A_484, %bitcast3A_674 : vector<16xf32>
        %add3A_680 = arith.addf %scan3A_485, %bitcast3A_678 : vector<16xf32>
        %get3A_681 = arith.index_cast %scan3A_455 : i32 to index
        %get3A_682 = arith.constant 240 : index
        %get3A_683 = tpu.vector_load %arg9[%get3A_681, %get3A_682] {strides = array<i32>} : memref<32x272xi32, #tpu.memory_space<vmem>>, vector<16xi32>,
        %shift_left3A_684 = arith.constant 16 : i32
        %shift_left3A_685 = vector.broadcast %shift_left3A_684 : i32 to vector<16xi32>
        %shift_left3A_686 = arith.shli %get3A_683, %shift_left3A_685 : vector<16xi32>
        %bitcast3A_687 = vector.bitcast %shift_left3A_686 : vector<16xi32> to vector<16xf32>
        %and3A_688 = arith.constant -65536 : i32
        %and3A_689 = vector.broadcast %and3A_688 : i32 to vector<16xi32>
        %and3A_690 = arith.andi %get3A_683, %and3A_689 : vector<16xi32>
        %bitcast3A_691 = vector.bitcast %and3A_690 : vector<16xi32> to vector<16xf32>
        %add3A_692 = arith.addf %scan3A_486, %bitcast3A_687 : vector<16xf32>
        %add3A_693 = arith.addf %scan3A_487, %bitcast3A_691 : vector<16xf32>
        %get3A_694 = arith.index_cast %scan3A_455 : i32 to index
        %get3A_695 = arith.constant 256 : index
        %get3A_696 = tpu.vector_load %arg9[%get3A_694, %get3A_695] {strides = array<i32>} : memref<32x272xi32, #tpu.memory_space<vmem>>, vector<16xi32>,
        %shift_left3A_697 = arith.constant 16 : i32
        %shift_left3A_698 = vector.broadcast %shift_left3A_697 : i32 to vector<16xi32>
        %shift_left3A_699 = arith.shli %get3A_696, %shift_left3A_698 : vector<16xi32>
        %bitcast3A_700 = vector.bitcast %shift_left3A_699 : vector<16xi32> to vector<16xf32>
        %and3A_701 = arith.constant -65536 : i32
        %and3A_702 = vector.broadcast %and3A_701 : i32 to vector<16xi32>
        %and3A_703 = arith.andi %get3A_696, %and3A_702 : vector<16xi32>
        %bitcast3A_704 = vector.bitcast %and3A_703 : vector<16xi32> to vector<16xf32>
        %add3A_705 = arith.addf %scan3A_488, %bitcast3A_700 : vector<16xf32>
        %add3A_706 = arith.addf %scan3A_489, %bitcast3A_704 : vector<16xf32>
        scf.yield %add3A_497, %add3A_498, %add3A_510, %add3A_511, %add3A_523, %add3A_524, %add3A_536, %add3A_537, %add3A_549, %add3A_550, %add3A_562, %add3A_563, %add3A_575, %add3A_576, %add3A_588, %add3A_589, %add3A_601, %add3A_602, %add3A_614, %add3A_615, %add3A_627, %add3A_628, %add3A_640, %add3A_641, %add3A_653, %add3A_654, %add3A_666, %add3A_667, %add3A_679, %add3A_680, %add3A_692, %add3A_693, %add3A_705, %add3A_706 : vector<16xf32>, vector<16xf32>, vector<16xf32>, vector<16xf32>, vector<16xf32>, vector<16xf32>, vector<16xf32>, vector<16xf32>, vector<16xf32>, vector<16xf32>, vector<16xf32>, vector<16xf32>, vector<16xf32>, vector<16xf32>, vector<16xf32>, vector<16xf32>, vector<16xf32>, vector<16xf32>, vector<16xf32>, vector<16xf32>, vector<16xf32>, vector<16xf32>, vector<16xf32>, vector<16xf32>, vector<16xf32>, vector<16xf32>, vector<16xf32>, vector<16xf32>, vector<16xf32>, vector<16xf32>, vector<16xf32>, vector<16xf32>, vector<16xf32>, vector<16xf32>
      }
      %scan3A_379 = arith.constant 32 : i32
      %swap3A_380 = arith.constant 0 : index
      %swap3A_381 = tpu.vector_load %arg11[%swap3A_380] {strides = array<i32>} : memref<544xf32, #tpu.memory_space<vmem>>, vector<16xf32>,
      tpu.vector_store %arg11[%swap3A_380], %scan3A_378#0 {strides = array<i32>} : memref<544xf32, #tpu.memory_space<vmem>>, vector<16xf32>,
      %swap3A_382 = arith.constant 272 : index
      %swap3A_383 = tpu.vector_load %arg11[%swap3A_382] {strides = array<i32>} : memref<544xf32, #tpu.memory_space<vmem>>, vector<16xf32>,
      tpu.vector_store %arg11[%swap3A_382], %scan3A_378#1 {strides = array<i32>} : memref<544xf32, #tpu.memory_space<vmem>>, vector<16xf32>,
      %swap3A_384 = arith.constant 16 : index
      %swap3A_385 = tpu.vector_load %arg11[%swap3A_384] {strides = array<i32>} : memref<544xf32, #tpu.memory_space<vmem>>, vector<16xf32>,
      tpu.vector_store %arg11[%swap3A_384], %scan3A_378#2 {strides = array<i32>} : memref<544xf32, #tpu.memory_space<vmem>>, vector<16xf32>,
      %swap3A_386 = arith.constant 288 : index
      %swap3A_387 = tpu.vector_load %arg11[%swap3A_386] {strides = array<i32>} : memref<544xf32, #tpu.memory_space<vmem>>, vector<16xf32>,
      tpu.vector_store %arg11[%swap3A_386], %scan3A_378#3 {strides = array<i32>} : memref<544xf32, #tpu.memory_space<vmem>>, vector<16xf32>,
      %swap3A_388 = arith.constant 32 : index
      %swap3A_389 = tpu.vector_load %arg11[%swap3A_388] {strides = array<i32>} : memref<544xf32, #tpu.memory_space<vmem>>, vector<16xf32>,
      tpu.vector_store %arg11[%swap3A_388], %scan3A_378#4 {strides = array<i32>} : memref<544xf32, #tpu.memory_space<vmem>>, vector<16xf32>,
      %swap3A_390 = arith.constant 304 : index
      %swap3A_391 = tpu.vector_load %arg11[%swap3A_390] {strides = array<i32>} : memref<544xf32, #tpu.memory_space<vmem>>, vector<16xf32>,
      tpu.vector_store %arg11[%swap3A_390], %scan3A_378#5 {strides = array<i32>} : memref<544xf32, #tpu.memory_space<vmem>>, vector<16xf32>,
      %swap3A_392 = arith.constant 48 : index
      %swap3A_393 = tpu.vector_load %arg11[%swap3A_392] {strides = array<i32>} : memref<544xf32, #tpu.memory_space<vmem>>, vector<16xf32>,
      tpu.vector_store %arg11[%swap3A_392], %scan3A_378#6 {strides = array<i32>} : memref<544xf32, #tpu.memory_space<vmem>>, vector<16xf32>,
      %swap3A_394 = arith.constant 320 : index
      %swap3A_395 = tpu.vector_load %arg11[%swap3A_394] {strides = array<i32>} : memref<544xf32, #tpu.memory_space<vmem>>, vector<16xf32>,
      tpu.vector_store %arg11[%swap3A_394], %scan3A_378#7 {strides = array<i32>} : memref<544xf32, #tpu.memory_space<vmem>>, vector<16xf32>,
      %swap3A_396 = arith.constant 64 : index
      %swap3A_397 = tpu.vector_load %arg11[%swap3A_396] {strides = array<i32>} : memref<544xf32, #tpu.memory_space<vmem>>, vector<16xf32>,
      tpu.vector_store %arg11[%swap3A_396], %scan3A_378#8 {strides = array<i32>} : memref<544xf32, #tpu.memory_space<vmem>>, vector<16xf32>,
      %swap3A_398 = arith.constant 336 : index
      %swap3A_399 = tpu.vector_load %arg11[%swap3A_398] {strides = array<i32>} : memref<544xf32, #tpu.memory_space<vmem>>, vector<16xf32>,
      tpu.vector_store %arg11[%swap3A_398], %scan3A_378#9 {strides = array<i32>} : memref<544xf32, #tpu.memory_space<vmem>>, vector<16xf32>,
      %swap3A_400 = arith.constant 80 : index
      %swap3A_401 = tpu.vector_load %arg11[%swap3A_400] {strides = array<i32>} : memref<544xf32, #tpu.memory_space<vmem>>, vector<16xf32>,
      tpu.vector_store %arg11[%swap3A_400], %scan3A_378#10 {strides = array<i32>} : memref<544xf32, #tpu.memory_space<vmem>>, vector<16xf32>,
      %swap3A_402 = arith.constant 352 : index
      %swap3A_403 = tpu.vector_load %arg11[%swap3A_402] {strides = array<i32>} : memref<544xf32, #tpu.memory_space<vmem>>, vector<16xf32>,
      tpu.vector_store %arg11[%swap3A_402], %scan3A_378#11 {strides = array<i32>} : memref<544xf32, #tpu.memory_space<vmem>>, vector<16xf32>,
      %swap3A_404 = arith.constant 96 : index
      %swap3A_405 = tpu.vector_load %arg11[%swap3A_404] {strides = array<i32>} : memref<544xf32, #tpu.memory_space<vmem>>, vector<16xf32>,
      tpu.vector_store %arg11[%swap3A_404], %scan3A_378#12 {strides = array<i32>} : memref<544xf32, #tpu.memory_space<vmem>>, vector<16xf32>,
      %swap3A_406 = arith.constant 368 : index
      %swap3A_407 = tpu.vector_load %arg11[%swap3A_406] {strides = array<i32>} : memref<544xf32, #tpu.memory_space<vmem>>, vector<16xf32>,
      tpu.vector_store %arg11[%swap3A_406], %scan3A_378#13 {strides = array<i32>} : memref<544xf32, #tpu.memory_space<vmem>>, vector<16xf32>,
      %swap3A_408 = arith.constant 112 : index
      %swap3A_409 = tpu.vector_load %arg11[%swap3A_408] {strides = array<i32>} : memref<544xf32, #tpu.memory_space<vmem>>, vector<16xf32>,
      tpu.vector_store %arg11[%swap3A_408], %scan3A_378#14 {strides = array<i32>} : memref<544xf32, #tpu.memory_space<vmem>>, vector<16xf32>,
      %swap3A_410 = arith.constant 384 : index
      %swap3A_411 = tpu.vector_load %arg11[%swap3A_410] {strides = array<i32>} : memref<544xf32, #tpu.memory_space<vmem>>, vector<16xf32>,
      tpu.vector_store %arg11[%swap3A_410], %scan3A_378#15 {strides = array<i32>} : memref<544xf32, #tpu.memory_space<vmem>>, vector<16xf32>,
      %swap3A_412 = arith.constant 128 : index
      %swap3A_413 = tpu.vector_load %arg11[%swap3A_412] {strides = array<i32>} : memref<544xf32, #tpu.memory_space<vmem>>, vector<16xf32>,
      tpu.vector_store %arg11[%swap3A_412], %scan3A_378#16 {strides = array<i32>} : memref<544xf32, #tpu.memory_space<vmem>>, vector<16xf32>,
      %swap3A_414 = arith.constant 400 : index
      %swap3A_415 = tpu.vector_load %arg11[%swap3A_414] {strides = array<i32>} : memref<544xf32, #tpu.memory_space<vmem>>, vector<16xf32>,
      tpu.vector_store %arg11[%swap3A_414], %scan3A_378#17 {strides = array<i32>} : memref<544xf32, #tpu.memory_space<vmem>>, vector<16xf32>,
      %swap3A_416 = arith.constant 144 : index
      %swap3A_417 = tpu.vector_load %arg11[%swap3A_416] {strides = array<i32>} : memref<544xf32, #tpu.memory_space<vmem>>, vector<16xf32>,
      tpu.vector_store %arg11[%swap3A_416], %scan3A_378#18 {strides = array<i32>} : memref<544xf32, #tpu.memory_space<vmem>>, vector<16xf32>,
      %swap3A_418 = arith.constant 416 : index
      %swap3A_419 = tpu.vector_load %arg11[%swap3A_418] {strides = array<i32>} : memref<544xf32, #tpu.memory_space<vmem>>, vector<16xf32>,
      tpu.vector_store %arg11[%swap3A_418], %scan3A_378#19 {strides = array<i32>} : memref<544xf32, #tpu.memory_space<vmem>>, vector<16xf32>,
      %swap3A_420 = arith.constant 160 : index
      %swap3A_421 = tpu.vector_load %arg11[%swap3A_420] {strides = array<i32>} : memref<544xf32, #tpu.memory_space<vmem>>, vector<16xf32>,
      tpu.vector_store %arg11[%swap3A_420], %scan3A_378#20 {strides = array<i32>} : memref<544xf32, #tpu.memory_space<vmem>>, vector<16xf32>,
      %swap3A_422 = arith.constant 432 : index
      %swap3A_423 = tpu.vector_load %arg11[%swap3A_422] {strides = array<i32>} : memref<544xf32, #tpu.memory_space<vmem>>, vector<16xf32>,
      tpu.vector_store %arg11[%swap3A_422], %scan3A_378#21 {strides = array<i32>} : memref<544xf32, #tpu.memory_space<vmem>>, vector<16xf32>,
      %swap3A_424 = arith.constant 176 : index
      %swap3A_425 = tpu.vector_load %arg11[%swap3A_424] {strides = array<i32>} : memref<544xf32, #tpu.memory_space<vmem>>, vector<16xf32>,
      tpu.vector_store %arg11[%swap3A_424], %scan3A_378#22 {strides = array<i32>} : memref<544xf32, #tpu.memory_space<vmem>>, vector<16xf32>,
      %swap3A_426 = arith.constant 448 : index
      %swap3A_427 = tpu.vector_load %arg11[%swap3A_426] {strides = array<i32>} : memref<544xf32, #tpu.memory_space<vmem>>, vector<16xf32>,
      tpu.vector_store %arg11[%swap3A_426], %scan3A_378#23 {strides = array<i32>} : memref<544xf32, #tpu.memory_space<vmem>>, vector<16xf32>,
      %swap3A_428 = arith.constant 192 : index
      %swap3A_429 = tpu.vector_load %arg11[%swap3A_428] {strides = array<i32>} : memref<544xf32, #tpu.memory_space<vmem>>, vector<16xf32>,
      tpu.vector_store %arg11[%swap3A_428], %scan3A_378#24 {strides = array<i32>} : memref<544xf32, #tpu.memory_space<vmem>>, vector<16xf32>,
      %swap3A_430 = arith.constant 464 : index
      %swap3A_431 = tpu.vector_load %arg11[%swap3A_430] {strides = array<i32>} : memref<544xf32, #tpu.memory_space<vmem>>, vector<16xf32>,
      tpu.vector_store %arg11[%swap3A_430], %scan3A_378#25 {strides = array<i32>} : memref<544xf32, #tpu.memory_space<vmem>>, vector<16xf32>,
      %swap3A_432 = arith.constant 208 : index
      %swap3A_433 = tpu.vector_load %arg11[%swap3A_432] {strides = array<i32>} : memref<544xf32, #tpu.memory_space<vmem>>, vector<16xf32>,
      tpu.vector_store %arg11[%swap3A_432], %scan3A_378#26 {strides = array<i32>} : memref<544xf32, #tpu.memory_space<vmem>>, vector<16xf32>,
      %swap3A_434 = arith.constant 480 : index
      %swap3A_435 = tpu.vector_load %arg11[%swap3A_434] {strides = array<i32>} : memref<544xf32, #tpu.memory_space<vmem>>, vector<16xf32>,
      tpu.vector_store %arg11[%swap3A_434], %scan3A_378#27 {strides = array<i32>} : memref<544xf32, #tpu.memory_space<vmem>>, vector<16xf32>,
      %swap3A_436 = arith.constant 224 : index
      %swap3A_437 = tpu.vector_load %arg11[%swap3A_436] {strides = array<i32>} : memref<544xf32, #tpu.memory_space<vmem>>, vector<16xf32>,
      tpu.vector_store %arg11[%swap3A_436], %scan3A_378#28 {strides = array<i32>} : memref<544xf32, #tpu.memory_space<vmem>>, vector<16xf32>,
      %swap3A_438 = arith.constant 496 : index
      %swap3A_439 = tpu.vector_load %arg11[%swap3A_438] {strides = array<i32>} : memref<544xf32, #tpu.memory_space<vmem>>, vector<16xf32>,
      tpu.vector_store %arg11[%swap3A_438], %scan3A_378#29 {strides = array<i32>} : memref<544xf32, #tpu.memory_space<vmem>>, vector<16xf32>,
      %swap3A_440 = arith.constant 240 : index
      %swap3A_441 = tpu.vector_load %arg11[%swap3A_440] {strides = array<i32>} : memref<544xf32, #tpu.memory_space<vmem>>, vector<16xf32>,
      tpu.vector_store %arg11[%swap3A_440], %scan3A_378#30 {strides = array<i32>} : memref<544xf32, #tpu.memory_space<vmem>>, vector<16xf32>,
      %swap3A_442 = arith.constant 512 : index
      %swap3A_443 = tpu.vector_load %arg11[%swap3A_442] {strides = array<i32>} : memref<544xf32, #tpu.memory_space<vmem>>, vector<16xf32>,
      tpu.vector_store %arg11[%swap3A_442], %scan3A_378#31 {strides = array<i32>} : memref<544xf32, #tpu.memory_space<vmem>>, vector<16xf32>,
      %swap3A_444 = arith.constant 256 : index
      %swap3A_445 = tpu.vector_load %arg11[%swap3A_444] {strides = array<i32>} : memref<544xf32, #tpu.memory_space<vmem>>, vector<16xf32>,
      tpu.vector_store %arg11[%swap3A_444], %scan3A_378#32 {strides = array<i32>} : memref<544xf32, #tpu.memory_space<vmem>>, vector<16xf32>,
      %swap3A_446 = arith.constant 528 : index
      %swap3A_447 = tpu.vector_load %arg11[%swap3A_446] {strides = array<i32>} : memref<544xf32, #tpu.memory_space<vmem>>, vector<16xf32>,
      tpu.vector_store %arg11[%swap3A_446], %scan3A_378#33 {strides = array<i32>} : memref<544xf32, #tpu.memory_space<vmem>>, vector<16xf32>,
      %add3A_448 = arith.addi %mul3A_2, %add3A_353 : i32
      %dma_start3A_449 = arith.constant 0 : i32
      %dma_start3A_450 = tpu.memref_slice %arg4[%add3A_448, %dma_start3A_449] : memref<8192x544xf32, #tpu.memory_space<hbm>> -> memref<1x544xf32, #tpu.memory_space<hbm>>
      %dma_start3A_451 = tpu.memref_squeeze %dma_start3A_450 : memref<1x544xf32, #tpu.memory_space<hbm>> -> memref<544xf32, #tpu.memory_space<hbm>>
      %dma_start3A_452 = arith.constant 0 : i32
      %dma_start3A_453 = tpu.memref_slice %arg4[%add3A_448, %dma_start3A_452] : memref<8192x544xf32, #tpu.memory_space<hbm>> -> memref<1x544xf32, #tpu.memory_space<hbm>>
      %dma_start3A_454 = tpu.memref_squeeze %dma_start3A_453 : memref<1x544xf32, #tpu.memory_space<hbm>> -> memref<544xf32, #tpu.memory_space<hbm>>
      tpu.enqueue_dma source(%arg11 : memref<544xf32, #tpu.memory_space<vmem>>) target(%dma_start3A_454 : memref<544xf32, #tpu.memory_space<hbm>>) target_semaphore(%arg17 : memref<!tpu.dma_semaphore, #tpu.memory_space<semaphore_mem>>)
    }
    %scan3A_28 = arith.constant 64 : i32
    %dma_wait3A = arith.constant 0 : i32
    %dma_wait3A_29 = tpu.memref_slice %arg4[%mul3A_2, %dma_wait3A] : memref<8192x544xf32, #tpu.memory_space<hbm>> -> memref<1x544xf32, #tpu.memory_space<hbm>>
    %dma_wait3A_30 = tpu.memref_squeeze %dma_wait3A_29 : memref<1x544xf32, #tpu.memory_space<hbm>> -> memref<544xf32, #tpu.memory_space<hbm>>
    %dma_wait3A_31 = arith.constant 0 : i32
    %dma_wait3A_32 = tpu.memref_slice %arg4[%mul3A_2, %dma_wait3A_31] : memref<8192x544xf32, #tpu.memory_space<hbm>> -> memref<1x544xf32, #tpu.memory_space<hbm>>
    %dma_wait3A_33 = tpu.memref_squeeze %dma_wait3A_32 : memref<1x544xf32, #tpu.memory_space<hbm>> -> memref<544xf32, #tpu.memory_space<hbm>>
    tpu.wait_dma2 semaphore(%arg16 : memref<!tpu.dma_semaphore, #tpu.memory_space<semaphore_mem>>) src(%arg10 : memref<544xf32, #tpu.memory_space<vmem>>) dst(%dma_wait3A_33 : memref<544xf32, #tpu.memory_space<hbm>>)
    %dma_wait3A_34 = arith.constant 0 : i32
    %dma_wait3A_35 = tpu.memref_slice %arg4[%mul3A_2, %dma_wait3A_34] : memref<8192x544xf32, #tpu.memory_space<hbm>> -> memref<1x544xf32, #tpu.memory_space<hbm>>
    %dma_wait3A_36 = tpu.memref_squeeze %dma_wait3A_35 : memref<1x544xf32, #tpu.memory_space<hbm>> -> memref<544xf32, #tpu.memory_space<hbm>>
    %dma_wait3A_37 = arith.constant 0 : i32
    %dma_wait3A_38 = tpu.memref_slice %arg4[%mul3A_2, %dma_wait3A_37] : memref<8192x544xf32, #tpu.memory_space<hbm>> -> memref<1x544xf32, #tpu.memory_space<hbm>>
    %dma_wait3A_39 = tpu.memref_squeeze %dma_wait3A_38 : memref<1x544xf32, #tpu.memory_space<hbm>> -> memref<544xf32, #tpu.memory_space<hbm>>
    tpu.wait_dma2 semaphore(%arg17 : memref<!tpu.dma_semaphore, #tpu.memory_space<semaphore_mem>>) src(%arg11 : memref<544xf32, #tpu.memory_space<vmem>>) dst(%dma_wait3A_39 : memref<544xf32, #tpu.memory_space<hbm>>)
    return
  }
}

module attributes {stable_mosaic.version = 14 : i64} {
  func.func @body(%arg0: i32, %arg1: memref<512x544xf32, #tpu.memory_space<vmem>>, %arg2: memref<512x544xf32, #tpu.memory_space<vmem>>, %arg3: memref<512x1xf32, #tpu.memory_space<vmem>>, %arg4: memref<512x1xi32, #tpu.memory_space<vmem>>, %arg5: memref<512x1xi32, #tpu.memory_space<vmem>>, %arg6: memref<1x512xf32, #tpu.memory_space<vmem>>, %arg7: memref<512x136xf32, #tpu.memory_space<vmem>>, %arg8: memref<1x136xf32, #tpu.memory_space<vmem>>, %arg9: memref<32x256xf32, #tpu.memory_space<vmem>>, %arg10: memref<1x256xf32, #tpu.memory_space<vmem>>, %arg11: memref<32x8xf32, #tpu.memory_space<vmem>>, %arg12: memref<1x8xf32, #tpu.memory_space<vmem>>, %arg13: memref<512x1xf32, #tpu.memory_space<vmem>>) attributes {dimension_semantics = [#tpu.dimension_semantics<arbitrary>], iteration_bounds = array<i64: 8>, scalar_prefetch = 0 : i64, scratch_operands = 0 : i64, tpu.core_type = #tpu.core_type<tc>, window_params = [{transform_indices = @transform_0, window_bounds = array<i64: 512, 544>}, {transform_indices = @transform_1, window_bounds = array<i64: 512, 544>}, {transform_indices = @transform_2, window_bounds = array<i64: 512, 1>}, {transform_indices = @transform_3, window_bounds = array<i64: 512, 1>}, {transform_indices = @transform_4, window_bounds = array<i64: 512, 1>}, {pipeline_mode = #tpu.pipeline_mode<synchronous>, transform_indices = @transform_5, window_bounds = array<i64: 1, 512>}, {pipeline_mode = #tpu.pipeline_mode<synchronous>, transform_indices = @transform_6, window_bounds = array<i64: 512, 136>}, {pipeline_mode = #tpu.pipeline_mode<synchronous>, transform_indices = @transform_7, window_bounds = array<i64: 1, 136>}, {pipeline_mode = #tpu.pipeline_mode<synchronous>, transform_indices = @transform_8, window_bounds = array<i64: 32, 256>}, {pipeline_mode = #tpu.pipeline_mode<synchronous>, transform_indices = @transform_9, window_bounds = array<i64: 1, 256>}, {pipeline_mode = #tpu.pipeline_mode<synchronous>, transform_indices = @transform_10, window_bounds = array<i64: 32, 8>}, {pipeline_mode = #tpu.pipeline_mode<synchronous>, transform_indices = @transform_11, window_bounds = array<i64: 1, 8>}, {transform_indices = @transform_12, window_bounds = array<i64: 512, 1>}]} {
    %get3A = arith.constant 0 : index
    %get3A_0 = arith.constant 0 : index
    %get3A_1 = vector.load %arg1[%get3A, %get3A_0] : memref<512x544xf32, #tpu.memory_space<vmem>>, vector<512x544xf32>
    %get3A_2 = arith.constant 0 : index
    %get3A_3 = arith.constant 0 : index
    %get3A_4 = vector.load %arg2[%get3A_2, %get3A_3] : memref<512x544xf32, #tpu.memory_space<vmem>>, vector<512x544xf32>
    %get3A_5 = arith.constant 0 : index
    %get3A_6 = arith.constant 0 : index
    %get3A_7 = vector.load %arg3[%get3A_5, %get3A_6] : memref<512x1xf32, #tpu.memory_space<vmem>>, vector<512x1xf32>
    %get3A_8 = arith.constant 0 : index
    %get3A_9 = arith.constant 0 : index
    %get3A_10 = vector.load %arg6[%get3A_8, %get3A_9] : memref<1x512xf32, #tpu.memory_space<vmem>>, vector<1x512xf32>
    %slice3A = vector.extract_strided_slice %get3A_1 {offsets = [0, 0], sizes = [512, 512], strides = [1, 1]} : vector<512x544xf32> to vector<512x512xf32>
    %add3A = vector.broadcast %get3A_10 : vector<1x512xf32> to vector<512x512xf32>
    %add3A_11 = arith.addf %slice3A, %add3A : vector<512x512xf32>
    %jit3A = arith.constant 0.000000e+00 : f32
    %jit3A_12 = arith.constant 1.000000e+00 : f32
    %max3A = vector.broadcast %jit3A : f32 to vector<512x512xf32>
    %max3A_13 = arith.maximumf %max3A, %add3A_11 : vector<512x512xf32>
    %min3A = vector.broadcast %jit3A_12 : f32 to vector<512x512xf32>
    %min3A_14 = arith.minimumf %min3A, %max3A_13 : vector<512x512xf32>
    %slice3A_15 = vector.extract_strided_slice %get3A_4 {offsets = [0, 0], sizes = [512, 512], strides = [1, 1]} : vector<512x544xf32> to vector<512x512xf32>
    %add3A_16 = vector.broadcast %get3A_10 : vector<1x512xf32> to vector<512x512xf32>
    %add3A_17 = arith.addf %slice3A_15, %add3A_16 : vector<512x512xf32>
    %jit3A_18 = arith.constant 0.000000e+00 : f32
    %jit3A_19 = arith.constant 1.000000e+00 : f32
    %max3A_20 = vector.broadcast %jit3A_18 : f32 to vector<512x512xf32>
    %max3A_21 = arith.maximumf %max3A_20, %add3A_17 : vector<512x512xf32>
    %min3A_22 = vector.broadcast %jit3A_19 : f32 to vector<512x512xf32>
    %min3A_23 = arith.minimumf %min3A_22, %max3A_21 : vector<512x512xf32>
    %slice3A_24 = vector.extract_strided_slice %min3A_14 {offsets = [0, 0], sizes = [512, 256], strides = [1, 1]} : vector<512x512xf32> to vector<512x256xf32>
    %slice3A_25 = vector.extract_strided_slice %min3A_14 {offsets = [0, 256], sizes = [512, 256], strides = [1, 1]} : vector<512x512xf32> to vector<512x256xf32>
    %mul3A = arith.mulf %slice3A_24, %slice3A_25 : vector<512x256xf32>
    %slice3A_26 = vector.extract_strided_slice %min3A_23 {offsets = [0, 0], sizes = [512, 256], strides = [1, 1]} : vector<512x512xf32> to vector<512x256xf32>
    %slice3A_27 = vector.extract_strided_slice %min3A_23 {offsets = [0, 256], sizes = [512, 256], strides = [1, 1]} : vector<512x512xf32> to vector<512x256xf32>
    %mul3A_28 = arith.mulf %slice3A_26, %slice3A_27 : vector<512x256xf32>
    %gt3A = arith.constant 5.000000e-01 : f32
    %gt3A_29 = vector.broadcast %gt3A : f32 to vector<512x1xf32>
    %gt3A_30 = arith.cmpf ogt, %get3A_7, %gt3A_29 : vector<512x1xf32>
    %broadcast_in_dim3A = vector.shape_cast %gt3A_30 : vector<512x1xi1> to vector<512x1xi1>
    %broadcast_in_dim3A_31 = vector.broadcast %broadcast_in_dim3A : vector<512x1xi1> to vector<512x256xi1>
    %select_n3A = arith.select %broadcast_in_dim3A_31, %mul3A, %mul3A_28 : vector<512x256xi1>, vector<512x256xf32>
    %broadcast_in_dim3A_32 = vector.shape_cast %gt3A_30 : vector<512x1xi1> to vector<512x1xi1>
    %broadcast_in_dim3A_33 = vector.broadcast %broadcast_in_dim3A_32 : vector<512x1xi1> to vector<512x256xi1>
    %select_n3A_34 = arith.select %broadcast_in_dim3A_33, %mul3A_28, %mul3A : vector<512x256xi1>, vector<512x256xf32>
    %concatenate3A = tpu.concatenate %select_n3A, %select_n3A_34 in 1 : vector<512x256xf32>, vector<512x256xf32> -> vector<512x512xf32>
    %mul3A_35 = arith.constant 0.9921875 : f32
    %mul3A_36 = vector.broadcast %mul3A_35 : f32 to vector<512x512xf32>
    %mul3A_37 = arith.mulf %concatenate3A, %mul3A_36 : vector<512x512xf32>
    %get3A_38 = arith.constant 0 : index
    %get3A_39 = arith.constant 0 : index
    %get3A_40 = vector.load %arg4[%get3A_38, %get3A_39] : memref<512x1xi32, #tpu.memory_space<vmem>>, vector<512x1xi32>
    %iota3A = tpu.iota {dimensions = array<i32: 1>} : vector<512x8xi32>
    %eq3A = vector.broadcast %get3A_40 : vector<512x1xi32> to vector<512x8xi32>
    %eq3A_41 = arith.cmpi eq, %eq3A, %iota3A : vector<512x8xi32>
    %convert_element_type3A = arith.extui %eq3A_41 : vector<512x8xi1> to vector<512x8xi32>
    %convert_element_type3A_42 = arith.sitofp %convert_element_type3A : vector<512x8xi32> to vector<512x8xf32>
    %slice3A_43 = vector.extract_strided_slice %get3A_1 {offsets = [0, 512], sizes = [512, 8], strides = [1, 1]} : vector<512x544xf32> to vector<512x8xf32>
    %slice3A_44 = vector.extract_strided_slice %get3A_4 {offsets = [0, 512], sizes = [512, 8], strides = [1, 1]} : vector<512x544xf32> to vector<512x8xf32>
    %sub3A = arith.subf %slice3A_43, %slice3A_44 : vector<512x8xf32>
    %mul3A_45 = arith.mulf %sub3A, %convert_element_type3A_42 : vector<512x8xf32>
    %reduce_sum3A = arith.constant dense<0.000000e+00> : vector<512xf32>
    %reduce_sum3A_46 = vector.multi_reduction <add>, %mul3A_45, %reduce_sum3A [1] : vector<512x8xf32> to vector<512xf32>
    %broadcast_in_dim3A_47 = vector.shape_cast %reduce_sum3A_46 : vector<512xf32> to vector<512x1xf32>
    %sub3A_48 = arith.constant 5.000000e-01 : f32
    %sub3A_49 = vector.broadcast %sub3A_48 : f32 to vector<512x1xf32>
    %sub3A_50 = arith.subf %get3A_7, %sub3A_49 : vector<512x1xf32>
    %mul3A_51 = arith.mulf %broadcast_in_dim3A_47, %sub3A_50 : vector<512x1xf32>
    %get3A_52 = arith.constant 0 : index
    %get3A_53 = arith.constant 0 : index
    %get3A_54 = vector.load %arg5[%get3A_52, %get3A_53] : memref<512x1xi32, #tpu.memory_space<vmem>>, vector<512x1xi32>
    %get3A_55 = arith.constant 0 : index
    %get3A_56 = arith.constant 0 : index
    %get3A_57 = vector.load %arg7[%get3A_55, %get3A_56] : memref<512x136xf32, #tpu.memory_space<vmem>>, vector<512x136xf32>
    %dot_general3A = arith.constant dense<0.000000e+00> : vector<512x136xf32>
    %dot_general3A_58 = tpu.matmul %mul3A_37, %get3A_57, %dot_general3A {dimension_numbers = #tpu.dot_dimension_numbers<[1], [0], [0], [1], [0, 0, 1, 1], [], []>, transpose_lhs_hint = false} : vector<512x512xf32>, vector<512x136xf32>, vector<512x136xf32> -> vector<512x136xf32>
    %get3A_59 = arith.constant 0 : index
    %get3A_60 = arith.constant 0 : index
    %get3A_61 = vector.load %arg8[%get3A_59, %get3A_60] : memref<1x136xf32, #tpu.memory_space<vmem>>, vector<1x136xf32>
    %add3A_62 = vector.broadcast %get3A_61 : vector<1x136xf32> to vector<512x136xf32>
    %add3A_63 = arith.addf %dot_general3A_58, %add3A_62 : vector<512x136xf32>
    %broadcast_in_dim3A_64 = arith.constant 0.000000e+00 : f32
    %broadcast_in_dim3A_65 = vector.broadcast %broadcast_in_dim3A_64 : f32 to vector<512x17xf32>
    %eq3A_66 = arith.constant 0 : i32
    %eq3A_67 = vector.broadcast %eq3A_66 : i32 to vector<512x1xi32>
    %eq3A_68 = arith.cmpi eq, %get3A_54, %eq3A_67 : vector<512x1xi32>
    %slice3A_69 = vector.extract_strided_slice %add3A_63 {offsets = [0, 0], sizes = [512, 17], strides = [1, 1]} : vector<512x136xf32> to vector<512x17xf32>
    %jit3A_70 = arith.constant 0.000000e+00 : f32
    %broadcast_in_dim3A_71 = vector.shape_cast %eq3A_68 : vector<512x1xi1> to vector<512x1xi1>
    %broadcast_in_dim3A_72 = vector.broadcast %broadcast_in_dim3A_71 : vector<512x1xi1> to vector<512x17xi1>
    %broadcast_in_dim3A_73 = vector.broadcast %jit3A_70 : f32 to vector<512x17xf32>
    %select_n3A_74 = arith.select %broadcast_in_dim3A_72, %slice3A_69, %broadcast_in_dim3A_73 : vector<512x17xi1>, vector<512x17xf32>
    %add3A_75 = arith.addf %broadcast_in_dim3A_65, %select_n3A_74 : vector<512x17xf32>
    %eq3A_76 = arith.constant 1 : i32
    %eq3A_77 = vector.broadcast %eq3A_76 : i32 to vector<512x1xi32>
    %eq3A_78 = arith.cmpi eq, %get3A_54, %eq3A_77 : vector<512x1xi32>
    %slice3A_79 = vector.extract_strided_slice %add3A_63 {offsets = [0, 17], sizes = [512, 17], strides = [1, 1]} : vector<512x136xf32> to vector<512x17xf32>
    %jit3A_80 = arith.constant 0.000000e+00 : f32
    %broadcast_in_dim3A_81 = vector.shape_cast %eq3A_78 : vector<512x1xi1> to vector<512x1xi1>
    %broadcast_in_dim3A_82 = vector.broadcast %broadcast_in_dim3A_81 : vector<512x1xi1> to vector<512x17xi1>
    %broadcast_in_dim3A_83 = vector.broadcast %jit3A_80 : f32 to vector<512x17xf32>
    %select_n3A_84 = arith.select %broadcast_in_dim3A_82, %slice3A_79, %broadcast_in_dim3A_83 : vector<512x17xi1>, vector<512x17xf32>
    %add3A_85 = arith.addf %add3A_75, %select_n3A_84 : vector<512x17xf32>
    %eq3A_86 = arith.constant 2 : i32
    %eq3A_87 = vector.broadcast %eq3A_86 : i32 to vector<512x1xi32>
    %eq3A_88 = arith.cmpi eq, %get3A_54, %eq3A_87 : vector<512x1xi32>
    %slice3A_89 = vector.extract_strided_slice %add3A_63 {offsets = [0, 34], sizes = [512, 17], strides = [1, 1]} : vector<512x136xf32> to vector<512x17xf32>
    %jit3A_90 = arith.constant 0.000000e+00 : f32
    %broadcast_in_dim3A_91 = vector.shape_cast %eq3A_88 : vector<512x1xi1> to vector<512x1xi1>
    %broadcast_in_dim3A_92 = vector.broadcast %broadcast_in_dim3A_91 : vector<512x1xi1> to vector<512x17xi1>
    %broadcast_in_dim3A_93 = vector.broadcast %jit3A_90 : f32 to vector<512x17xf32>
    %select_n3A_94 = arith.select %broadcast_in_dim3A_92, %slice3A_89, %broadcast_in_dim3A_93 : vector<512x17xi1>, vector<512x17xf32>
    %add3A_95 = arith.addf %add3A_85, %select_n3A_94 : vector<512x17xf32>
    %eq3A_96 = arith.constant 3 : i32
    %eq3A_97 = vector.broadcast %eq3A_96 : i32 to vector<512x1xi32>
    %eq3A_98 = arith.cmpi eq, %get3A_54, %eq3A_97 : vector<512x1xi32>
    %slice3A_99 = vector.extract_strided_slice %add3A_63 {offsets = [0, 51], sizes = [512, 17], strides = [1, 1]} : vector<512x136xf32> to vector<512x17xf32>
    %jit3A_100 = arith.constant 0.000000e+00 : f32
    %broadcast_in_dim3A_101 = vector.shape_cast %eq3A_98 : vector<512x1xi1> to vector<512x1xi1>
    %broadcast_in_dim3A_102 = vector.broadcast %broadcast_in_dim3A_101 : vector<512x1xi1> to vector<512x17xi1>
    %broadcast_in_dim3A_103 = vector.broadcast %jit3A_100 : f32 to vector<512x17xf32>
    %select_n3A_104 = arith.select %broadcast_in_dim3A_102, %slice3A_99, %broadcast_in_dim3A_103 : vector<512x17xi1>, vector<512x17xf32>
    %add3A_105 = arith.addf %add3A_95, %select_n3A_104 : vector<512x17xf32>
    %eq3A_106 = arith.constant 4 : i32
    %eq3A_107 = vector.broadcast %eq3A_106 : i32 to vector<512x1xi32>
    %eq3A_108 = arith.cmpi eq, %get3A_54, %eq3A_107 : vector<512x1xi32>
    %slice3A_109 = vector.extract_strided_slice %add3A_63 {offsets = [0, 68], sizes = [512, 17], strides = [1, 1]} : vector<512x136xf32> to vector<512x17xf32>
    %jit3A_110 = arith.constant 0.000000e+00 : f32
    %broadcast_in_dim3A_111 = vector.shape_cast %eq3A_108 : vector<512x1xi1> to vector<512x1xi1>
    %broadcast_in_dim3A_112 = vector.broadcast %broadcast_in_dim3A_111 : vector<512x1xi1> to vector<512x17xi1>
    %broadcast_in_dim3A_113 = vector.broadcast %jit3A_110 : f32 to vector<512x17xf32>
    %select_n3A_114 = arith.select %broadcast_in_dim3A_112, %slice3A_109, %broadcast_in_dim3A_113 : vector<512x17xi1>, vector<512x17xf32>
    %add3A_115 = arith.addf %add3A_105, %select_n3A_114 : vector<512x17xf32>
    %eq3A_116 = arith.constant 5 : i32
    %eq3A_117 = vector.broadcast %eq3A_116 : i32 to vector<512x1xi32>
    %eq3A_118 = arith.cmpi eq, %get3A_54, %eq3A_117 : vector<512x1xi32>
    %slice3A_119 = vector.extract_strided_slice %add3A_63 {offsets = [0, 85], sizes = [512, 17], strides = [1, 1]} : vector<512x136xf32> to vector<512x17xf32>
    %jit3A_120 = arith.constant 0.000000e+00 : f32
    %broadcast_in_dim3A_121 = vector.shape_cast %eq3A_118 : vector<512x1xi1> to vector<512x1xi1>
    %broadcast_in_dim3A_122 = vector.broadcast %broadcast_in_dim3A_121 : vector<512x1xi1> to vector<512x17xi1>
    %broadcast_in_dim3A_123 = vector.broadcast %jit3A_120 : f32 to vector<512x17xf32>
    %select_n3A_124 = arith.select %broadcast_in_dim3A_122, %slice3A_119, %broadcast_in_dim3A_123 : vector<512x17xi1>, vector<512x17xf32>
    %add3A_125 = arith.addf %add3A_115, %select_n3A_124 : vector<512x17xf32>
    %eq3A_126 = arith.constant 6 : i32
    %eq3A_127 = vector.broadcast %eq3A_126 : i32 to vector<512x1xi32>
    %eq3A_128 = arith.cmpi eq, %get3A_54, %eq3A_127 : vector<512x1xi32>
    %slice3A_129 = vector.extract_strided_slice %add3A_63 {offsets = [0, 102], sizes = [512, 17], strides = [1, 1]} : vector<512x136xf32> to vector<512x17xf32>
    %jit3A_130 = arith.constant 0.000000e+00 : f32
    %broadcast_in_dim3A_131 = vector.shape_cast %eq3A_128 : vector<512x1xi1> to vector<512x1xi1>
    %broadcast_in_dim3A_132 = vector.broadcast %broadcast_in_dim3A_131 : vector<512x1xi1> to vector<512x17xi1>
    %broadcast_in_dim3A_133 = vector.broadcast %jit3A_130 : f32 to vector<512x17xf32>
    %select_n3A_134 = arith.select %broadcast_in_dim3A_132, %slice3A_129, %broadcast_in_dim3A_133 : vector<512x17xi1>, vector<512x17xf32>
    %add3A_135 = arith.addf %add3A_125, %select_n3A_134 : vector<512x17xf32>
    %eq3A_136 = arith.constant 7 : i32
    %eq3A_137 = vector.broadcast %eq3A_136 : i32 to vector<512x1xi32>
    %eq3A_138 = arith.cmpi eq, %get3A_54, %eq3A_137 : vector<512x1xi32>
    %slice3A_139 = vector.extract_strided_slice %add3A_63 {offsets = [0, 119], sizes = [512, 17], strides = [1, 1]} : vector<512x136xf32> to vector<512x17xf32>
    %jit3A_140 = arith.constant 0.000000e+00 : f32
    %broadcast_in_dim3A_141 = vector.shape_cast %eq3A_138 : vector<512x1xi1> to vector<512x1xi1>
    %broadcast_in_dim3A_142 = vector.broadcast %broadcast_in_dim3A_141 : vector<512x1xi1> to vector<512x17xi1>
    %broadcast_in_dim3A_143 = vector.broadcast %jit3A_140 : f32 to vector<512x17xf32>
    %select_n3A_144 = arith.select %broadcast_in_dim3A_142, %slice3A_139, %broadcast_in_dim3A_143 : vector<512x17xi1>, vector<512x17xf32>
    %add3A_145 = arith.addf %add3A_135, %select_n3A_144 : vector<512x17xf32>
    %slice3A_146 = vector.extract_strided_slice %add3A_145 {offsets = [0, 0], sizes = [512, 16], strides = [1, 1]} : vector<512x17xf32> to vector<512x16xf32>
    %slice3A_147 = vector.extract_strided_slice %add3A_145 {offsets = [0, 16], sizes = [512, 1], strides = [1, 1]} : vector<512x17xf32> to vector<512x1xf32>
    %jit3A_148 = arith.constant 0.000000e+00 : f32
    %jit3A_149 = arith.constant 1.000000e+00 : f32
    %max3A_150 = vector.broadcast %jit3A_148 : f32 to vector<512x16xf32>
    %max3A_151 = arith.maximumf %max3A_150, %slice3A_146 : vector<512x16xf32>
    %min3A_152 = vector.broadcast %jit3A_149 : f32 to vector<512x16xf32>
    %min3A_153 = arith.minimumf %min3A_152, %max3A_151 : vector<512x16xf32>
    %mul3A_154 = arith.mulf %min3A_153, %min3A_153 : vector<512x16xf32>
    %concatenate3A_155 = tpu.concatenate %mul3A_154, %min3A_153 in 1 : vector<512x16xf32>, vector<512x16xf32> -> vector<512x32xf32>
    %mul3A_156 = arith.constant 0.9921875 : f32
    %mul3A_157 = vector.broadcast %mul3A_156 : f32 to vector<512x32xf32>
    %mul3A_158 = arith.mulf %concatenate3A_155, %mul3A_157 : vector<512x32xf32>
    %get3A_159 = arith.constant 0 : index
    %get3A_160 = arith.constant 0 : index
    %get3A_161 = vector.load %arg9[%get3A_159, %get3A_160] : memref<32x256xf32, #tpu.memory_space<vmem>>, vector<32x256xf32>
    %dot_general3A_162 = arith.constant dense<0.000000e+00> : vector<512x256xf32>
    %dot_general3A_163 = tpu.matmul %mul3A_158, %get3A_161, %dot_general3A_162 {dimension_numbers = #tpu.dot_dimension_numbers<[1], [0], [0], [1], [0, 0, 1, 1], [], []>, transpose_lhs_hint = false} : vector<512x32xf32>, vector<32x256xf32>, vector<512x256xf32> -> vector<512x256xf32>
    %get3A_164 = arith.constant 0 : index
    %get3A_165 = arith.constant 0 : index
    %get3A_166 = vector.load %arg10[%get3A_164, %get3A_165] : memref<1x256xf32, #tpu.memory_space<vmem>>, vector<1x256xf32>
    %add3A_167 = vector.broadcast %get3A_166 : vector<1x256xf32> to vector<512x256xf32>
    %add3A_168 = arith.addf %dot_general3A_163, %add3A_167 : vector<512x256xf32>
    %broadcast_in_dim3A_169 = arith.constant 0.000000e+00 : f32
    %broadcast_in_dim3A_170 = vector.broadcast %broadcast_in_dim3A_169 : f32 to vector<512x32xf32>
    %eq3A_171 = arith.constant 0 : i32
    %eq3A_172 = vector.broadcast %eq3A_171 : i32 to vector<512x1xi32>
    %eq3A_173 = arith.cmpi eq, %get3A_54, %eq3A_172 : vector<512x1xi32>
    %slice3A_174 = vector.extract_strided_slice %add3A_168 {offsets = [0, 0], sizes = [512, 32], strides = [1, 1]} : vector<512x256xf32> to vector<512x32xf32>
    %jit3A_175 = arith.constant 0.000000e+00 : f32
    %broadcast_in_dim3A_176 = vector.shape_cast %eq3A_173 : vector<512x1xi1> to vector<512x1xi1>
    %broadcast_in_dim3A_177 = vector.broadcast %broadcast_in_dim3A_176 : vector<512x1xi1> to vector<512x32xi1>
    %broadcast_in_dim3A_178 = vector.broadcast %jit3A_175 : f32 to vector<512x32xf32>
    %select_n3A_179 = arith.select %broadcast_in_dim3A_177, %slice3A_174, %broadcast_in_dim3A_178 : vector<512x32xi1>, vector<512x32xf32>
    %add3A_180 = arith.addf %broadcast_in_dim3A_170, %select_n3A_179 : vector<512x32xf32>
    %eq3A_181 = arith.constant 1 : i32
    %eq3A_182 = vector.broadcast %eq3A_181 : i32 to vector<512x1xi32>
    %eq3A_183 = arith.cmpi eq, %get3A_54, %eq3A_182 : vector<512x1xi32>
    %slice3A_184 = vector.extract_strided_slice %add3A_168 {offsets = [0, 32], sizes = [512, 32], strides = [1, 1]} : vector<512x256xf32> to vector<512x32xf32>
    %jit3A_185 = arith.constant 0.000000e+00 : f32
    %broadcast_in_dim3A_186 = vector.shape_cast %eq3A_183 : vector<512x1xi1> to vector<512x1xi1>
    %broadcast_in_dim3A_187 = vector.broadcast %broadcast_in_dim3A_186 : vector<512x1xi1> to vector<512x32xi1>
    %broadcast_in_dim3A_188 = vector.broadcast %jit3A_185 : f32 to vector<512x32xf32>
    %select_n3A_189 = arith.select %broadcast_in_dim3A_187, %slice3A_184, %broadcast_in_dim3A_188 : vector<512x32xi1>, vector<512x32xf32>
    %add3A_190 = arith.addf %add3A_180, %select_n3A_189 : vector<512x32xf32>
    %eq3A_191 = arith.constant 2 : i32
    %eq3A_192 = vector.broadcast %eq3A_191 : i32 to vector<512x1xi32>
    %eq3A_193 = arith.cmpi eq, %get3A_54, %eq3A_192 : vector<512x1xi32>
    %slice3A_194 = vector.extract_strided_slice %add3A_168 {offsets = [0, 64], sizes = [512, 32], strides = [1, 1]} : vector<512x256xf32> to vector<512x32xf32>
    %jit3A_195 = arith.constant 0.000000e+00 : f32
    %broadcast_in_dim3A_196 = vector.shape_cast %eq3A_193 : vector<512x1xi1> to vector<512x1xi1>
    %broadcast_in_dim3A_197 = vector.broadcast %broadcast_in_dim3A_196 : vector<512x1xi1> to vector<512x32xi1>
    %broadcast_in_dim3A_198 = vector.broadcast %jit3A_195 : f32 to vector<512x32xf32>
    %select_n3A_199 = arith.select %broadcast_in_dim3A_197, %slice3A_194, %broadcast_in_dim3A_198 : vector<512x32xi1>, vector<512x32xf32>
    %add3A_200 = arith.addf %add3A_190, %select_n3A_199 : vector<512x32xf32>
    %eq3A_201 = arith.constant 3 : i32
    %eq3A_202 = vector.broadcast %eq3A_201 : i32 to vector<512x1xi32>
    %eq3A_203 = arith.cmpi eq, %get3A_54, %eq3A_202 : vector<512x1xi32>
    %slice3A_204 = vector.extract_strided_slice %add3A_168 {offsets = [0, 96], sizes = [512, 32], strides = [1, 1]} : vector<512x256xf32> to vector<512x32xf32>
    %jit3A_205 = arith.constant 0.000000e+00 : f32
    %broadcast_in_dim3A_206 = vector.shape_cast %eq3A_203 : vector<512x1xi1> to vector<512x1xi1>
    %broadcast_in_dim3A_207 = vector.broadcast %broadcast_in_dim3A_206 : vector<512x1xi1> to vector<512x32xi1>
    %broadcast_in_dim3A_208 = vector.broadcast %jit3A_205 : f32 to vector<512x32xf32>
    %select_n3A_209 = arith.select %broadcast_in_dim3A_207, %slice3A_204, %broadcast_in_dim3A_208 : vector<512x32xi1>, vector<512x32xf32>
    %add3A_210 = arith.addf %add3A_200, %select_n3A_209 : vector<512x32xf32>
    %eq3A_211 = arith.constant 4 : i32
    %eq3A_212 = vector.broadcast %eq3A_211 : i32 to vector<512x1xi32>
    %eq3A_213 = arith.cmpi eq, %get3A_54, %eq3A_212 : vector<512x1xi32>
    %slice3A_214 = vector.extract_strided_slice %add3A_168 {offsets = [0, 128], sizes = [512, 32], strides = [1, 1]} : vector<512x256xf32> to vector<512x32xf32>
    %jit3A_215 = arith.constant 0.000000e+00 : f32
    %broadcast_in_dim3A_216 = vector.shape_cast %eq3A_213 : vector<512x1xi1> to vector<512x1xi1>
    %broadcast_in_dim3A_217 = vector.broadcast %broadcast_in_dim3A_216 : vector<512x1xi1> to vector<512x32xi1>
    %broadcast_in_dim3A_218 = vector.broadcast %jit3A_215 : f32 to vector<512x32xf32>
    %select_n3A_219 = arith.select %broadcast_in_dim3A_217, %slice3A_214, %broadcast_in_dim3A_218 : vector<512x32xi1>, vector<512x32xf32>
    %add3A_220 = arith.addf %add3A_210, %select_n3A_219 : vector<512x32xf32>
    %eq3A_221 = arith.constant 5 : i32
    %eq3A_222 = vector.broadcast %eq3A_221 : i32 to vector<512x1xi32>
    %eq3A_223 = arith.cmpi eq, %get3A_54, %eq3A_222 : vector<512x1xi32>
    %slice3A_224 = vector.extract_strided_slice %add3A_168 {offsets = [0, 160], sizes = [512, 32], strides = [1, 1]} : vector<512x256xf32> to vector<512x32xf32>
    %jit3A_225 = arith.constant 0.000000e+00 : f32
    %broadcast_in_dim3A_226 = vector.shape_cast %eq3A_223 : vector<512x1xi1> to vector<512x1xi1>
    %broadcast_in_dim3A_227 = vector.broadcast %broadcast_in_dim3A_226 : vector<512x1xi1> to vector<512x32xi1>
    %broadcast_in_dim3A_228 = vector.broadcast %jit3A_225 : f32 to vector<512x32xf32>
    %select_n3A_229 = arith.select %broadcast_in_dim3A_227, %slice3A_224, %broadcast_in_dim3A_228 : vector<512x32xi1>, vector<512x32xf32>
    %add3A_230 = arith.addf %add3A_220, %select_n3A_229 : vector<512x32xf32>
    %eq3A_231 = arith.constant 6 : i32
    %eq3A_232 = vector.broadcast %eq3A_231 : i32 to vector<512x1xi32>
    %eq3A_233 = arith.cmpi eq, %get3A_54, %eq3A_232 : vector<512x1xi32>
    %slice3A_234 = vector.extract_strided_slice %add3A_168 {offsets = [0, 192], sizes = [512, 32], strides = [1, 1]} : vector<512x256xf32> to vector<512x32xf32>
    %jit3A_235 = arith.constant 0.000000e+00 : f32
    %broadcast_in_dim3A_236 = vector.shape_cast %eq3A_233 : vector<512x1xi1> to vector<512x1xi1>
    %broadcast_in_dim3A_237 = vector.broadcast %broadcast_in_dim3A_236 : vector<512x1xi1> to vector<512x32xi1>
    %broadcast_in_dim3A_238 = vector.broadcast %jit3A_235 : f32 to vector<512x32xf32>
    %select_n3A_239 = arith.select %broadcast_in_dim3A_237, %slice3A_234, %broadcast_in_dim3A_238 : vector<512x32xi1>, vector<512x32xf32>
    %add3A_240 = arith.addf %add3A_230, %select_n3A_239 : vector<512x32xf32>
    %eq3A_241 = arith.constant 7 : i32
    %eq3A_242 = vector.broadcast %eq3A_241 : i32 to vector<512x1xi32>
    %eq3A_243 = arith.cmpi eq, %get3A_54, %eq3A_242 : vector<512x1xi32>
    %slice3A_244 = vector.extract_strided_slice %add3A_168 {offsets = [0, 224], sizes = [512, 32], strides = [1, 1]} : vector<512x256xf32> to vector<512x32xf32>
    %jit3A_245 = arith.constant 0.000000e+00 : f32
    %broadcast_in_dim3A_246 = vector.shape_cast %eq3A_243 : vector<512x1xi1> to vector<512x1xi1>
    %broadcast_in_dim3A_247 = vector.broadcast %broadcast_in_dim3A_246 : vector<512x1xi1> to vector<512x32xi1>
    %broadcast_in_dim3A_248 = vector.broadcast %jit3A_245 : f32 to vector<512x32xf32>
    %select_n3A_249 = arith.select %broadcast_in_dim3A_247, %slice3A_244, %broadcast_in_dim3A_248 : vector<512x32xi1>, vector<512x32xf32>
    %add3A_250 = arith.addf %add3A_240, %select_n3A_249 : vector<512x32xf32>
    %jit3A_251 = arith.constant 0.000000e+00 : f32
    %jit3A_252 = arith.constant 1.000000e+00 : f32
    %max3A_253 = vector.broadcast %jit3A_251 : f32 to vector<512x32xf32>
    %max3A_254 = arith.maximumf %max3A_253, %add3A_250 : vector<512x32xf32>
    %min3A_255 = vector.broadcast %jit3A_252 : f32 to vector<512x32xf32>
    %min3A_256 = arith.minimumf %min3A_255, %max3A_254 : vector<512x32xf32>
    %get3A_257 = arith.constant 0 : index
    %get3A_258 = arith.constant 0 : index
    %get3A_259 = vector.load %arg11[%get3A_257, %get3A_258] : memref<32x8xf32, #tpu.memory_space<vmem>>, vector<32x8xf32>
    %dot_general3A_260 = arith.constant dense<0.000000e+00> : vector<512x8xf32>
    %dot_general3A_261 = tpu.matmul %min3A_256, %get3A_259, %dot_general3A_260 {dimension_numbers = #tpu.dot_dimension_numbers<[1], [0], [0], [1], [0, 0, 1, 1], [], []>, transpose_lhs_hint = false} : vector<512x32xf32>, vector<32x8xf32>, vector<512x8xf32> -> vector<512x8xf32>
    %get3A_262 = arith.constant 0 : index
    %get3A_263 = arith.constant 0 : index
    %get3A_264 = vector.load %arg12[%get3A_262, %get3A_263] : memref<1x8xf32, #tpu.memory_space<vmem>>, vector<1x8xf32>
    %add3A_265 = vector.broadcast %get3A_264 : vector<1x8xf32> to vector<512x8xf32>
    %add3A_266 = arith.addf %dot_general3A_261, %add3A_265 : vector<512x8xf32>
    %iota3A_267 = tpu.iota {dimensions = array<i32: 1>} : vector<512x8xi32>
    %eq3A_268 = vector.broadcast %get3A_54 : vector<512x1xi32> to vector<512x8xi32>
    %eq3A_269 = arith.cmpi eq, %eq3A_268, %iota3A_267 : vector<512x8xi32>
    %convert_element_type3A_270 = arith.extui %eq3A_269 : vector<512x8xi1> to vector<512x8xi32>
    %convert_element_type3A_271 = arith.sitofp %convert_element_type3A_270 : vector<512x8xi32> to vector<512x8xf32>
    %mul3A_272 = arith.mulf %add3A_266, %convert_element_type3A_271 : vector<512x8xf32>
    %reduce_sum3A_273 = arith.constant dense<0.000000e+00> : vector<512xf32>
    %reduce_sum3A_274 = vector.multi_reduction <add>, %mul3A_272, %reduce_sum3A_273 [1] : vector<512x8xf32> to vector<512xf32>
    %broadcast_in_dim3A_275 = vector.shape_cast %reduce_sum3A_274 : vector<512xf32> to vector<512x1xf32>
    %add3A_276 = arith.addf %broadcast_in_dim3A_275, %slice3A_147 : vector<512x1xf32>
    %add3A_277 = arith.addf %add3A_276, %mul3A_51 : vector<512x1xf32>
    %swap3A = arith.constant 0 : index
    %swap3A_278 = arith.constant 0 : index
    %swap3A_279 = vector.load %arg13[%swap3A, %swap3A_278] : memref<512x1xf32, #tpu.memory_space<vmem>>, vector<512x1xf32>
    tpu.vector_store %arg13[%swap3A, %swap3A_278], %add3A_277 {strides = array<i32>} : memref<512x1xf32, #tpu.memory_space<vmem>>, vector<512x1xf32>,
    return
  }
  func.func @transform_0(%arg0: i32) -> (i32, i32) {
    %c0_i32 = arith.constant 0 : i32
    %c0_i32_0 = arith.constant 0 : i32
    return %arg0, %c0_i32 : i32, i32
  }
  func.func @transform_1(%arg0: i32) -> (i32, i32) {
    %add3A = arith.constant 8 : i32
    %add3A_0 = arith.addi %arg0, %add3A : i32
    %c0_i32 = arith.constant 0 : i32
    %c0_i32_1 = arith.constant 0 : i32
    return %add3A_0, %c0_i32 : i32, i32
  }
  func.func @transform_2(%arg0: i32) -> (i32, i32) {
    %c0_i32 = arith.constant 0 : i32
    %c0_i32_0 = arith.constant 0 : i32
    return %arg0, %c0_i32 : i32, i32
  }
  func.func @transform_3(%arg0: i32) -> (i32, i32) {
    %c0_i32 = arith.constant 0 : i32
    %c0_i32_0 = arith.constant 0 : i32
    return %arg0, %c0_i32 : i32, i32
  }
  func.func @transform_4(%arg0: i32) -> (i32, i32) {
    %c0_i32 = arith.constant 0 : i32
    %c0_i32_0 = arith.constant 0 : i32
    return %arg0, %c0_i32 : i32, i32
  }
  func.func @transform_5(%arg0: i32) -> (i32, i32) {
    %c0_i32 = arith.constant 0 : i32
    %c0_i32_0 = arith.constant 0 : i32
    %c0_i32_1 = arith.constant 0 : i32
    return %c0_i32, %c0_i32_0 : i32, i32
  }
  func.func @transform_6(%arg0: i32) -> (i32, i32) {
    %c0_i32 = arith.constant 0 : i32
    %c0_i32_0 = arith.constant 0 : i32
    %c0_i32_1 = arith.constant 0 : i32
    return %c0_i32, %c0_i32_0 : i32, i32
  }
  func.func @transform_7(%arg0: i32) -> (i32, i32) {
    %c0_i32 = arith.constant 0 : i32
    %c0_i32_0 = arith.constant 0 : i32
    %c0_i32_1 = arith.constant 0 : i32
    return %c0_i32, %c0_i32_0 : i32, i32
  }
  func.func @transform_8(%arg0: i32) -> (i32, i32) {
    %c0_i32 = arith.constant 0 : i32
    %c0_i32_0 = arith.constant 0 : i32
    %c0_i32_1 = arith.constant 0 : i32
    return %c0_i32, %c0_i32_0 : i32, i32
  }
  func.func @transform_9(%arg0: i32) -> (i32, i32) {
    %c0_i32 = arith.constant 0 : i32
    %c0_i32_0 = arith.constant 0 : i32
    %c0_i32_1 = arith.constant 0 : i32
    return %c0_i32, %c0_i32_0 : i32, i32
  }
  func.func @transform_10(%arg0: i32) -> (i32, i32) {
    %c0_i32 = arith.constant 0 : i32
    %c0_i32_0 = arith.constant 0 : i32
    %c0_i32_1 = arith.constant 0 : i32
    return %c0_i32, %c0_i32_0 : i32, i32
  }
  func.func @transform_11(%arg0: i32) -> (i32, i32) {
    %c0_i32 = arith.constant 0 : i32
    %c0_i32_0 = arith.constant 0 : i32
    %c0_i32_1 = arith.constant 0 : i32
    return %c0_i32, %c0_i32_0 : i32, i32
  }
  func.func @transform_12(%arg0: i32) -> (i32, i32) {
    %c0_i32 = arith.constant 0 : i32
    %c0_i32_0 = arith.constant 0 : i32
    return %arg0, %c0_i32 : i32, i32
  }
}

</mosaic_0001>

<sc_bundles>
// kernel: kernel.4.cloned.1.call-start
scs
__scs_entry_jumppad:
0x0: {  	(pc) =	sbr.rel $0x88, $3  }
0x1: {  	(tag) =	ssettag $0x0;
	lr =	simm.s32 $0x1  }
0x2: {  	[smem:$0x3F94] =	sst lr;
	_ =	strace $0xD0000000  }
0x3: {  	_ = 	snop  }
0x4: {  	_ = 	snop  }
0x5: {  	_ = 	snop  }
0x6: {  	_ = 	snop  }
0x7: {  	_ = 	snop  }
__scs_overlays_trampoline_lowered:
0x8: {  	[smem:$0x3FA3] =	sst s0  }
0x9: {  	[smem:$0x3FA4] =	sst s1  }
0xa: {  	[smem:$0x3FA5] =	sst s2  }
0xb: {  	[smem:$0x3FA6] =	sst s3  }
0xc: {  	[smem:$0x3FA7] =	sst s4  }
0xd: {  	[smem:$0x3FA8] =	sst s5  }
0xe: {  	[smem:$0x3FA9] =	sst s6  }
0xf: {  	[smem:$0x3FAA] =	sst s7  }
0x10: {  	[smem:$0x3FAB] =	sst s8  }
0x11: {  	[smem:$0x3FAC] =	sst s9;
	s0 =	simm.s32 @!p0 $0x0  }
0x12: {  	s1 =	sld [smem:$0x3F92];
	s0 =	simm.s32 @p0 $0x1  }
0x13: {  	[smem:$0x3FAD] =	sst s0;
	s0 =	simm.s32 @!p1 $0x0  }
0x14: {  	s2 =	sld [smem:$0x3F91];
	s0 =	simm.s32 @p1 $0x1  }
0x15: {  	[smem:$0x3FAE] =	sst s0;
	s0 =	simm.s32 @!p2 $0x0  }
0x16: {  	s3 =	sld [smem:$0x3FDB];
	s0 =	simm.s32 @p2 $0x1  }
0x17: {  	s4 =	simm.s32 $0x1BF5;
	[smem:$0x3FB0] =	sst s0  }
0x18: {  	s0 =	sld [smem:$0x3F93];
	_ =	swait.ge [sflag:s4], $0x0  }
0x19: {  	s7 =	sld [smem:$0x3F94]  }
0x1a: {  	s8 =	sadd.s32 $0xFFFFE003, lr  }
0x1b: {  	s9 =	sadd.s32 $0xFFFFFEF7, lr;
	s5 =	simm.s32 $0xFFFFFFFF;
	p2 =	slt.u32 s8, $0xFFFFF086  }
0x1c: {  	p1 =	slt.u32 s9, $0xF7A;
	s5 =	simm.s32 @!p2 $0x0  }
0x1d: {  	s5 =	simm.s32 @p1 $0x1;
	p0 =	seq.s32 s7, s2  }
0x1e: {  	s7 =	smul.u32 @!p0 $0xF7A, s2;
	p2 =	seq.s32 @!p0 s5, $0x0  }
0x1f: {  	s9 =	smul.u32 $0xF7A, s1;
	s8 =	simm.s32 @!p0 $0x1BF5;
	p2 =	por !p2, p0  }
0x20: {  	[sflag:s8] =	ssyncset.s32 @!p0 $0xFFFFF086;
	s6 =	sadd.s32 @!p0 s3, s7;
	s7 =	simm.s32 @!p0 $0x108  }
0x21: {  	s3 =	sadd.s32 s3, s9;
	s6 =	sadd.s32 @!p0 $0x88, s6;
	s7 =	simm.s32 @p2 $0x1082  }
0x22: {  	[simem:s7], [sflag:s8] =	dma.local @!p0 [hbm:s6], $0xF7A  }
0x23: {  	s9 =	sor.u32 $0xD0000000, s2;
	s6 =	simm.s32 $0x108;
	_ =	swait.ge @!p0 [sflag:s8], $0x0  }
0x24: {  	s3 =	sadd.s32 $0x88, s3;
	s6 =	simm.s32 @!p1 $0x1082;
	[sflag:s4] =	ssyncset.s32 $0xFFFFF086  }
0x25: {  	[simem:s6], [sflag:s4] =	dma.local [hbm:s3], $0xF7A  }
0x26: {  	[smem:$0x3F94] =	sst s1;
	(tag) =	ssettag s2;
	_ =	strace s9  }
0x27: {  	s1 =	sld [smem:$0x3FA4]  }
0x28: {  	s2 =	sld [smem:$0x3FA5]  }
0x29: {  	s4 =	sld [smem:$0x3FA7]  }
0x2a: {  	p0 =	seq.s32 s5, $0x0;
	s5 =	sld [smem:$0x3FA8]  }
0x2b: {  	s6 =	sld [smem:$0x3FA9]  }
0x2c: {  	s7 =	sld [smem:$0x3FAA]  }
0x2d: {  	s3 =	simm.s32 $0x108;
	s8 =	sld [smem:$0x3FAB]  }
0x2e: {  	s3 =	simm.s32 @!p0 $0x1082;
	s9 =	sld [smem:$0x3FAC]  }
0x2f: {  	lr =	sadd.s32 s0, s3;
	s0 =	sld [smem:$0x3FA3]  }
0x30: {  	s3 =	sld [smem:$0x3FA6]  }
0x31: {  	[smem:$0x3FAF] =	sst s10  }
0x32: {  	s10 =	sld [smem:$0x3FAD];
	_ =	sdelay $0x3  }
0x33: {  	p0 =	seq.s32 s10, $0x1;
	s10 =	sld [smem:$0x3FAF];
	_ =	sdelay $0x3  }
0x34: {  	[smem:$0x3FAF] =	sst s10  }
0x35: {  	s10 =	sld [smem:$0x3FAE];
	_ =	sdelay $0x3  }
0x36: {  	p1 =	seq.s32 s10, $0x1;
	s10 =	sld [smem:$0x3FAF];
	_ =	sdelay $0x3  }
0x37: {  	[smem:$0x3FAF] =	sst s10  }
0x38: {  	s10 =	sld [smem:$0x3FB0]  }
0x39: {  	_ = 	snop;
	(pc) =	sbr.ind lr, $3  }
0x3a: {  	_ = 	snop  }
0x3b: {  	_ = 	snop  }
0x3c: {  	p2 =	seq.s32 s10, $0x1;
	s10 =	sld [smem:$0x3FAF]  }
0x3d: {  	_ =	shalt  }
0x3e: {  	_ =	shalt  }
0x3f: {  	_ =	shalt  }
0x40: {  	_ =	shalt  }
0x41: {  	_ =	shalt  }
0x42: {  	_ =	shalt  }
0x43: {  	_ =	shalt  }
0x44: {  	_ =	shalt  }
0x45: {  	_ =	shalt  }
0x46: {  	_ =	shalt  }
0x47: {  	_ =	shalt  }
0x48: {  	_ =	shalt  }
0x49: {  	_ =	shalt  }
0x4a: {  	_ =	shalt  }
0x4b: {  	_ =	shalt  }
0x4c: {  	_ =	shalt  }
0x4d: {  	_ =	shalt  }
0x4e: {  	_ =	shalt  }
0x4f: {  	_ =	shalt  }
0x50: {  	_ =	shalt  }
0x51: {  	_ =	shalt  }
0x52: {  	_ =	shalt  }
0x53: {  	_ =	shalt  }
0x54: {  	_ =	shalt  }
0x55: {  	_ =	shalt  }
0x56: {  	_ =	shalt  }
0x57: {  	_ =	shalt  }
0x58: {  	_ =	shalt  }
0x59: {  	_ =	shalt  }
0x5a: {  	_ =	shalt  }
0x5b: {  	_ =	shalt  }
0x5c: {  	_ =	shalt  }
0x5d: {  	_ =	shalt  }
0x5e: {  	_ =	shalt  }
0x5f: {  	_ =	shalt  }
0x60: {  	_ =	shalt  }
0x61: {  	_ =	shalt  }
0x62: {  	_ =	shalt  }
0x63: {  	_ =	shalt  }
0x64: {  	_ =	shalt  }
0x65: {  	_ =	shalt  }
0x66: {  	_ =	shalt  }
0x67: {  	_ =	shalt  }
0x68: {  	_ =	shalt  }
0x69: {  	_ =	shalt  }
0x6a: {  	_ =	shalt  }
0x6b: {  	_ =	shalt  }
0x6c: {  	_ =	shalt  }
0x6d: {  	_ =	shalt  }
0x6e: {  	_ =	shalt  }
0x6f: {  	_ =	shalt  }
0x70: {  	_ =	shalt  }
0x71: {  	_ =	shalt  }
0x72: {  	_ =	shalt  }
0x73: {  	_ =	shalt  }
0x74: {  	_ =	shalt  }
0x75: {  	_ =	shalt  }
0x76: {  	_ =	shalt  }
0x77: {  	_ =	shalt  }
0x78: {  	_ =	shalt  }
0x79: {  	_ =	shalt  }
0x7a: {  	_ =	shalt  }
0x7b: {  	_ =	shalt  }
0x7c: {  	_ =	shalt  }
0x7d: {  	_ =	shalt  }
0x7e: {  	_ =	shalt  }
0x7f: {  	_ =	shalt  }
0x80: {  	_ =	shalt  }
0x81: {  	_ =	shalt  }
0x82: {  	_ =	shalt  }
0x83: {  	_ =	shalt  }
0x84: {  	_ =	shalt  }
0x85: {  	_ =	shalt  }
0x86: {  	_ =	shalt  }
0x87: {  	_ =	shalt  }
.Lfunc_end0:
.L_simem_size_0:
called_computation_lowered:
.L_overlay_start_0:
0x88: {  	s2 =	sld [smem:$0x3FD9]  }
0x89: {  	s3 =	sld [smem:$0x3FFE];
	_ =	sdelay $0x1  }
0x8a: {  	s1 =	srdreg.scid  }
0x8b: {  	s0 =	sand.u32 $0x1, s1  }
0x8c: {  	s16 =	sshll.u32 s0, $0xA;
	s2 =	sadd.s32 s3, s2  }
0x8d: {  	s2 =	sadd.s32 s2, s16  }
0x8e: {  	[smem:$0x3FBB] =	sst s2  }
0x8f: {  	_ = 	snop  }
0x90: {  	(tm) =	ssettm $0x1  }
0x91: {  	s17 =	sld [smem:$0x3FFB];
	_ =	sdelay $0x3  }
0x92: {  	_ =	strace s17  }
0x93: {  	s2 =	sld [smem:$0x3FFC];
	_ =	sdelay $0x3  }
0x94: {  	_ =	strace s2  }
0x95: {  	s2 =	sld [smem:$0x3FFD];
	_ =	sdelay $0x3  }
0x96: {  	_ =	strace s2  }
0x97: {  	_ =	strace $0x8FFFFFFF  }
0x98: {  	s18 =	sld [smem:$0x3FDB];
	_ =	sdelay $0x1  }
0x99: {  	s19 =	simm.s32 $_scs_section_size  }
0x9a: {  	s4 =	simm.s32 $_size__tile_overlayer_lowered;
	s5 =	simm.s32 $_tile_overlayer_lowered  }
0x9b: {  	s22 =	simm.s32 $0x1BFF;
	s21 =	sshll.u32 s5, $0x1;
	s2 =	sadd.s32 s19, s18  }
0x9c: {  	s6 =	simm.s32 $0x0;
	s20 =	sshll.u32 s4, $0x1;
	s4 =	sadd.s32 s21, s2  }
0x9d: {  	[timem:s6], [sflag:s22] =	dma.local [hbm:s4], s20  }
0x9e: {  	_ =	swait.ge [sflag:s22], s20  }
0x9f: {  	s3 =	ssub.s32 $0x0, s20;
	[sflag:s22] =	ssyncset.done $0x0  }
0xa0: {  	[sflag:s22] =	ssyncadd.s32 s3;
	_ =	sdelay $0x1  }
0xa1: {  	s23 =	simm.s32 $0x1B8B  }
0xa2: {  	_ =	swait.ge [sflag:s23], $0x1  }
0xa3: {  	[sflag:s23] =	ssyncset.done $0x0  }
0xa4: {  	s25 =	simm.s32 $0x1B8E;
	s24 =	sld [smem:$0x3FFE];
	[sflag:s23] =	ssyncadd.s32 $0xFFFFFFFF  }
0xa5: {  	s26 =	simm.s32 $execute0_lowered;
	[smem:$0x3FD2] =	sst s25  }
0xa6: {  	s4 =	sshll.u32 s26, $0x1;
	_ =	strace $0x80000046;
	[dreg:$0x1] =	wrdreg $0xFFFFFFFF  }
0xa7: {  	s28 =	simm.s32 $_size_execute0_lowered;
	s2 =	sadd.s32 s2, s4;
	[dreg:$0x0] =	wrdreg $0x0  }
0xa8: {  	s4 =	sshll.u32 s28, $0x1;
	[dreg:$0x2] =	wrdreg s2  }
0xa9: {  	[dreg:$0x3] =	wrdreg s4  }
0xaa: {  	[dreg:$0x4] =	wrdreg $0xC0  }
0xab: {  	_ =	task [dreg:s6], $0x5FFFF  }
0xac: {  	[dreg:$0x1] =	wrdreg $0xFFFFFFFF  }
0xad: {  	[dreg:$0x0] =	wrdreg $0x60  }
0xae: {  	[dreg:$0x2] =	wrdreg s24  }
0xaf: {  	[dreg:$0x3] =	wrdreg $0x9  }
0xb0: {  	_ =	task.clear_ibuf [dreg:s6], $0x4FFFF;
	_ =	strace $0x90000046  }
0xb1: {  	s29 =	simm.s32 $0x9;
	_ =	strace $0x80000048  }
0xb2: {  	_ =	swait.ge [sflag:s29], $0x1  }
0xb3: {  	[sflag:s29] =	ssyncadd.s32 $0xFFFFFFFF  }
0xb4: {  	_ =	strace $0x90000048  }
0xb5: {  	_ =	sfence  }
0xb6: {  	s30 =	sld [smem:$0x0];
	_ =	sdelay $0x2  }
0xb7: {  	s31 =	sshll.u32 s1, $0xD;
	s1 =	sshrl.u32 s1, $0x2  }
0xb8: {  	s3 =	sand.u32 $0x4000, s31;
	s1 =	sadd.s32 s1, s30  }
0xb9: {  	s0 =	sor.u32 s3, s0;
	s1 =	sshll.u32 s1, $0x11  }
0xba: {  	s0 =	sor.u32 s1, s0  }
0xbb: {  	s0 =	sadd.s32 $0x8F2B, s0  }
0xbc: {  	[sflag:s0] =	ssyncadd.remote.s32 $0x1  }
0xbd: {  	_ =	sfence.sel $0xFFFF  }
0xbe: {  	[dreg:$0x0] =	wrdreg $0xFFFFFFFF;
	(pc) =	sbr.abs _section_cstart, $3  }
0xbf: {  	[dreg:$0x1] =	wrdreg $0xFFFFFFFF  }
0xc0: {  	_ =	task.clear_ibuf [dreg:s6], $0x2FFFF;
	_ =	strace $0x9FFFFFFF  }
0xc1: {  	(tm) =	ssettm $0x7FFFFFFF  }
tec
execute0_lowered:
.L_overlay_start_1:
0x0: {  	(tag) =	ssettag $0x1  }
0x1: {  	s5 =	rddreg [dreg:$0x0]  }
0x2: {  	s0 =	rddreg [dreg:$0x1];
	s3 =	srdreg.scid  }
0x3: {  	s2 =	simm.s32 $0x0;
	s1 =	stileid.u32;
	s9 =	simm.s32 $0x20  }
0x4: {  	s10 =	simm.s32 $0x2000;
	s11 =	simm.s32 $0x4200;
	s12 =	simm.s32 $0x40  }
0x5: {  	s13 =	simm.s32 $0x6400;
	s14 =	simm.s32 $0x8600;
	s15 =	simm.s32 $0x1  }
0x6: {  	s16 =	simm.s32 $0xA800;
	s17 =	simm.s32 $0x2;
	s18 =	simm.s32 $0x6  }
0x7: {  	s19 =	simm.s32 $0xAA20;
	s20 =	simm.s32 $0x3;
	s21 =	simm.s32 $0x5  }
0x8: {  	s22 =	simm.s32 $0x4;
	s23 =	simm.s32 $0x0;
	s4 =	sand.u32 $0x1, s3  }
0x9: {  	[smem:$0x7FF] =	sst s2;
	s30 =	sshll.u32 s1, $0x9;
	s6 =	sshll.u32 s4, $0x8  }
0xa: {  	_ =	strace $0x80000047;
	s31 =	ssub.s32 $0x2, s4;
	s3 =	sor.u32 s6, s30  }
0xb: {  	s4 =	sadd.s32 $0x2400, s5;
	s8 =	sshrl.u32 s31, $0x1;
	s7 =	sshll.u32 s3, $0x2  }
0xc: {  	s8 =	ssub.s32 s31, s8;
	s7 =	sadd.s32 s7, s5;
	s5 =	sadd.s32 $0x180400, s5  }
0xd: {  	s6 =	sadd.s32 $0x178400, s7;
	s7 =	smax.u32 s8, $0x1;
	s8 =	simm.s32 $0x7  }
.LBB2_1:
0xe: {  	[tilespmem:s2], [sflag:$0x7] =	stream.linear.gather [hbm4b:s6+s2], $0x2000, $0x38;
	[tilespmem:$0xAC40] =	vst v63  }
0xf: {  	_ =	swait.ge [sflag:s8], $0x2000  }
0x10: {  	[sflag:s8] =	ssyncset.done $0x0  }
0x11: {  	[sflag:s8] =	ssyncadd.s32 $0xFFFFE000  }
0x12: {  	[tilespmem:s10], [sflag:$0x1] =	stream.indirect.gather [hbm4b:s4+s9], $0x110, s2, s9, $0xb8;
	[tilespmem:$0xAC40] =	vst v63  }
0x13: {  	_ = 	snop  }
0x14: {  	[tilespmem:s11], [sflag:$0x2] =	stream.indirect.gather [hbm4b:s4+s9], $0x110, s9, s9, $0xb8;
	[tilespmem:$0xAC40] =	vst v63  }
0x15: {  	s24 =	simm.s32 $0x0  }
0x16: {  	[tilespmem:s13], [sflag:$0x3] =	stream.indirect.gather [hbm4b:s4+s9], $0x110, s12, s9, $0xb8;
	[tilespmem:$0xAC40] =	vst v63  }
.LBB2_2:
0x17: {  	s25 =	sshllo.u32 s24, $0x2  }
0x18: {  	s26 =	sshll.u32 s25, $0x5  }
0x19: {  	s26 =	sand.u32 $0x3FFFFFE0, s26  }
0x1a: {  	[tilespmem:s14], [sflag:$0x4] =	stream.indirect.gather [hbm4b:s4+s9], $0x110, s26, s9, $0xb8;
	[tilespmem:$0xAC40] =	vst v63  }
0x1b: {  	_ =	swait.ge [sflag:s15], $0x2200  }
0x1c: {  	p0 =	seq.s32 s24, $0x0;
	[sflag:s15] =	ssyncset.done $0x0  }
0x1d: {  	s26 =	simm.s32 @!p0 $0x5;
	[sflag:s15] =	ssyncadd.s32 $0xFFFFDE00  }
0x1e: {  	_ =	swait.ge @!p0 [sflag:s26], $0x220  }
0x1f: {  	[sflag:s26] =	ssyncset.done @!p0 $0x0  }
0x20: {  	s29 =	simm.s32 $0x0;
	[sflag:s26] =	ssyncadd.s32 @!p0 $0xFFFFFDE0  }
0x21: {  	v0 =	vld [tilespmem:s29+$0x20F0]  }
0x22: {  	v5 =	vld [tilespmem:s29+$0x20A0]  }
0x23: {  	v2 =	vld [tilespmem:s29+$0x2100]  }
0x24: {  	v3 =	vld [tilespmem:s29+$0x20E0]  }
0x25: {  	v6 =	vld [tilespmem:s29+$0x2070]  }
0x26: {  	v10 =	vld [tilespmem:s29+$0x2080]  }
0x27: {  	v7 =	vimm.f32 $0.0e+00;
	v12 =	vld [tilespmem:s29+$0x20B0]  }
0x28: {  	v31 =	vimm.f32 $0.0e+00;
	v27 =	vimm.f32 $0.0e+00;
	v30 =	vimm.f32 $0.0e+00;
	v13 =	vld [tilespmem:s29+$0x2030]  }
0x29: {  	v33 =	vimm.f32 $0.0e+00;
	v36 =	vimm.f32 $0.0e+00;
	v32 =	vimm.f32 $0.0e+00;
	v15 =	vld [tilespmem:s29+$0x2050]  }
0x2a: {  	v26 =	vimm.f32 $0.0e+00;
	v37 =	vimm.f32 $0.0e+00;
	v29 =	vimm.f32 $0.0e+00;
	v17 =	vld [tilespmem:s29+$0x20C0]  }
0x2b: {  	v34 =	vimm.f32 $0.0e+00;
	v28 =	vimm.f32 $0.0e+00;
	v18 =	vld [tilespmem:s29+$0x2040];
	v1 =	vshll.u32 v0, $0x10  }
0x2c: {  	v20 =	vld [tilespmem:s29+$0x20D0];
	v4 =	vand.u32 $0xFFFF0000, v0;
	v11 =	vand.u32 $0xFFFF0000, v2;
	v8 =	vshll.u32 v3, $0x10  }
0x2d: {  	v41 =	vld [tilespmem:s29+$0x2000];
	v14 =	vand.u32 $0xFFFF0000, v3;
	v16 =	vand.u32 $0xFFFF0000, v6;
	v25 =	vshll.u32 v10, $0x10  }
0x2e: {  	v42 =	vld [tilespmem:s29+$0x2010];
	v24 =	vand.u32 $0xFFFF0000, v10;
	v10 =	vshll.u32 v5, $0x10;
	v40 =	vshll.u32 v13, $0x10  }
0x2f: {  	v19 =	vshll.u32 v12, $0x10;
	v35 =	vand.u32 $0xFFFF0000, v13;
	v38 =	vand.u32 $0xFFFF0000, v12  }
0x30: {  	v9 =	vld [tilespmem:s29+$0x2090];
	v13 =	vshll.u32 v15, $0x10;
	v21 =	vshll.u32 v17, $0x10;
	v23 =	vshll.u32 v18, $0x10  }
0x31: {  	v43 =	vand.u32 $0xFFFF0000, v15;
	v39 =	vand.u32 $0xFFFF0000, v20;
	v0 =	vadd.f32 v1, v7  }
0x32: {  	v44 =	vand.u32 $0xFFFF0000, v41;
	v1 =	vadd.f32 v4, v7;
	v3 =	vadd.f32 v8, v7  }
0x33: {  	v47 =	vand.u32 $0xFFFF0000, v42;
	v8 =	vadd.f32 v16, v7;
	v10 =	vadd.f32 v10, v7  }
0x34: {  	v4 =	vshll.u32 v2, $0x10;
	v12 =	vadd.f32 v19, v7;
	v19 =	vadd.f32 v13, v7  }
0x35: {  	v16 =	vand.u32 $0xFFFF0000, v9;
	v23 =	vadd.f32 v23, v7;
	v2 =	vadd.f32 v4, v7  }
0x36: {  	v4 =	vadd.f32 v14, v7;
	v14 =	vshll.u32 v9, $0x10;
	v15 =	vadd.f32 v16, v7  }
0x37: {  	v46 =	vld [tilespmem:s29+$0x2020];
	v16 =	vshll.u32 v20, $0x10;
	v20 =	vimm.f32 $0.0e+00;
	v9 =	vadd.f32 v14, v7  }
0x38: {  	v14 =	vand.u32 $0xFFFF0000, v5;
	v5 =	vadd.f32 v11, v7;
	v13 =	vadd.f32 v16, v7  }
0x39: {  	v16 =	vadd.f32 v21, v7;
	v21 =	vimm.f32 $0.0e+00;
	v11 =	vadd.f32 v14, v7  }
0x3a: {  	v45 =	vld [tilespmem:s29+$0x2060];
	v14 =	vand.u32 $0xFFFF0000, v17;
	v17 =	vand.u32 $0xFFFF0000, v18;
	v18 =	vimm.f32 $0.0e+00  }
0x3b: {  	s28 =	simm.s32 $0x440;
	s26 =	sshll.u32 s24, $0x2;
	v22 =	vadd.f32 v17, v7;
	v14 =	vadd.f32 v14, v7;
	v17 =	vimm.f32 $0.0e+00  }
.LBB2_3:
0x3c: {  	s29 =	sshra.s32 s28, $0x2;
	p1 =	sne.s32 s28, $0x83C0;
	s28 =	sadd.s32 $0x440, s28;
	v48 =	vshll.u32 v46, $0x10;
	v7 =	vadd.f32 v43, v7;
	v17 =	vadd.f32 v38, v17  }
0x3d: {  	v31 =	vadd.f32 v47, v31;
	v43 =	vand.u32 $0xFFFF0000, v46;
	v27 =	vadd.f32 v40, v27;
	v38 =	vld [tilespmem:s29+$0x20B0]  }
0x3e: {  	v42 =	vshll.u32 v42, $0x10;
	v20 =	vadd.f32 v25, v20;
	v30 =	vadd.f32 v43, v30;
	v40 =	vld [tilespmem:s29+$0x20F0]  }
0x3f: {  	v21 =	vadd.f32 v24, v21;
	v33 =	vadd.f32 v42, v33;
	v43 =	vld [tilespmem:s29+$0x20A0];
	v25 =	vand.u32 $0xFFFF0000, v45  }
0x40: {  	v36 =	vadd.f32 v44, v36;
	v18 =	vadd.f32 v39, v18;
	v42 =	vshll.u32 v45, $0x10;
	v24 =	vld [tilespmem:s29+$0x2100]  }
0x41: {  	v41 =	vshll.u32 v41, $0x10;
	v32 =	vadd.f32 v48, v32;
	v26 =	vadd.f32 v42, v26;
	v39 =	vld [tilespmem:s29+$0x20E0]  }
0x42: {  	v37 =	vadd.f32 v41, v37;
	v29 =	vadd.f32 v25, v29;
	v25 =	vshll.u32 v6, $0x10;
	v6 =	vld [tilespmem:s29+$0x2070]  }
0x43: {  	v34 =	vadd.f32 v35, v34;
	v28 =	vadd.f32 v25, v28;
	v41 =	vld [tilespmem:s29+$0x2090];
	v42 =	vshll.u32 v40, $0x10  }
0x44: {  	v25 =	vand.u32 $0xFFFF0000, v40;
	v35 =	vld [tilespmem:s29+$0x2080];
	v0 =	vadd.f32 v42, v0  }
0x45: {  	v1 =	vadd.f32 v25, v1;
	v44 =	vld [tilespmem:s29+$0x2050];
	v25 =	vshll.u32 v24, $0x10;
	v40 =	vand.u32 $0xFFFF0000, v24  }
0x46: {  	v42 =	vld [tilespmem:s29+$0x2030];
	v24 =	vshll.u32 v39, $0x10;
	v39 =	vand.u32 $0xFFFF0000, v39;
	v2 =	vadd.f32 v25, v2  }
0x47: {  	v25 =	vand.u32 $0xFFFF0000, v6;
	v3 =	vadd.f32 v24, v3;
	v4 =	vadd.f32 v39, v4  }
0x48: {  	v8 =	vadd.f32 v25, v8;
	v39 =	vshll.u32 v41, $0x10;
	v45 =	vand.u32 $0xFFFF0000, v41;
	v47 =	vld [tilespmem:s29+$0x20C0]  }
0x49: {  	v48 =	vld [tilespmem:s29+$0x2040];
	v25 =	vshll.u32 v35, $0x10;
	v24 =	vand.u32 $0xFFFF0000, v35;
	v35 =	vshll.u32 v43, $0x10  }
0x4a: {  	v5 =	vadd.f32 v40, v5;
	v9 =	vadd.f32 v39, v9;
	v39 =	vand.u32 $0xFFFF0000, v43;
	v49 =	vld [tilespmem:s29+$0x20D0]  }
0x4b: {  	v43 =	vshll.u32 v38, $0x10;
	v10 =	vadd.f32 v35, v10;
	v40 =	vshll.u32 v42, $0x10  }
0x4c: {  	v38 =	vand.u32 $0xFFFF0000, v38;
	v11 =	vadd.f32 v39, v11;
	v35 =	vand.u32 $0xFFFF0000, v42;
	v41 =	vld [tilespmem:s29+$0x2000]  }
0x4d: {  	v39 =	vshll.u32 v44, $0x10;
	v12 =	vadd.f32 v43, v12;
	v42 =	vld [tilespmem:s29+$0x2010];
	v50 =	vshll.u32 v47, $0x10  }
.Ltmp0:
0x4e: {  	v43 =	vand.u32 $0xFFFF0000, v44;
	v47 =	vand.u32 $0xFFFF0000, v47;
	v46 =	vld [tilespmem:s29+$0x2020];
	v51 =	vshll.u32 v48, $0x10;
	(pc) =	sbr.rel @p1 .LBB2_3-.Ltmp0, $4  }
0x4f: {  	v15 =	vadd.f32 v45, v15;
	v48 =	vand.u32 $0xFFFF0000, v48;
	v44 =	vshll.u32 v49, $0x10  }
0x50: {  	v19 =	vadd.f32 v39, v19;
	v39 =	vand.u32 $0xFFFF0000, v49;
	v13 =	vadd.f32 v44, v13  }
0x51: {  	v14 =	vadd.f32 v47, v14;
	v22 =	vadd.f32 v48, v22;
	v44 =	vand.u32 $0xFFFF0000, v41;
	v45 =	vld [tilespmem:s29+$0x2060]  }
0x52: {  	v16 =	vadd.f32 v50, v16;
	v23 =	vadd.f32 v51, v23;
	v47 =	vand.u32 $0xFFFF0000, v42  }
0x53: {  	[tilespmem:$0xA950] =	vst v22  }
0x54: {  	[tilespmem:$0xA850] =	vst v19  }
0x55: {  	[tilespmem:$0xA980] =	vst v8  }
0x56: {  	[tilespmem:$0xA890] =	vst v9  }
0x57: {  	[tilespmem:$0xA9A0] =	vst v15  }
0x58: {  	[tilespmem:$0xA8A0] =	vst v10  }
0x59: {  	[tilespmem:$0xA9B0] =	vst v11  }
0x5a: {  	[tilespmem:$0xA8B0] =	vst v12  }
0x5b: {  	[tilespmem:$0xA9D0] =	vst v14  }
0x5c: {  	[tilespmem:$0xA8D0] =	vst v13  }
0x5d: {  	[tilespmem:$0xA8E0] =	vst v3  }
0x5e: {  	[tilespmem:$0xA9F0] =	vst v4  }
0x5f: {  	[tilespmem:$0xA8F0] =	vst v0  }
0x60: {  	[tilespmem:$0xAA00] =	vst v1  }
0x61: {  	[tilespmem:$0xA900] =	vst v2  }
0x62: {  	[tilespmem:$0xAA10] =	vst v5  }
0x63: {  	v36 =	vadd.f32 v44, v36;
	[tilespmem:$0xA840] =	vst v23  }
0x64: {  	v31 =	vadd.f32 v47, v31;
	[tilespmem:$0xA8C0] =	vst v16  }
0x65: {  	v27 =	vadd.f32 v40, v27;
	[tilespmem:$0xA910] =	vst v36  }
0x66: {  	v56 =	vadd.f32 v35, v34;
	[tilespmem:$0xA920] =	vst v31  }
0x67: {  	v7 =	vadd.f32 v43, v7;
	[tilespmem:$0xA830] =	vst v27  }
0x68: {  	v60 =	vadd.f32 v25, v20;
	[tilespmem:$0xA940] =	vst v56  }
0x69: {  	v61 =	vadd.f32 v24, v21;
	[tilespmem:$0xA960] =	vst v7  }
0x6a: {  	v62 =	vadd.f32 v38, v17;
	[tilespmem:$0xA880] =	vst v60  }
0x6b: {  	v41 =	vshll.u32 v41, $0x10;
	v63 =	vadd.f32 v39, v18;
	[tilespmem:$0xA990] =	vst v61  }
0x6c: {  	v53 =	vshll.u32 v42, $0x10;
	v37 =	vadd.f32 v41, v37;
	[tilespmem:$0xA9C0] =	vst v62  }
0x6d: {  	v54 =	vshll.u32 v46, $0x10;
	v33 =	vadd.f32 v53, v33;
	[tilespmem:$0xA9E0] =	vst v63  }
0x6e: {  	v55 =	vand.u32 $0xFFFF0000, v46;
	v32 =	vadd.f32 v54, v32;
	[tilespmem:$0xA800] =	vst v37  }
0x6f: {  	v6 =	vshll.u32 v6, $0x10;
	v30 =	vadd.f32 v55, v30;
	[tilespmem:$0xA810] =	vst v33  }
0x70: {  	p1 =	sne.s32 s24, $0x3F;
	v6 =	vadd.f32 v6, v28;
	[tilespmem:$0xA820] =	vst v32;
	v57 =	vshll.u32 v45, $0x10  }
.Ltmp1:
0x71: {  	s28 =	sadd.s32 s3, s26;
	[tilespmem:$0xA930] =	vst v30;
	v58 =	vand.u32 $0xFFFF0000, v45;
	v23 =	vadd.f32 v57, v26;
	(pc) =	sbr.rel @p1 .LBB2_6-.Ltmp1, $4  }
0x72: {  	s28 =	smul.u32 $0x44, s28;
	[tilespmem:$0xA870] =	vst v6;
	v59 =	vadd.f32 v58, v29  }
0x73: {  	[tilespmem:$0xA860] =	vst v23  }
0x74: {  	s28 =	sadd.s32 s5, s28;
	[tilespmem:$0xA970] =	vst v59  }
0x75: {  	[hbm4b:s28+s2] =	stream.linear.scatter [tilespmem:s16], [sflag:$0x5], $0x220, $0x38;
	[tilespmem:$0xAC40] =	vst v63  }
.Ltmp2:
0x76: {  	(pc) =	sbr.rel .LBB2_7-.Ltmp2, $4  }
0x77: {  	_ = 	snop  }
0x78: {  	_ =	swait.ge [sflag:s17], $0x2200  }
0x79: {  	[sflag:s17] =	ssyncset.done $0x0  }
0x7a: {  	[sflag:s17] =	ssyncadd.s32 $0xFFFFDE00  }
.LBB2_6:
0x7b: {  	s28 =	sshll.u32 s24, $0x7  }
0x7c: {  	s28 =	sand.u32 $0x3FFFFF80, s28  }
.Ltmp3:
0x7d: {  	s28 =	sadd.s32 $0x80, s28;
	(pc) =	sbr.rel @p0 .LBB2_8-.Ltmp3, $4  }
0x7e: {  	[tilespmem:s10], [sflag:$0x1] =	stream.indirect.gather [hbm4b:s4+s9], $0x110, s28, s9, $0xb8;
	[tilespmem:$0xAC40] =	vst v63  }
0x7f: {  	_ =	swait.ge [sflag:s17], $0x2200  }
0x80: {  	[sflag:s17] =	ssyncset.done $0x0  }
0x81: {  	[sflag:s17] =	ssyncadd.s32 $0xFFFFDE00  }
.LBB2_7:
0x82: {  	_ =	swait.ge [sflag:s18], $0x220  }
0x83: {  	[sflag:s18] =	ssyncset.done $0x0  }
0x84: {  	[sflag:s18] =	ssyncadd.s32 $0xFFFFFDE0  }
.LBB2_8:
0x85: {  	s30 =	simm.s32 $0x0  }
0x86: {  	v0 =	vld [tilespmem:s30+$0x42F0]  }
0x87: {  	v5 =	vld [tilespmem:s30+$0x42A0]  }
0x88: {  	v2 =	vld [tilespmem:s30+$0x4300]  }
0x89: {  	v3 =	vld [tilespmem:s30+$0x42E0]  }
0x8a: {  	v6 =	vld [tilespmem:s30+$0x4270]  }
0x8b: {  	v10 =	vld [tilespmem:s30+$0x4280]  }
0x8c: {  	v7 =	vimm.f32 $0.0e+00;
	v12 =	vld [tilespmem:s30+$0x42B0]  }
0x8d: {  	v31 =	vimm.f32 $0.0e+00;
	v27 =	vimm.f32 $0.0e+00;
	v30 =	vimm.f32 $0.0e+00;
	v13 =	vld [tilespmem:s30+$0x4230]  }
0x8e: {  	v33 =	vimm.f32 $0.0e+00;
	v36 =	vimm.f32 $0.0e+00;
	v32 =	vimm.f32 $0.0e+00;
	v15 =	vld [tilespmem:s30+$0x4250]  }
0x8f: {  	v26 =	vimm.f32 $0.0e+00;
	v37 =	vimm.f32 $0.0e+00;
	v29 =	vimm.f32 $0.0e+00;
	v17 =	vld [tilespmem:s30+$0x42C0]  }
0x90: {  	v34 =	vimm.f32 $0.0e+00;
	v28 =	vimm.f32 $0.0e+00;
	v18 =	vld [tilespmem:s30+$0x4240];
	v1 =	vshll.u32 v0, $0x10  }
0x91: {  	v20 =	vld [tilespmem:s30+$0x42D0];
	v4 =	vand.u32 $0xFFFF0000, v0;
	v11 =	vand.u32 $0xFFFF0000, v2;
	v8 =	vshll.u32 v3, $0x10  }
0x92: {  	v41 =	vld [tilespmem:s30+$0x4200];
	v14 =	vand.u32 $0xFFFF0000, v3;
	v16 =	vand.u32 $0xFFFF0000, v6;
	v25 =	vshll.u32 v10, $0x10  }
0x93: {  	v42 =	vld [tilespmem:s30+$0x4210];
	v24 =	vand.u32 $0xFFFF0000, v10;
	v10 =	vshll.u32 v5, $0x10;
	v40 =	vshll.u32 v13, $0x10  }
0x94: {  	v19 =	vshll.u32 v12, $0x10;
	v35 =	vand.u32 $0xFFFF0000, v13;
	v38 =	vand.u32 $0xFFFF0000, v12  }
0x95: {  	v9 =	vld [tilespmem:s30+$0x4290];
	v13 =	vshll.u32 v15, $0x10;
	v21 =	vshll.u32 v17, $0x10;
	v23 =	vshll.u32 v18, $0x10  }
0x96: {  	v43 =	vand.u32 $0xFFFF0000, v15;
	v39 =	vand.u32 $0xFFFF0000, v20;
	v0 =	vadd.f32 v1, v7  }
0x97: {  	v44 =	vand.u32 $0xFFFF0000, v41;
	v1 =	vadd.f32 v4, v7;
	v3 =	vadd.f32 v8, v7  }
0x98: {  	v47 =	vand.u32 $0xFFFF0000, v42;
	v8 =	vadd.f32 v16, v7;
	v10 =	vadd.f32 v10, v7  }
0x99: {  	v4 =	vshll.u32 v2, $0x10;
	v12 =	vadd.f32 v19, v7;
	v19 =	vadd.f32 v13, v7  }
0x9a: {  	v16 =	vand.u32 $0xFFFF0000, v9;
	v23 =	vadd.f32 v23, v7;
	v2 =	vadd.f32 v4, v7  }
0x9b: {  	v4 =	vadd.f32 v14, v7;
	v14 =	vshll.u32 v9, $0x10;
	v15 =	vadd.f32 v16, v7  }
0x9c: {  	v46 =	vld [tilespmem:s30+$0x4220];
	v16 =	vshll.u32 v20, $0x10;
	v20 =	vimm.f32 $0.0e+00;
	v9 =	vadd.f32 v14, v7  }
0x9d: {  	v14 =	vand.u32 $0xFFFF0000, v5;
	v5 =	vadd.f32 v11, v7;
	v13 =	vadd.f32 v16, v7  }
0x9e: {  	v16 =	vadd.f32 v21, v7;
	v21 =	vimm.f32 $0.0e+00;
	v11 =	vadd.f32 v14, v7  }
0x9f: {  	v45 =	vld [tilespmem:s30+$0x4260];
	v14 =	vand.u32 $0xFFFF0000, v17;
	v17 =	vand.u32 $0xFFFF0000, v18;
	v18 =	vimm.f32 $0.0e+00  }
0xa0: {  	s28 =	sor.u32 $0x1, s26;
	s29 =	simm.s32 $0x440;
	v22 =	vadd.f32 v17, v7;
	v14 =	vadd.f32 v14, v7;
	v17 =	vimm.f32 $0.0e+00  }
.LBB2_9:
0xa1: {  	s30 =	sshra.s32 s29, $0x2;
	p0 =	sne.s32 s29, $0x83C0;
	s29 =	sadd.s32 $0x440, s29;
	v48 =	vshll.u32 v46, $0x10;
	v7 =	vadd.f32 v43, v7;
	v17 =	vadd.f32 v38, v17  }
0xa2: {  	v31 =	vadd.f32 v47, v31;
	v43 =	vand.u32 $0xFFFF0000, v46;
	v27 =	vadd.f32 v40, v27;
	v38 =	vld [tilespmem:s30+$0x42B0]  }
0xa3: {  	v42 =	vshll.u32 v42, $0x10;
	v20 =	vadd.f32 v25, v20;
	v30 =	vadd.f32 v43, v30;
	v40 =	vld [tilespmem:s30+$0x42F0]  }
0xa4: {  	v21 =	vadd.f32 v24, v21;
	v33 =	vadd.f32 v42, v33;
	v43 =	vld [tilespmem:s30+$0x42A0];
	v25 =	vand.u32 $0xFFFF0000, v45  }
0xa5: {  	v36 =	vadd.f32 v44, v36;
	v18 =	vadd.f32 v39, v18;
	v42 =	vshll.u32 v45, $0x10;
	v24 =	vld [tilespmem:s30+$0x4300]  }
0xa6: {  	v41 =	vshll.u32 v41, $0x10;
	v32 =	vadd.f32 v48, v32;
	v26 =	vadd.f32 v42, v26;
	v39 =	vld [tilespmem:s30+$0x42E0]  }
0xa7: {  	v37 =	vadd.f32 v41, v37;
	v29 =	vadd.f32 v25, v29;
	v25 =	vshll.u32 v6, $0x10;
	v6 =	vld [tilespmem:s30+$0x4270]  }
0xa8: {  	v34 =	vadd.f32 v35, v34;
	v28 =	vadd.f32 v25, v28;
	v41 =	vld [tilespmem:s30+$0x4290];
	v42 =	vshll.u32 v40, $0x10  }
0xa9: {  	v25 =	vand.u32 $0xFFFF0000, v40;
	v35 =	vld [tilespmem:s30+$0x4280];
	v0 =	vadd.f32 v42, v0  }
0xaa: {  	v1 =	vadd.f32 v25, v1;
	v44 =	vld [tilespmem:s30+$0x4250];
	v25 =	vshll.u32 v24, $0x10;
	v40 =	vand.u32 $0xFFFF0000, v24  }
0xab: {  	v42 =	vld [tilespmem:s30+$0x4230];
	v24 =	vshll.u32 v39, $0x10;
	v39 =	vand.u32 $0xFFFF0000, v39;
	v2 =	vadd.f32 v25, v2  }
0xac: {  	v25 =	vand.u32 $0xFFFF0000, v6;
	v3 =	vadd.f32 v24, v3;
	v4 =	vadd.f32 v39, v4  }
0xad: {  	v8 =	vadd.f32 v25, v8;
	v39 =	vshll.u32 v41, $0x10;
	v45 =	vand.u32 $0xFFFF0000, v41;
	v47 =	vld [tilespmem:s30+$0x42C0]  }
0xae: {  	v48 =	vld [tilespmem:s30+$0x4240];
	v25 =	vshll.u32 v35, $0x10;
	v24 =	vand.u32 $0xFFFF0000, v35;
	v35 =	vshll.u32 v43, $0x10  }
0xaf: {  	v5 =	vadd.f32 v40, v5;
	v9 =	vadd.f32 v39, v9;
	v39 =	vand.u32 $0xFFFF0000, v43;
	v49 =	vld [tilespmem:s30+$0x42D0]  }
0xb0: {  	v43 =	vshll.u32 v38, $0x10;
	v10 =	vadd.f32 v35, v10;
	v40 =	vshll.u32 v42, $0x10  }
0xb1: {  	v38 =	vand.u32 $0xFFFF0000, v38;
	v11 =	vadd.f32 v39, v11;
	v35 =	vand.u32 $0xFFFF0000, v42;
	v41 =	vld [tilespmem:s30+$0x4200]  }
0xb2: {  	v39 =	vshll.u32 v44, $0x10;
	v12 =	vadd.f32 v43, v12;
	v42 =	vld [tilespmem:s30+$0x4210];
	v50 =	vshll.u32 v47, $0x10  }
.Ltmp4:
0xb3: {  	v43 =	vand.u32 $0xFFFF0000, v44;
	v47 =	vand.u32 $0xFFFF0000, v47;
	v46 =	vld [tilespmem:s30+$0x4220];
	v51 =	vshll.u32 v48, $0x10;
	(pc) =	sbr.rel @p0 .LBB2_9-.Ltmp4, $4  }
0xb4: {  	v15 =	vadd.f32 v45, v15;
	v48 =	vand.u32 $0xFFFF0000, v48;
	v44 =	vshll.u32 v49, $0x10  }
0xb5: {  	v19 =	vadd.f32 v39, v19;
	v39 =	vand.u32 $0xFFFF0000, v49;
	v13 =	vadd.f32 v44, v13  }
0xb6: {  	v14 =	vadd.f32 v47, v14;
	v22 =	vadd.f32 v48, v22;
	v44 =	vand.u32 $0xFFFF0000, v41;
	v45 =	vld [tilespmem:s30+$0x4260]  }
0xb7: {  	v16 =	vadd.f32 v50, v16;
	v23 =	vadd.f32 v51, v23;
	v47 =	vand.u32 $0xFFFF0000, v42  }
0xb8: {  	[tilespmem:$0xAB70] =	vst v22  }
0xb9: {  	[tilespmem:$0xAA70] =	vst v19  }
0xba: {  	[tilespmem:$0xABA0] =	vst v8  }
0xbb: {  	[tilespmem:$0xAAB0] =	vst v9  }
0xbc: {  	[tilespmem:$0xABC0] =	vst v15  }
0xbd: {  	[tilespmem:$0xAAC0] =	vst v10  }
0xbe: {  	[tilespmem:$0xABD0] =	vst v11  }
0xbf: {  	[tilespmem:$0xAAD0] =	vst v12  }
0xc0: {  	[tilespmem:$0xABF0] =	vst v14  }
0xc1: {  	[tilespmem:$0xAAF0] =	vst v13  }
0xc2: {  	[tilespmem:$0xAB00] =	vst v3  }
0xc3: {  	[tilespmem:$0xAC10] =	vst v4  }
0xc4: {  	[tilespmem:$0xAB10] =	vst v0  }
0xc5: {  	[tilespmem:$0xAC20] =	vst v1  }
0xc6: {  	[tilespmem:$0xAB20] =	vst v2  }
0xc7: {  	[tilespmem:$0xAC30] =	vst v5  }
0xc8: {  	v36 =	vadd.f32 v44, v36;
	[tilespmem:$0xAA60] =	vst v23  }
0xc9: {  	v31 =	vadd.f32 v47, v31;
	[tilespmem:$0xAAE0] =	vst v16  }
0xca: {  	v27 =	vadd.f32 v40, v27;
	[tilespmem:$0xAB30] =	vst v36  }
0xcb: {  	v41 =	vshll.u32 v41, $0x10;
	v7 =	vadd.f32 v43, v7;
	[tilespmem:$0xAB40] =	vst v31  }
0xcc: {  	v61 =	vshll.u32 v42, $0x10;
	v37 =	vadd.f32 v41, v37;
	[tilespmem:$0xAA50] =	vst v27  }
0xcd: {  	v62 =	vshll.u32 v46, $0x10;
	v33 =	vadd.f32 v61, v33;
	[tilespmem:$0xAB80] =	vst v7  }
0xce: {  	v63 =	vand.u32 $0xFFFF0000, v46;
	v32 =	vadd.f32 v62, v32;
	[tilespmem:$0xAA20] =	vst v37  }
0xcf: {  	v6 =	vshll.u32 v6, $0x10;
	v30 =	vadd.f32 v63, v30;
	[tilespmem:$0xAA30] =	vst v33  }
0xd0: {  	v6 =	vadd.f32 v6, v28;
	[tilespmem:$0xAA40] =	vst v32  }
0xd1: {  	v31 =	vadd.f32 v35, v34;
	[tilespmem:$0xAB50] =	vst v30  }
0xd2: {  	v7 =	vadd.f32 v25, v20;
	[tilespmem:$0xAA90] =	vst v6  }
0xd3: {  	v23 =	vshll.u32 v45, $0x10;
	v6 =	vadd.f32 v24, v21;
	[tilespmem:$0xAB60] =	vst v31  }
0xd4: {  	v23 =	vadd.f32 v23, v26;
	[tilespmem:$0xAAA0] =	vst v7  }
0xd5: {  	v22 =	vand.u32 $0xFFFF0000, v45;
	[tilespmem:$0xABB0] =	vst v6;
	v6 =	vadd.f32 v38, v17  }
0xd6: {  	s28 =	sadd.s32 s3, s28;
	v19 =	vadd.f32 v22, v29;
	[tilespmem:$0xAA80] =	vst v23  }
0xd7: {  	s28 =	smul.u32 $0x44, s28;
	[tilespmem:$0xABE0] =	vst v6;
	v6 =	vadd.f32 v39, v18  }
0xd8: {  	[tilespmem:$0xAB90] =	vst v19  }
0xd9: {  	p0 =	seq.s32 s24, $0x3F;
	s28 =	sadd.s32 s5, s28;
	[tilespmem:$0xAC00] =	vst v6  }
0xda: {  	[hbm4b:s28+s2] =	stream.linear.scatter [tilespmem:s19], [sflag:$0x6], $0x220, $0x38;
	[tilespmem:$0xAC40] =	vst v63  }
0xdb: {  	s28 =	sshll.u32 @!p0 s24, $0x7  }
0xdc: {  	s28 =	sand.u32 @!p0 $0x3FFFFF80, s28  }
0xdd: {  	s30 =	simm.s32 @!p0 $0x20;
	s31 =	simm.s32 @!p0 $0x4200;
	s29 =	sadd.s32 @!p0 $0xA0, s28  }
0xde: {  	[tilespmem:s31], [sflag:$0x2] =	stream.indirect.gather @!p0 [hbm4b:s4+s30], $0x110, s29, s30, $0xb8;
	[tilespmem:$0xAC40] =	vst v63  }
0xdf: {  	_ =	swait.ge [sflag:s20], $0x2200  }
0xe0: {  	[sflag:s20] =	ssyncset.done $0x0  }
0xe1: {  	[sflag:s20] =	ssyncadd.s32 $0xFFFFDE00  }
0xe2: {  	_ =	swait.ge [sflag:s21], $0x220  }
0xe3: {  	[sflag:s21] =	ssyncset.done $0x0  }
0xe4: {  	s31 =	simm.s32 $0x0;
	[sflag:s21] =	ssyncadd.s32 $0xFFFFFDE0  }
0xe5: {  	v0 =	vld [tilespmem:s31+$0x64F0]  }
0xe6: {  	v5 =	vld [tilespmem:s31+$0x64A0]  }
0xe7: {  	v2 =	vld [tilespmem:s31+$0x6500]  }
0xe8: {  	v3 =	vld [tilespmem:s31+$0x64E0]  }
0xe9: {  	v6 =	vld [tilespmem:s31+$0x6470]  }
0xea: {  	v10 =	vld [tilespmem:s31+$0x6480]  }
0xeb: {  	v28 =	vimm.f32 $0.0e+00;
	v12 =	vld [tilespmem:s31+$0x64B0]  }
0xec: {  	v27 =	vimm.f32 $0.0e+00;
	v36 =	vimm.f32 $0.0e+00;
	v34 =	vimm.f32 $0.0e+00;
	v13 =	vld [tilespmem:s31+$0x6430]  }
0xed: {  	v30 =	vimm.f32 $0.0e+00;
	v33 =	vimm.f32 $0.0e+00;
	v32 =	vimm.f32 $0.0e+00;
	v15 =	vld [tilespmem:s31+$0x6450]  }
0xee: {  	v37 =	vimm.f32 $0.0e+00;
	v7 =	vimm.f32 $0.0e+00;
	v31 =	vimm.f32 $0.0e+00;
	v17 =	vld [tilespmem:s31+$0x64C0]  }
0xef: {  	v26 =	vimm.f32 $0.0e+00;
	v29 =	vimm.f32 $0.0e+00;
	v18 =	vld [tilespmem:s31+$0x6440];
	v1 =	vshll.u32 v0, $0x10  }
0xf0: {  	v20 =	vld [tilespmem:s31+$0x64D0];
	v4 =	vand.u32 $0xFFFF0000, v0;
	v11 =	vand.u32 $0xFFFF0000, v2;
	v8 =	vshll.u32 v3, $0x10  }
0xf1: {  	v41 =	vld [tilespmem:s31+$0x6400];
	v14 =	vand.u32 $0xFFFF0000, v3;
	v16 =	vand.u32 $0xFFFF0000, v6;
	v25 =	vshll.u32 v10, $0x10  }
0xf2: {  	v42 =	vld [tilespmem:s31+$0x6410];
	v24 =	vand.u32 $0xFFFF0000, v10;
	v10 =	vshll.u32 v5, $0x10;
	v40 =	vshll.u32 v13, $0x10  }
0xf3: {  	v19 =	vshll.u32 v12, $0x10;
	v35 =	vand.u32 $0xFFFF0000, v13;
	v38 =	vand.u32 $0xFFFF0000, v12  }
0xf4: {  	v9 =	vld [tilespmem:s31+$0x6490];
	v13 =	vshll.u32 v15, $0x10;
	v21 =	vshll.u32 v17, $0x10;
	v23 =	vshll.u32 v18, $0x10  }
0xf5: {  	v43 =	vand.u32 $0xFFFF0000, v15;
	v39 =	vand.u32 $0xFFFF0000, v20;
	v0 =	vadd.f32 v1, v7  }
0xf6: {  	v44 =	vand.u32 $0xFFFF0000, v41;
	v1 =	vadd.f32 v4, v7;
	v3 =	vadd.f32 v8, v7  }
0xf7: {  	v47 =	vand.u32 $0xFFFF0000, v42;
	v8 =	vadd.f32 v16, v7;
	v10 =	vadd.f32 v10, v7  }
0xf8: {  	v4 =	vshll.u32 v2, $0x10;
	v12 =	vadd.f32 v19, v7;
	v19 =	vadd.f32 v13, v7  }
0xf9: {  	v16 =	vand.u32 $0xFFFF0000, v9;
	v23 =	vadd.f32 v23, v7;
	v2 =	vadd.f32 v4, v7  }
0xfa: {  	v4 =	vadd.f32 v14, v7;
	v14 =	vshll.u32 v9, $0x10;
	v15 =	vadd.f32 v16, v7  }
0xfb: {  	v46 =	vld [tilespmem:s31+$0x6420];
	v16 =	vshll.u32 v20, $0x10;
	v20 =	vimm.f32 $0.0e+00;
	v9 =	vadd.f32 v14, v7  }
0xfc: {  	v14 =	vand.u32 $0xFFFF0000, v5;
	v5 =	vadd.f32 v11, v7;
	v13 =	vadd.f32 v16, v7  }
0xfd: {  	v16 =	vadd.f32 v21, v7;
	v21 =	vimm.f32 $0.0e+00;
	v11 =	vadd.f32 v14, v7  }
0xfe: {  	v45 =	vld [tilespmem:s31+$0x6460];
	v14 =	vand.u32 $0xFFFF0000, v17;
	v17 =	vand.u32 $0xFFFF0000, v18;
	v18 =	vimm.f32 $0.0e+00  }
0xff: {  	s26 =	sor.u32 $0x2, s26;
	s29 =	simm.s32 $0x440;
	v22 =	vadd.f32 v17, v7;
	v14 =	vadd.f32 v14, v7;
	v17 =	vimm.f32 $0.0e+00  }
.LBB2_11:
0x100: {  	s30 =	sshra.s32 s29, $0x2;
	p1 =	sne.s32 s29, $0x83C0;
	s29 =	sadd.s32 $0x440, s29;
	v48 =	vshll.u32 v46, $0x10;
	v7 =	vadd.f32 v43, v7;
	v17 =	vadd.f32 v38, v17  }
0x101: {  	v31 =	vadd.f32 v47, v31;
	v43 =	vand.u32 $0xFFFF0000, v46;
	v27 =	vadd.f32 v40, v27;
	v38 =	vld [tilespmem:s30+$0x64B0]  }
0x102: {  	v42 =	vshll.u32 v42, $0x10;
	v20 =	vadd.f32 v25, v20;
	v30 =	vadd.f32 v43, v30;
	v40 =	vld [tilespmem:s30+$0x64F0]  }
0x103: {  	v21 =	vadd.f32 v24, v21;
	v33 =	vadd.f32 v42, v33;
	v43 =	vld [tilespmem:s30+$0x64A0];
	v25 =	vand.u32 $0xFFFF0000, v45  }
0x104: {  	v36 =	vadd.f32 v44, v36;
	v18 =	vadd.f32 v39, v18;
	v42 =	vshll.u32 v45, $0x10;
	v24 =	vld [tilespmem:s30+$0x6500]  }
0x105: {  	v41 =	vshll.u32 v41, $0x10;
	v32 =	vadd.f32 v48, v32;
	v26 =	vadd.f32 v42, v26;
	v39 =	vld [tilespmem:s30+$0x64E0]  }
0x106: {  	v37 =	vadd.f32 v41, v37;
	v29 =	vadd.f32 v25, v29;
	v25 =	vshll.u32 v6, $0x10;
	v6 =	vld [tilespmem:s30+$0x6470]  }
0x107: {  	v34 =	vadd.f32 v35, v34;
	v28 =	vadd.f32 v25, v28;
	v41 =	vld [tilespmem:s30+$0x6490];
	v42 =	vshll.u32 v40, $0x10  }
0x108: {  	v25 =	vand.u32 $0xFFFF0000, v40;
	v35 =	vld [tilespmem:s30+$0x6480];
	v0 =	vadd.f32 v42, v0  }
0x109: {  	v1 =	vadd.f32 v25, v1;
	v44 =	vld [tilespmem:s30+$0x6450];
	v25 =	vshll.u32 v24, $0x10;
	v40 =	vand.u32 $0xFFFF0000, v24  }
0x10a: {  	v42 =	vld [tilespmem:s30+$0x6430];
	v24 =	vshll.u32 v39, $0x10;
	v39 =	vand.u32 $0xFFFF0000, v39;
	v2 =	vadd.f32 v25, v2  }
0x10b: {  	v25 =	vand.u32 $0xFFFF0000, v6;
	v3 =	vadd.f32 v24, v3;
	v4 =	vadd.f32 v39, v4  }
0x10c: {  	v8 =	vadd.f32 v25, v8;
	v39 =	vshll.u32 v41, $0x10;
	v45 =	vand.u32 $0xFFFF0000, v41;
	v47 =	vld [tilespmem:s30+$0x64C0]  }
0x10d: {  	v48 =	vld [tilespmem:s30+$0x6440];
	v25 =	vshll.u32 v35, $0x10;
	v24 =	vand.u32 $0xFFFF0000, v35;
	v35 =	vshll.u32 v43, $0x10  }
0x10e: {  	v5 =	vadd.f32 v40, v5;
	v9 =	vadd.f32 v39, v9;
	v39 =	vand.u32 $0xFFFF0000, v43;
	v49 =	vld [tilespmem:s30+$0x64D0]  }
0x10f: {  	v43 =	vshll.u32 v38, $0x10;
	v10 =	vadd.f32 v35, v10;
	v40 =	vshll.u32 v42, $0x10  }
0x110: {  	v38 =	vand.u32 $0xFFFF0000, v38;
	v11 =	vadd.f32 v39, v11;
	v35 =	vand.u32 $0xFFFF0000, v42;
	v41 =	vld [tilespmem:s30+$0x6400]  }
0x111: {  	v39 =	vshll.u32 v44, $0x10;
	v12 =	vadd.f32 v43, v12;
	v42 =	vld [tilespmem:s30+$0x6410];
	v50 =	vshll.u32 v47, $0x10  }
.Ltmp5:
0x112: {  	v43 =	vand.u32 $0xFFFF0000, v44;
	v47 =	vand.u32 $0xFFFF0000, v47;
	v46 =	vld [tilespmem:s30+$0x6420];
	v51 =	vshll.u32 v48, $0x10;
	(pc) =	sbr.rel @p1 .LBB2_11-.Ltmp5, $4  }
0x113: {  	v15 =	vadd.f32 v45, v15;
	v48 =	vand.u32 $0xFFFF0000, v48;
	v44 =	vshll.u32 v49, $0x10  }
0x114: {  	v19 =	vadd.f32 v39, v19;
	v39 =	vand.u32 $0xFFFF0000, v49;
	v13 =	vadd.f32 v44, v13  }
0x115: {  	v14 =	vadd.f32 v47, v14;
	v22 =	vadd.f32 v48, v22;
	v44 =	vand.u32 $0xFFFF0000, v41;
	v45 =	vld [tilespmem:s30+$0x6460]  }
0x116: {  	v16 =	vadd.f32 v50, v16;
	v23 =	vadd.f32 v51, v23;
	v47 =	vand.u32 $0xFFFF0000, v42  }
0x117: {  	[tilespmem:$0xA950] =	vst v22  }
0x118: {  	[tilespmem:$0xA850] =	vst v19  }
0x119: {  	[tilespmem:$0xA980] =	vst v8  }
0x11a: {  	[tilespmem:$0xA890] =	vst v9  }
0x11b: {  	[tilespmem:$0xA9A0] =	vst v15  }
0x11c: {  	[tilespmem:$0xA8A0] =	vst v10  }
0x11d: {  	[tilespmem:$0xA9B0] =	vst v11  }
0x11e: {  	[tilespmem:$0xA8B0] =	vst v12  }
0x11f: {  	[tilespmem:$0xA9D0] =	vst v14  }
0x120: {  	[tilespmem:$0xA8D0] =	vst v13  }
0x121: {  	[tilespmem:$0xA8E0] =	vst v3  }
0x122: {  	[tilespmem:$0xA9F0] =	vst v4  }
0x123: {  	[tilespmem:$0xA8F0] =	vst v0  }
0x124: {  	[tilespmem:$0xAA00] =	vst v1  }
0x125: {  	[tilespmem:$0xA900] =	vst v2  }
0x126: {  	[tilespmem:$0xAA10] =	vst v5  }
0x127: {  	v36 =	vadd.f32 v44, v36;
	[tilespmem:$0xA840] =	vst v23  }
0x128: {  	v31 =	vadd.f32 v47, v31;
	[tilespmem:$0xA8C0] =	vst v16  }
0x129: {  	v27 =	vadd.f32 v40, v27;
	[tilespmem:$0xA910] =	vst v36  }
0x12a: {  	v41 =	vshll.u32 v41, $0x10;
	v7 =	vadd.f32 v43, v7;
	[tilespmem:$0xA920] =	vst v31  }
0x12b: {  	v61 =	vshll.u32 v42, $0x10;
	v37 =	vadd.f32 v41, v37;
	[tilespmem:$0xA830] =	vst v27  }
0x12c: {  	v62 =	vshll.u32 v46, $0x10;
	v33 =	vadd.f32 v61, v33;
	[tilespmem:$0xA960] =	vst v7  }
0x12d: {  	v63 =	vand.u32 $0xFFFF0000, v46;
	v32 =	vadd.f32 v62, v32;
	[tilespmem:$0xA800] =	vst v37  }
0x12e: {  	v6 =	vshll.u32 v6, $0x10;
	v30 =	vadd.f32 v63, v30;
	[tilespmem:$0xA810] =	vst v33  }
0x12f: {  	v6 =	vadd.f32 v6, v28;
	[tilespmem:$0xA820] =	vst v32  }
0x130: {  	v31 =	vadd.f32 v35, v34;
	[tilespmem:$0xA930] =	vst v30  }
0x131: {  	v7 =	vadd.f32 v25, v20;
	[tilespmem:$0xA870] =	vst v6  }
0x132: {  	v23 =	vshll.u32 v45, $0x10;
	v6 =	vadd.f32 v24, v21;
	[tilespmem:$0xA940] =	vst v31  }
0x133: {  	v23 =	vadd.f32 v23, v26;
	[tilespmem:$0xA880] =	vst v7  }
0x134: {  	v22 =	vand.u32 $0xFFFF0000, v45;
	[tilespmem:$0xA990] =	vst v6;
	v6 =	vadd.f32 v38, v17  }
0x135: {  	s26 =	sadd.s32 s3, s26;
	v19 =	vadd.f32 v22, v29;
	[tilespmem:$0xA860] =	vst v23  }
0x136: {  	s26 =	smul.u32 $0x44, s26;
	[tilespmem:$0xA9C0] =	vst v6;
	v6 =	vadd.f32 v39, v18  }
0x137: {  	[tilespmem:$0xA970] =	vst v19  }
0x138: {  	s26 =	sadd.s32 s5, s26;
	[tilespmem:$0xA9E0] =	vst v6  }
0x139: {  	[hbm4b:s26+s2] =	stream.linear.scatter [tilespmem:s16], [sflag:$0x5], $0x220, $0x38;
	[tilespmem:$0xAC40] =	vst v63  }
0x13a: {  	s29 =	simm.s32 @!p0 $0x6400;
	s26 =	sadd.s32 @!p0 $0xC0, s28;
	s28 =	simm.s32 @!p0 $0x20  }
0x13b: {  	[tilespmem:s29], [sflag:$0x3] =	stream.indirect.gather @!p0 [hbm4b:s4+s28], $0x110, s26, s28, $0xb8;
	[tilespmem:$0xAC40] =	vst v63  }
0x13c: {  	_ =	swait.ge [sflag:s22], $0x2200  }
0x13d: {  	[sflag:s22] =	ssyncset.done $0x0  }
0x13e: {  	[sflag:s22] =	ssyncadd.s32 $0xFFFFDE00  }
0x13f: {  	_ =	swait.ge [sflag:s18], $0x220  }
0x140: {  	[sflag:s18] =	ssyncset.done $0x0  }
0x141: {  	s31 =	simm.s32 $0x0;
	[sflag:s18] =	ssyncadd.s32 $0xFFFFFDE0  }
0x142: {  	v0 =	vld [tilespmem:s31+$0x86F0]  }
0x143: {  	v5 =	vld [tilespmem:s31+$0x86A0]  }
0x144: {  	v2 =	vld [tilespmem:s31+$0x8700]  }
0x145: {  	v3 =	vld [tilespmem:s31+$0x86E0]  }
0x146: {  	v6 =	vld [tilespmem:s31+$0x8670]  }
0x147: {  	v10 =	vld [tilespmem:s31+$0x8680]  }
0x148: {  	v28 =	vimm.f32 $0.0e+00;
	v12 =	vld [tilespmem:s31+$0x86B0]  }
0x149: {  	v34 =	vimm.f32 $0.0e+00;
	v36 =	vimm.f32 $0.0e+00;
	v27 =	vimm.f32 $0.0e+00;
	v13 =	vld [tilespmem:s31+$0x8630]  }
0x14a: {  	v30 =	vimm.f32 $0.0e+00;
	v32 =	vimm.f32 $0.0e+00;
	v37 =	vimm.f32 $0.0e+00;
	v15 =	vld [tilespmem:s31+$0x8650]  }
0x14b: {  	v33 =	vimm.f32 $0.0e+00;
	v7 =	vimm.f32 $0.0e+00;
	v31 =	vimm.f32 $0.0e+00;
	v17 =	vld [tilespmem:s31+$0x86C0]  }
0x14c: {  	v26 =	vimm.f32 $0.0e+00;
	v29 =	vimm.f32 $0.0e+00;
	v18 =	vld [tilespmem:s31+$0x8640];
	v1 =	vshll.u32 v0, $0x10  }
0x14d: {  	v20 =	vld [tilespmem:s31+$0x86D0];
	v4 =	vand.u32 $0xFFFF0000, v0;
	v11 =	vand.u32 $0xFFFF0000, v2;
	v8 =	vshll.u32 v3, $0x10  }
0x14e: {  	v41 =	vld [tilespmem:s31+$0x8600];
	v14 =	vand.u32 $0xFFFF0000, v3;
	v16 =	vand.u32 $0xFFFF0000, v6;
	v25 =	vshll.u32 v10, $0x10  }
0x14f: {  	v42 =	vld [tilespmem:s31+$0x8610];
	v24 =	vand.u32 $0xFFFF0000, v10;
	v10 =	vshll.u32 v5, $0x10;
	v40 =	vshll.u32 v13, $0x10  }
0x150: {  	v19 =	vshll.u32 v12, $0x10;
	v35 =	vand.u32 $0xFFFF0000, v13;
	v38 =	vand.u32 $0xFFFF0000, v12  }
0x151: {  	v9 =	vld [tilespmem:s31+$0x8690];
	v13 =	vshll.u32 v15, $0x10;
	v21 =	vshll.u32 v17, $0x10;
	v23 =	vshll.u32 v18, $0x10  }
0x152: {  	v43 =	vand.u32 $0xFFFF0000, v15;
	v39 =	vand.u32 $0xFFFF0000, v20;
	v0 =	vadd.f32 v1, v7  }
0x153: {  	v45 =	vand.u32 $0xFFFF0000, v41;
	v1 =	vadd.f32 v4, v7;
	v3 =	vadd.f32 v8, v7  }
0x154: {  	v47 =	vand.u32 $0xFFFF0000, v42;
	v8 =	vadd.f32 v16, v7;
	v10 =	vadd.f32 v10, v7  }
0x155: {  	v4 =	vshll.u32 v2, $0x10;
	v12 =	vadd.f32 v19, v7;
	v19 =	vadd.f32 v13, v7  }
0x156: {  	v16 =	vand.u32 $0xFFFF0000, v9;
	v23 =	vadd.f32 v23, v7;
	v2 =	vadd.f32 v4, v7  }
0x157: {  	v4 =	vadd.f32 v14, v7;
	v14 =	vshll.u32 v9, $0x10;
	v15 =	vadd.f32 v16, v7  }
0x158: {  	v46 =	vld [tilespmem:s31+$0x8620];
	v16 =	vshll.u32 v20, $0x10;
	v20 =	vimm.f32 $0.0e+00;
	v9 =	vadd.f32 v14, v7  }
0x159: {  	v14 =	vand.u32 $0xFFFF0000, v5;
	v5 =	vadd.f32 v11, v7;
	v13 =	vadd.f32 v16, v7  }
0x15a: {  	v16 =	vadd.f32 v21, v7;
	v21 =	vimm.f32 $0.0e+00;
	v11 =	vadd.f32 v14, v7  }
0x15b: {  	v44 =	vld [tilespmem:s31+$0x8660];
	v14 =	vand.u32 $0xFFFF0000, v17;
	v17 =	vand.u32 $0xFFFF0000, v18;
	v18 =	vimm.f32 $0.0e+00  }
0x15c: {  	s26 =	simm.s32 $0x440;
	v22 =	vadd.f32 v17, v7;
	v14 =	vadd.f32 v14, v7;
	v17 =	vimm.f32 $0.0e+00  }
.LBB2_13:
0x15d: {  	s28 =	sshra.s32 s26, $0x2;
	p0 =	sne.s32 s26, $0x83C0;
	s26 =	sadd.s32 $0x440, s26;
	v48 =	vshll.u32 v46, $0x10;
	v7 =	vadd.f32 v43, v7;
	v17 =	vadd.f32 v38, v17  }
0x15e: {  	v31 =	vadd.f32 v47, v31;
	v43 =	vand.u32 $0xFFFF0000, v46;
	v28 =	vadd.f32 v40, v28;
	v38 =	vld [tilespmem:s28+$0x86B0]  }
0x15f: {  	v42 =	vshll.u32 v42, $0x10;
	v20 =	vadd.f32 v25, v20;
	v30 =	vadd.f32 v43, v30;
	v40 =	vld [tilespmem:s28+$0x86F0]  }
0x160: {  	v21 =	vadd.f32 v24, v21;
	v34 =	vadd.f32 v42, v34;
	v43 =	vld [tilespmem:s28+$0x86A0];
	v25 =	vand.u32 $0xFFFF0000, v44  }
0x161: {  	v36 =	vadd.f32 v45, v36;
	v18 =	vadd.f32 v39, v18;
	v42 =	vshll.u32 v44, $0x10;
	v24 =	vld [tilespmem:s28+$0x8700]  }
0x162: {  	v41 =	vshll.u32 v41, $0x10;
	v32 =	vadd.f32 v48, v32;
	v26 =	vadd.f32 v42, v26;
	v39 =	vld [tilespmem:s28+$0x86E0]  }
0x163: {  	v37 =	vadd.f32 v41, v37;
	v29 =	vadd.f32 v25, v29;
	v25 =	vshll.u32 v6, $0x10;
	v6 =	vld [tilespmem:s28+$0x8670]  }
0x164: {  	v33 =	vadd.f32 v35, v33;
	v27 =	vadd.f32 v25, v27;
	v41 =	vld [tilespmem:s28+$0x8690];
	v42 =	vshll.u32 v40, $0x10  }
0x165: {  	v25 =	vand.u32 $0xFFFF0000, v40;
	v35 =	vld [tilespmem:s28+$0x8680];
	v0 =	vadd.f32 v42, v0  }
0x166: {  	v1 =	vadd.f32 v25, v1;
	v44 =	vld [tilespmem:s28+$0x8650];
	v25 =	vshll.u32 v24, $0x10;
	v40 =	vand.u32 $0xFFFF0000, v24  }
0x167: {  	v42 =	vld [tilespmem:s28+$0x8630];
	v24 =	vshll.u32 v39, $0x10;
	v39 =	vand.u32 $0xFFFF0000, v39;
	v2 =	vadd.f32 v25, v2  }
0x168: {  	v25 =	vand.u32 $0xFFFF0000, v6;
	v3 =	vadd.f32 v24, v3;
	v4 =	vadd.f32 v39, v4  }
0x169: {  	v8 =	vadd.f32 v25, v8;
	v39 =	vshll.u32 v41, $0x10;
	v45 =	vand.u32 $0xFFFF0000, v41;
	v47 =	vld [tilespmem:s28+$0x86C0]  }
0x16a: {  	v48 =	vld [tilespmem:s28+$0x8640];
	v25 =	vshll.u32 v35, $0x10;
	v24 =	vand.u32 $0xFFFF0000, v35;
	v35 =	vshll.u32 v43, $0x10  }
0x16b: {  	v5 =	vadd.f32 v40, v5;
	v9 =	vadd.f32 v39, v9;
	v39 =	vand.u32 $0xFFFF0000, v43;
	v49 =	vld [tilespmem:s28+$0x86D0]  }
0x16c: {  	v43 =	vshll.u32 v38, $0x10;
	v10 =	vadd.f32 v35, v10;
	v40 =	vshll.u32 v42, $0x10  }
0x16d: {  	v38 =	vand.u32 $0xFFFF0000, v38;
	v11 =	vadd.f32 v39, v11;
	v35 =	vand.u32 $0xFFFF0000, v42;
	v41 =	vld [tilespmem:s28+$0x8600]  }
0x16e: {  	v39 =	vshll.u32 v44, $0x10;
	v12 =	vadd.f32 v43, v12;
	v42 =	vld [tilespmem:s28+$0x8610];
	v50 =	vshll.u32 v47, $0x10  }
.Ltmp6:
0x16f: {  	v43 =	vand.u32 $0xFFFF0000, v44;
	v47 =	vand.u32 $0xFFFF0000, v47;
	v46 =	vld [tilespmem:s28+$0x8620];
	v51 =	vshll.u32 v48, $0x10;
	(pc) =	sbr.rel @p0 .LBB2_13-.Ltmp6, $4  }
0x170: {  	v15 =	vadd.f32 v45, v15;
	v44 =	vand.u32 $0xFFFF0000, v48;
	v45 =	vshll.u32 v49, $0x10  }
0x171: {  	v19 =	vadd.f32 v39, v19;
	v39 =	vand.u32 $0xFFFF0000, v49;
	v13 =	vadd.f32 v45, v13  }
0x172: {  	v14 =	vadd.f32 v47, v14;
	v22 =	vadd.f32 v44, v22;
	v45 =	vand.u32 $0xFFFF0000, v41;
	v44 =	vld [tilespmem:s28+$0x8660]  }
0x173: {  	v16 =	vadd.f32 v50, v16;
	v23 =	vadd.f32 v51, v23;
	v47 =	vand.u32 $0xFFFF0000, v42  }
0x174: {  	[tilespmem:$0xAB70] =	vst v22  }
0x175: {  	[tilespmem:$0xAA70] =	vst v19  }
0x176: {  	[tilespmem:$0xABA0] =	vst v8  }
0x177: {  	[tilespmem:$0xAAB0] =	vst v9  }
0x178: {  	[tilespmem:$0xABC0] =	vst v15  }
0x179: {  	[tilespmem:$0xAAC0] =	vst v10  }
0x17a: {  	[tilespmem:$0xABD0] =	vst v11  }
0x17b: {  	[tilespmem:$0xAAD0] =	vst v12  }
0x17c: {  	[tilespmem:$0xABF0] =	vst v14  }
0x17d: {  	[tilespmem:$0xAAF0] =	vst v13  }
0x17e: {  	[tilespmem:$0xAB00] =	vst v3  }
0x17f: {  	[tilespmem:$0xAC10] =	vst v4  }
0x180: {  	[tilespmem:$0xAB10] =	vst v0  }
0x181: {  	[tilespmem:$0xAC20] =	vst v1  }
0x182: {  	[tilespmem:$0xAB20] =	vst v2  }
0x183: {  	[tilespmem:$0xAC30] =	vst v5  }
0x184: {  	v36 =	vadd.f32 v45, v36;
	[tilespmem:$0xAA60] =	vst v23  }
0x185: {  	v31 =	vadd.f32 v47, v31;
	[tilespmem:$0xAAE0] =	vst v16  }
0x186: {  	v28 =	vadd.f32 v40, v28;
	[tilespmem:$0xAB30] =	vst v36  }
0x187: {  	v56 =	vadd.f32 v35, v33;
	[tilespmem:$0xAB40] =	vst v31  }
0x188: {  	v7 =	vadd.f32 v43, v7;
	[tilespmem:$0xAA50] =	vst v28  }
0x189: {  	v60 =	vadd.f32 v25, v20;
	[tilespmem:$0xAB60] =	vst v56  }
0x18a: {  	v61 =	vadd.f32 v24, v21;
	[tilespmem:$0xAB80] =	vst v7  }
0x18b: {  	v62 =	vadd.f32 v38, v17;
	[tilespmem:$0xAAA0] =	vst v60  }
0x18c: {  	v41 =	vshll.u32 v41, $0x10;
	v63 =	vadd.f32 v39, v18;
	[tilespmem:$0xABB0] =	vst v61  }
0x18d: {  	v53 =	vshll.u32 v42, $0x10;
	v37 =	vadd.f32 v41, v37;
	[tilespmem:$0xABE0] =	vst v62  }
0x18e: {  	v54 =	vshll.u32 v46, $0x10;
	v34 =	vadd.f32 v53, v34;
	[tilespmem:$0xAC00] =	vst v63  }
0x18f: {  	v55 =	vand.u32 $0xFFFF0000, v46;
	v32 =	vadd.f32 v54, v32;
	[tilespmem:$0xAA20] =	vst v37  }
0x190: {  	v6 =	vshll.u32 v6, $0x10;
	s24 =	sadd.s32 $0x1, s24;
	v30 =	vadd.f32 v55, v30;
	[tilespmem:$0xAA30] =	vst v34  }
0x191: {  	v6 =	vadd.f32 v6, v27;
	p0 =	sne.s32 s24, $0x40;
	[tilespmem:$0xAA40] =	vst v32;
	v57 =	vshll.u32 v44, $0x10  }
.Ltmp7:
0x192: {  	s25 =	sadd.s32 s3, s25;
	[tilespmem:$0xAB50] =	vst v30;
	v58 =	vand.u32 $0xFFFF0000, v44;
	v23 =	vadd.f32 v57, v26;
	(pc) =	sbr.rel @p0 .LBB2_2-.Ltmp7, $4  }
0x193: {  	s25 =	smul.u32 $0x44, s25;
	[tilespmem:$0xAA90] =	vst v6;
	v59 =	vadd.f32 v58, v29  }
0x194: {  	[tilespmem:$0xAA80] =	vst v23  }
0x195: {  	s25 =	sadd.s32 s5, s25;
	[tilespmem:$0xAB90] =	vst v59  }
0x196: {  	[hbm4b:s25+s2] =	stream.linear.scatter [tilespmem:s19], [sflag:$0x6], $0x220, $0x38;
	[tilespmem:$0xAC40] =	vst v63  }
0x197: {  	s23 =	sadd.s32 $0x1, s23  }
0x198: {  	_ =	swait.ge [sflag:s21], $0x220;
	p0 =	sne.s32 s23, s7  }
.Ltmp8:
0x199: {  	[sflag:s21] =	ssyncset.done $0x0;
	(pc) =	sbr.rel @p0 .LBB2_1-.Ltmp8, $4  }
0x19a: {  	[sflag:s21] =	ssyncadd.s32 $0xFFFFFDE0  }
0x19b: {  	_ =	swait.ge [sflag:s18], $0x220  }
0x19c: {  	[sflag:s18] =	ssyncset.done $0x0  }
0x19d: {  	[sflag:s18] =	ssyncadd.s32 $0xFFFFFDE0  }
0x19e: {  	_ =	sfence.sel $0x180000  }
0x19f: {  	[bflag:$0x0] =	sbarrier.arrive $0xFFFF  }
0x1a0: {  	p0 =	sne.s32 s1, $0x0;
	_ =	strace $0x90000047  }
0x1a1: {  	s0 =	sadd.s32 @!p0 $0x100000, s0;
	[bflag:$0x2] =	sbarrier.arrive $0xFFFF  }
0x1a2: {  	[sflag:s0] =	ssyncadd.tile.s32 @!p0 $0x1;
	_ =	shalt  }
.Lfunc_end2:
_tile_overlayer_lowered:
.L_overlay_start_2:
0x1a3: {  	(tag) =	ssettag $0x2  }
0x1a4: {  	s0 =	rddreg [dreg:$0x0];
	s2 =	stileid.u32  }
0x1a5: {  	s1 =	rddreg [dreg:$0x1];
	p0 =	sne.s32 s2, $0x0  }
0x1a6: {  	s3 =	rddreg [dreg:$0x2];
	[bflag:$0x3] =	sbarrier.arrive $0xFFFF;
	s2 =	simm.s32 @!p0 $0x1C07  }
0x1a7: {  	[timem:s3], [sflag:s2] =	dma.local @!p0 [hbm:s0], s1  }
0x1a8: {  	s0 =	simm.s32 @!p0 $0x7  }
0x1a9: {  	_ =	swait.ge @!p0 [sflag:s0], s1  }
0x1aa: {  	s1 =	ssub.s32 @!p0 $0x0, s1;
	[sflag:s0] =	ssyncset.done @!p0 $0x0  }
0x1ab: {  	[sflag:s0] =	ssyncadd.s32 @!p0 s1  }
0x1ac: {  	[bflag:$0x3] =	sbarrier.arrive $0xFFFF  }
0x1ad: {  	_ =	shalt  }

</sc_bundles>
